<compile_context>
chip_gen: v7x
topology: tpu7x:2x2x1
jax: 0.10.2.dev20260603
libtpu: 0.0.44.dev20260713+nightly
codegen_flags: <defaults>
</compile_context>

<pallas_src>
import functools

import jax
import jax.numpy as jnp
from jax import lax
from jax.experimental import pallas as pl
from jax.experimental.pallas import tpu as pltpu
from jax.experimental.pallas import tpu_sc as plsc

H = 128
N = 20000
N_PAD = 20480
TILE = 4096
GRID = N_PAD // TILE
M = 256
MAX_SELECT = 256
ROWS2D = 8
COLS2D = N_PAD // ROWS2D
IDX_CHUNK = 128


def _sc_gather(table, idx):
    b = idx.shape[0]
    info = plsc.get_sparse_core_info()
    nc, ns = info.num_cores, info.num_subcores
    nw = nc * ns
    b_per_w = b // nw
    chunk = min(IDX_CHUNK, b_per_w)
    n_chunks = b_per_w // chunk
    mesh = plsc.VectorSubcoreMesh(core_axis_name="c", subcore_axis_name="s")

    @functools.partial(
        pl.kernel,
        mesh=mesh,
        out_type=jax.ShapeDtypeStruct((b, H), jnp.float32),
        scratch_types=[
            pltpu.VMEM((b_per_w,), jnp.int32),
            pltpu.VMEM((b_per_w, H), jnp.float32),
            pltpu.SemaphoreType.DMA,
        ],
    )
    def k(table_hbm, idx_hbm, out_hbm, idx_v, rows_v, sem):
        wid = lax.axis_index("s") * nc + lax.axis_index("c")
        base = wid * b_per_w
        pltpu.sync_copy(idx_hbm.at[pl.ds(base, b_per_w)], idx_v)
        handles = []
        for c in range(n_chunks):
            handles.append(
                pltpu.async_copy(
                    table_hbm.at[idx_v.at[pl.ds(c * chunk, chunk)]],
                    rows_v.at[pl.ds(c * chunk, chunk)],
                    sem,
                )
            )
        for h in handles:
            h.wait()
        pltpu.sync_copy(rows_v, out_hbm.at[pl.ds(base, b_per_w)])

    return k(table, idx)


K_PAD = 384


def _mlp_body(m_ref, p_ref, g_ref, xh_ref, xmid_ref, xl_ref, w1_ref,
              b1_ref, w2_ref, b2_ref, w3_ref, b3_ref, out_ref):
    f32 = jnp.float32
    mm = m_ref[0, 0, :]
    onehot = (mm[:, None] ==
              lax.broadcasted_iota(jnp.int32, (TILE, M), 1)).astype(f32)
    xm = (jnp.dot(onehot, xh_ref[...], preferred_element_type=f32)
          + jnp.dot(onehot, xmid_ref[...], preferred_element_type=f32)
          + jnp.dot(onehot, xl_ref[...], preferred_element_type=f32))
    pt = p_ref[0, 0, :]
    x = jnp.concatenate(
        [xm, g_ref[...], pt[:, None], jnp.zeros((TILE, K_PAD - 2 * H - 1), f32)],
        axis=1)
    pre = jnp.dot(x, w1_ref[...], preferred_element_type=f32) + b1_ref[...]
    h1 = jnp.where(pre >= 0, pre, 0.01 * pre)
    pre2 = jnp.dot(h1, w2_ref[...], preferred_element_type=f32) + b2_ref[...]
    h2 = jnp.where(pre2 >= 0, pre2, 0.01 * pre2)
    s = jnp.dot(h2, w3_ref[...], preferred_element_type=f32) + b3_ref[...]
    out_ref[0, 0, :] = s[:, 0]


def _mlp_scores(m3, p3, g, xh, xmid, xl, w1p, b1, w2, b2, w3, b3):
    grid = m3.shape[0]
    full = lambda shape: pl.BlockSpec(shape, lambda i: (0,) * len(shape))
    return pl.pallas_call(
        _mlp_body,
        grid=(grid,),
        in_specs=[
            pl.BlockSpec((1, 1, TILE), lambda i: (i, 0, 0)),
            pl.BlockSpec((1, 1, TILE), lambda i: (i, 0, 0)),
            pl.BlockSpec((TILE, H), lambda i: (i, 0)),
            full((M, H)), full((M, H)), full((M, H)), full((K_PAD, H)),
            full((1, H)), full((H, H)), full((1, H)), full((H, 1)),
            full((1, 1)),
        ],
        out_specs=pl.BlockSpec((1, 1, TILE), lambda i: (i, 0, 0)),
        out_shape=jax.ShapeDtypeStruct((grid, 1, TILE), jnp.float32),
    )(m3, p3, g, xh, xmid, xl, w1p, b1, w2, b2, w3, b3)


def _select_body(s_ref, job_ref, mach_ref, ms_ref, probs_ref, sel_ref):
    ridx = lax.broadcasted_iota(jnp.int32, (ROWS2D, COLS2D), 0)
    cidx = lax.broadcasted_iota(jnp.int32, (ROWS2D, COLS2D), 1)
    gidx = ridx * COLS2D + cidx
    neg = jnp.float32(-jnp.inf)
    s = jnp.where(gidx < N, s_ref[...], neg)
    mx = jnp.max(s)
    e = jnp.exp(s - mx)
    tot = jnp.sum(e)
    probs = e / tot
    probs_ref[...] = probs

    pg_m = (gidx << 8) | mach_ref[...]
    pg_j = (gidx << 13) | job_ref[...]
    ms = ms_ref[0, 0]
    sidx = (lax.broadcasted_iota(jnp.int32, (ROWS2D, 32), 0) * 32 +
            lax.broadcasted_iota(jnp.int32, (ROWS2D, 32), 1))
    big = jnp.int32(2**30)

    def body(i, carry):
        masked, sel = carry
        v = jnp.max(masked)
        found = (v > neg) & (i < ms)
        hit = masked == v
        a = jnp.min(jnp.where(hit, pg_m, big))
        b = jnp.min(jnp.where(hit, pg_j, big))
        idx = a >> 8
        m = a & 255
        j = b & 8191
        sel = jnp.where(found & (sidx == i), idx, sel)
        supp = ((pg_j & 8191) == j) | ((pg_m & 255) == m)
        masked = jnp.where(found & supp, neg, masked)
        return masked, sel

    masked0 = jnp.where(probs > 0.0, probs, neg)
    sel0 = jnp.full((ROWS2D, 32), -1, jnp.int32)
    _, sel = lax.fori_loop(0, MAX_SELECT, body, (masked0, sel0), unroll=8)
    sel_ref[...] = sel


def _select(s2, job2, m2, ms11):
    return pl.pallas_call(
        _select_body,
        out_shape=(
            jax.ShapeDtypeStruct((ROWS2D, COLS2D), jnp.float32),
            jax.ShapeDtypeStruct((ROWS2D, 32), jnp.int32),
        ),
    )(s2, job2, m2, ms11)


def kernel(x_m, x_op, m_ids, op_idxs, proc_times, job_ids, max_select,
           W1, b1, W2, b2, W3, b3):
    pad = N_PAD - N
    i32 = jnp.int32
    opi32 = op_idxs.astype(i32)

    m3 = jnp.concatenate([m_ids.astype(i32), jnp.zeros((pad,), i32)]
                         ).reshape(GRID, 1, TILE)
    p3 = jnp.concatenate([proc_times, jnp.zeros((pad,), jnp.float32)]
                         ).reshape(GRID, 1, TILE)
    w1p = jnp.concatenate([W1, jnp.zeros((K_PAD - 2 * H - 1, H), jnp.float32)])
    xh = x_m.astype(jnp.bfloat16).astype(jnp.float32)
    r1 = x_m - xh
    xmid = r1.astype(jnp.bfloat16).astype(jnp.float32)
    xl = r1 - xmid

    bounds = [0, 4096, 8192, 12288, 16384, 20480]
    parts = []
    for lo, hi_ in zip(bounds[:-1], bounds[1:]):
        glo, ghi = lo // TILE, hi_ // TILE
        if hi_ <= N:
            idx_part = opi32[lo:hi_]
        else:
            idx_part = jnp.concatenate([opi32[lo:], jnp.zeros((pad,), i32)])
        g_p = _sc_gather(x_op, idx_part)
        parts.append(_mlp_scores(m3[glo:ghi], p3[glo:ghi], g_p, xh, xmid, xl,
                                 w1p, b1.reshape(1, H), W2, b2.reshape(1, H),
                                 W3, b3.reshape(1, 1)))

    s2 = jnp.concatenate(parts).reshape(ROWS2D, COLS2D)
    job2 = jnp.concatenate([job_ids.astype(i32), jnp.zeros((pad,), i32)]
                           ).reshape(ROWS2D, COLS2D)
    m2 = m3.reshape(ROWS2D, COLS2D)
    ms11 = jnp.asarray(max_select, i32).reshape(1, 1)
    probs2, sel2 = _select(s2, job2, m2, ms11)
    probs = probs2.reshape(N_PAD)[:N]
    selected = sel2.reshape(MAX_SELECT)
    return probs, selected

# --- scband reference (transcript-rebuilt; emitter-appended) ---
"""Pipeline reference for scband-reinforce-7069516169862 (READ-ONLY COPY).

The authoritative reference and input builder live on the scoring server;
editing this copy changes nothing except your own understanding.
"""

import jax, jax.numpy as jnp
import numpy as np

H = 128


def _kaiming(key, shape):
    # torch kaiming_normal_(mode='fan_out', nonlinearity='leaky_relu', a=0) -> std = sqrt(2/fan_out)
    fan_out = shape[1]
    return jax.random.normal(key, shape, dtype=jnp.float32) * np.sqrt(2.0 / fan_out)


def setup_inputs(seed: int = 0) -> dict:
    key = jax.random.key(seed)
    ks = jax.random.split(key, 10)
    M, NOPS, N, NJOBS = 256, 50000, 20000, 5000
    x_m = jax.random.normal(ks[0], (M, H), dtype=jnp.float32)
    x_op = jax.random.normal(ks[1], (NOPS, H), dtype=jnp.float32)
    m_ids = jax.random.randint(ks[2], (N,), 0, M)
    op_idxs = jax.random.randint(ks[3], (N,), 0, NOPS)
    proc_times = jax.random.uniform(ks[4], (N,), dtype=jnp.float32)
    job_ids = jax.random.randint(ks[5], (N,), 0, NJOBS)
    W1 = _kaiming(ks[6], (2 * H + 1, H))
    b1 = jnp.zeros((H,), dtype=jnp.float32)
    W2 = _kaiming(ks[7], (H, H))
    b2 = jnp.zeros((H,), dtype=jnp.float32)
    W3 = _kaiming(ks[8], (H, 1))
    b3 = jnp.zeros((1,), dtype=jnp.float32)
    return {"x_m": x_m, "x_op": x_op, "m_ids": m_ids, "op_idxs": op_idxs,
            "proc_times": proc_times, "job_ids": job_ids, "max_select": 256,
            "W1": W1, "b1": b1, "W2": W2, "b2": b2, "W3": W3, "b3": b3}


def reference(x_m, x_op, m_ids, op_idxs, proc_times, job_ids, max_select,
              W1, b1, W2, b2, W3, b3):
    # mode != 0 tensorized branch of REINFORCE.forward with greedy=True scheduling:
    # score candidates via policy MLP, softmax over all candidates, then
    # greedy argmax selection with job-id / machine-id suppression (NMS-style).
    max_process_time = 1.0
    pt = (proc_times / max_process_time)[:, None]
    m_feats = jnp.take(x_m, m_ids, axis=0)
    op_feats = jnp.take(x_op, op_idxs, axis=0)
    score = jnp.concatenate([m_feats, op_feats, pt], axis=1)
    score = jax.nn.leaky_relu(score @ W1 + b1, negative_slope=0.01)
    score = jax.nn.leaky_relu(score @ W2 + b2, negative_slope=0.01)
    score = (score @ W3 + b3)[:, 0]
    probs = jax.nn.softmax(score, axis=0)

    alpha = 0.0
    valid0 = probs > alpha
    NEG = jnp.float32(-jnp.inf)
    MAX_SELECT = 256
    selected0 = jnp.full((MAX_SELECT,), -1, dtype=jnp.int32)

    def body(i, state):
        valid, selected = state
        masked = jnp.where(valid, probs, NEG)
        idx = jnp.argmax(masked)
        ok = jnp.any(valid) & (i < max_select)
        selected = selected.at[i].set(jnp.where(ok, idx.astype(jnp.int32), -1))
        j = job_ids[idx]
        m = m_ids[idx]
        supp = (job_ids != j) & (m_ids != m)
        valid = jnp.where(ok, valid & supp, valid)
        return (valid, selected)

    valid, selected = jax.lax.fori_loop(0, MAX_SELECT, body, (valid0, selected0))
    return probs, selected

if __name__ == "__main__":
    import jax
    _d = setup_inputs()
    print(jax.jit(kernel)(*tuple(_d.values())))

</pallas_src>

<mosaic_0001>
#map = affine_map<(d0, d1) -> (0, 0)>
#map1 = affine_map<(d0, d1) -> (0)>
module attributes {stable_mosaic.version = 14 : i64} {
  func.func @k(%arg0: i32, %arg1: i32, %arg2: memref<50000x128xf32, #tpu.memory_space<hbm>>, %arg3: memref<4096xi32, #tpu.memory_space<hbm>>, %arg4: memref<4096x128xf32, #tpu.memory_space<hbm>>, %arg5: memref<128xi32, #tpu.memory_space<vmem>>, %arg6: memref<128x128xf32, #tpu.memory_space<vmem>>, %arg7: memref<!tpu.dma_semaphore, #tpu.memory_space<semaphore_mem>>) attributes {dimension_semantics = [#tpu.dimension_semantics<core_parallel>, #tpu.dimension_semantics<subcore_parallel>], iteration_bounds = array<i64: 2, 16>, scalar_prefetch = 0 : i64, scratch_operands = 3 : i64, tpu.core_type = #tpu.core_type<sc_vector_subcore>, window_params = [{transform_indices = #map}, {transform_indices = #map1}, {transform_indices = #map}]} {
    %mul3A = arith.constant 2 : i32
    %mul3A_0 = arith.muli %arg1, %mul3A : i32
    %add3A = arith.addi %mul3A_0, %arg0 : i32
    %mul3A_1 = arith.constant 128 : i32
    %mul3A_2 = arith.muli %add3A, %mul3A_1 : i32
    "tpu.region"() ({
      %run_scoped3A = tpu.sem_alloc : memref<!tpu.dma_semaphore, #tpu.memory_space<semaphore_mem>>
      %dma_start3A_17 = tpu.memref_slice %arg3[%mul3A_2] : memref<4096xi32, #tpu.memory_space<hbm>> -> memref<128xi32, #tpu.memory_space<hbm>>
      %dma_start3A_18 = tpu.memref_slice %arg3[%mul3A_2] : memref<4096xi32, #tpu.memory_space<hbm>> -> memref<128xi32, #tpu.memory_space<hbm>>
      tpu.enqueue_dma source(%dma_start3A_18 : memref<128xi32, #tpu.memory_space<hbm>>) target(%arg5 : memref<128xi32, #tpu.memory_space<vmem>>) target_semaphore(%run_scoped3A : memref<!tpu.dma_semaphore, #tpu.memory_space<semaphore_mem>>)
      %dma_wait3A_19 = tpu.memref_slice %arg3[%mul3A_2] : memref<4096xi32, #tpu.memory_space<hbm>> -> memref<128xi32, #tpu.memory_space<hbm>>
      %dma_wait3A_20 = tpu.memref_slice %arg3[%mul3A_2] : memref<4096xi32, #tpu.memory_space<hbm>> -> memref<128xi32, #tpu.memory_space<hbm>>
      tpu.wait_dma2 semaphore(%run_scoped3A : memref<!tpu.dma_semaphore, #tpu.memory_space<semaphore_mem>>) src(%dma_wait3A_20 : memref<128xi32, #tpu.memory_space<hbm>>) dst(%arg5 : memref<128xi32, #tpu.memory_space<vmem>>)
      tpu.yield
    }) : () -> ()
    %dma_start3A = arith.constant 0 : i32
    %dma_start3A_3 = arith.constant 0 : i32
    %dma_start3A_4 = tpu.memref_slice %arg6[%dma_start3A, %dma_start3A_3] : memref<128x128xf32, #tpu.memory_space<vmem>> -> memref<128x128xf32, #tpu.memory_space<vmem>>
    %dma_start3A_5 = arith.constant 0 : i32
    %dma_start3A_6 = tpu.memref_slice %arg5[%dma_start3A_5] : memref<128xi32, #tpu.memory_space<vmem>> -> memref<128xi32, #tpu.memory_space<vmem>>
    %dma_start3A_7 = arith.constant 0 : i32
    %dma_start3A_8 = arith.constant 0 : i32
    %dma_start3A_9 = tpu.memref_slice %arg2[%dma_start3A_7, %dma_start3A_8] : memref<50000x128xf32, #tpu.memory_space<hbm>> -> memref<50000x128xf32, #tpu.memory_space<hbm>>
    tpu.enqueue_indirect_dma source(%dma_start3A_9 : memref<50000x128xf32, #tpu.memory_space<hbm>>) target(%dma_start3A_4 : memref<128x128xf32, #tpu.memory_space<vmem>>) offsets(%dma_start3A_6 : memref<128xi32, #tpu.memory_space<vmem>>) semaphore(%arg7 : memref<!tpu.dma_semaphore, #tpu.memory_space<semaphore_mem>>)
    %dma_wait3A = arith.constant 0 : i32
    %dma_wait3A_10 = arith.constant 0 : i32
    %dma_wait3A_11 = tpu.memref_slice %arg6[%dma_wait3A, %dma_wait3A_10] : memref<128x128xf32, #tpu.memory_space<vmem>> -> memref<128x128xf32, #tpu.memory_space<vmem>>
    %dma_wait3A_12 = arith.constant 0 : i32
    %dma_wait3A_13 = tpu.memref_slice %arg5[%dma_wait3A_12] : memref<128xi32, #tpu.memory_space<vmem>> -> memref<128xi32, #tpu.memory_space<vmem>>
    %dma_wait3A_14 = arith.constant 0 : i32
    %dma_wait3A_15 = arith.constant 0 : i32
    %dma_wait3A_16 = tpu.memref_slice %arg2[%dma_wait3A_14, %dma_wait3A_15] : memref<50000x128xf32, #tpu.memory_space<hbm>> -> memref<50000x128xf32, #tpu.memory_space<hbm>>
    tpu.wait_indirect_dma semaphore(%arg7 : memref<!tpu.dma_semaphore, #tpu.memory_space<semaphore_mem>>) src(%dma_wait3A_16 : memref<50000x128xf32, #tpu.memory_space<hbm>>) dst(%dma_wait3A_11 : memref<128x128xf32, #tpu.memory_space<vmem>>)
    "tpu.region"() ({
      %run_scoped3A = tpu.sem_alloc : memref<!tpu.dma_semaphore, #tpu.memory_space<semaphore_mem>>
      %dma_start3A_17 = arith.constant 0 : i32
      %dma_start3A_18 = tpu.memref_slice %arg4[%mul3A_2, %dma_start3A_17] : memref<4096x128xf32, #tpu.memory_space<hbm>> -> memref<128x128xf32, #tpu.memory_space<hbm>>
      %dma_start3A_19 = arith.constant 0 : i32
      %dma_start3A_20 = tpu.memref_slice %arg4[%mul3A_2, %dma_start3A_19] : memref<4096x128xf32, #tpu.memory_space<hbm>> -> memref<128x128xf32, #tpu.memory_space<hbm>>
      tpu.enqueue_dma source(%arg6 : memref<128x128xf32, #tpu.memory_space<vmem>>) target(%dma_start3A_20 : memref<128x128xf32, #tpu.memory_space<hbm>>) target_semaphore(%run_scoped3A : memref<!tpu.dma_semaphore, #tpu.memory_space<semaphore_mem>>)
      %dma_wait3A_21 = arith.constant 0 : i32
      %dma_wait3A_22 = tpu.memref_slice %arg4[%mul3A_2, %dma_wait3A_21] : memref<4096x128xf32, #tpu.memory_space<hbm>> -> memref<128x128xf32, #tpu.memory_space<hbm>>
      %dma_wait3A_23 = arith.constant 0 : i32
      %dma_wait3A_24 = tpu.memref_slice %arg4[%mul3A_2, %dma_wait3A_23] : memref<4096x128xf32, #tpu.memory_space<hbm>> -> memref<128x128xf32, #tpu.memory_space<hbm>>
      tpu.wait_dma2 semaphore(%run_scoped3A : memref<!tpu.dma_semaphore, #tpu.memory_space<semaphore_mem>>) src(%arg6 : memref<128x128xf32, #tpu.memory_space<vmem>>) dst(%dma_wait3A_24 : memref<128x128xf32, #tpu.memory_space<hbm>>)
      tpu.yield
    }) : () -> ()
    return
  }
}

#map = affine_map<(d0, d1) -> (0, 0)>
#map1 = affine_map<(d0, d1) -> (0)>
module attributes {stable_mosaic.version = 14 : i64} {
  func.func @k(%arg0: i32, %arg1: i32, %arg2: memref<50000x128xf32, #tpu.memory_space<hbm>>, %arg3: memref<4096xi32, #tpu.memory_space<hbm>>, %arg4: memref<4096x128xf32, #tpu.memory_space<hbm>>, %arg5: memref<128xi32, #tpu.memory_space<vmem>>, %arg6: memref<128x128xf32, #tpu.memory_space<vmem>>, %arg7: memref<!tpu.dma_semaphore, #tpu.memory_space<semaphore_mem>>) attributes {dimension_semantics = [#tpu.dimension_semantics<core_parallel>, #tpu.dimension_semantics<subcore_parallel>], iteration_bounds = array<i64: 2, 16>, scalar_prefetch = 0 : i64, scratch_operands = 3 : i64, tpu.core_type = #tpu.core_type<sc_vector_subcore>, window_params = [{transform_indices = #map}, {transform_indices = #map1}, {transform_indices = #map}]} {
    %mul3A = arith.constant 2 : i32
    %mul3A_0 = arith.muli %arg1, %mul3A : i32
    %add3A = arith.addi %mul3A_0, %arg0 : i32
    %mul3A_1 = arith.constant 128 : i32
    %mul3A_2 = arith.muli %add3A, %mul3A_1 : i32
    "tpu.region"() ({
      %run_scoped3A = tpu.sem_alloc : memref<!tpu.dma_semaphore, #tpu.memory_space<semaphore_mem>>
      %dma_start3A_17 = tpu.memref_slice %arg3[%mul3A_2] : memref<4096xi32, #tpu.memory_space<hbm>> -> memref<128xi32, #tpu.memory_space<hbm>>
      %dma_start3A_18 = tpu.memref_slice %arg3[%mul3A_2] : memref<4096xi32, #tpu.memory_space<hbm>> -> memref<128xi32, #tpu.memory_space<hbm>>
      tpu.enqueue_dma source(%dma_start3A_18 : memref<128xi32, #tpu.memory_space<hbm>>) target(%arg5 : memref<128xi32, #tpu.memory_space<vmem>>) target_semaphore(%run_scoped3A : memref<!tpu.dma_semaphore, #tpu.memory_space<semaphore_mem>>)
      %dma_wait3A_19 = tpu.memref_slice %arg3[%mul3A_2] : memref<4096xi32, #tpu.memory_space<hbm>> -> memref<128xi32, #tpu.memory_space<hbm>>
      %dma_wait3A_20 = tpu.memref_slice %arg3[%mul3A_2] : memref<4096xi32, #tpu.memory_space<hbm>> -> memref<128xi32, #tpu.memory_space<hbm>>
      tpu.wait_dma2 semaphore(%run_scoped3A : memref<!tpu.dma_semaphore, #tpu.memory_space<semaphore_mem>>) src(%dma_wait3A_20 : memref<128xi32, #tpu.memory_space<hbm>>) dst(%arg5 : memref<128xi32, #tpu.memory_space<vmem>>)
      tpu.yield
    }) : () -> ()
    %dma_start3A = arith.constant 0 : i32
    %dma_start3A_3 = arith.constant 0 : i32
    %dma_start3A_4 = tpu.memref_slice %arg6[%dma_start3A, %dma_start3A_3] : memref<128x128xf32, #tpu.memory_space<vmem>> -> memref<128x128xf32, #tpu.memory_space<vmem>>
    %dma_start3A_5 = arith.constant 0 : i32
    %dma_start3A_6 = tpu.memref_slice %arg5[%dma_start3A_5] : memref<128xi32, #tpu.memory_space<vmem>> -> memref<128xi32, #tpu.memory_space<vmem>>
    %dma_start3A_7 = arith.constant 0 : i32
    %dma_start3A_8 = arith.constant 0 : i32
    %dma_start3A_9 = tpu.memref_slice %arg2[%dma_start3A_7, %dma_start3A_8] : memref<50000x128xf32, #tpu.memory_space<hbm>> -> memref<50000x128xf32, #tpu.memory_space<hbm>>
    tpu.enqueue_indirect_dma source(%dma_start3A_9 : memref<50000x128xf32, #tpu.memory_space<hbm>>) target(%dma_start3A_4 : memref<128x128xf32, #tpu.memory_space<vmem>>) offsets(%dma_start3A_6 : memref<128xi32, #tpu.memory_space<vmem>>) semaphore(%arg7 : memref<!tpu.dma_semaphore, #tpu.memory_space<semaphore_mem>>)
    %dma_wait3A = arith.constant 0 : i32
    %dma_wait3A_10 = arith.constant 0 : i32
    %dma_wait3A_11 = tpu.memref_slice %arg6[%dma_wait3A, %dma_wait3A_10] : memref<128x128xf32, #tpu.memory_space<vmem>> -> memref<128x128xf32, #tpu.memory_space<vmem>>
    %dma_wait3A_12 = arith.constant 0 : i32
    %dma_wait3A_13 = tpu.memref_slice %arg5[%dma_wait3A_12] : memref<128xi32, #tpu.memory_space<vmem>> -> memref<128xi32, #tpu.memory_space<vmem>>
    %dma_wait3A_14 = arith.constant 0 : i32
    %dma_wait3A_15 = arith.constant 0 : i32
    %dma_wait3A_16 = tpu.memref_slice %arg2[%dma_wait3A_14, %dma_wait3A_15] : memref<50000x128xf32, #tpu.memory_space<hbm>> -> memref<50000x128xf32, #tpu.memory_space<hbm>>
    tpu.wait_indirect_dma semaphore(%arg7 : memref<!tpu.dma_semaphore, #tpu.memory_space<semaphore_mem>>) src(%dma_wait3A_16 : memref<50000x128xf32, #tpu.memory_space<hbm>>) dst(%dma_wait3A_11 : memref<128x128xf32, #tpu.memory_space<vmem>>)
    "tpu.region"() ({
      %run_scoped3A = tpu.sem_alloc : memref<!tpu.dma_semaphore, #tpu.memory_space<semaphore_mem>>
      %dma_start3A_17 = arith.constant 0 : i32
      %dma_start3A_18 = tpu.memref_slice %arg4[%mul3A_2, %dma_start3A_17] : memref<4096x128xf32, #tpu.memory_space<hbm>> -> memref<128x128xf32, #tpu.memory_space<hbm>>
      %dma_start3A_19 = arith.constant 0 : i32
      %dma_start3A_20 = tpu.memref_slice %arg4[%mul3A_2, %dma_start3A_19] : memref<4096x128xf32, #tpu.memory_space<hbm>> -> memref<128x128xf32, #tpu.memory_space<hbm>>
      tpu.enqueue_dma source(%arg6 : memref<128x128xf32, #tpu.memory_space<vmem>>) target(%dma_start3A_20 : memref<128x128xf32, #tpu.memory_space<hbm>>) target_semaphore(%run_scoped3A : memref<!tpu.dma_semaphore, #tpu.memory_space<semaphore_mem>>)
      %dma_wait3A_21 = arith.constant 0 : i32
      %dma_wait3A_22 = tpu.memref_slice %arg4[%mul3A_2, %dma_wait3A_21] : memref<4096x128xf32, #tpu.memory_space<hbm>> -> memref<128x128xf32, #tpu.memory_space<hbm>>
      %dma_wait3A_23 = arith.constant 0 : i32
      %dma_wait3A_24 = tpu.memref_slice %arg4[%mul3A_2, %dma_wait3A_23] : memref<4096x128xf32, #tpu.memory_space<hbm>> -> memref<128x128xf32, #tpu.memory_space<hbm>>
      tpu.wait_dma2 semaphore(%run_scoped3A : memref<!tpu.dma_semaphore, #tpu.memory_space<semaphore_mem>>) src(%arg6 : memref<128x128xf32, #tpu.memory_space<vmem>>) dst(%dma_wait3A_24 : memref<128x128xf32, #tpu.memory_space<hbm>>)
      tpu.yield
    }) : () -> ()
    return
  }
}

#map = affine_map<(d0, d1) -> (0, 0)>
#map1 = affine_map<(d0, d1) -> (0)>
module attributes {stable_mosaic.version = 14 : i64} {
  func.func @k(%arg0: i32, %arg1: i32, %arg2: memref<50000x128xf32, #tpu.memory_space<hbm>>, %arg3: memref<4096xi32, #tpu.memory_space<hbm>>, %arg4: memref<4096x128xf32, #tpu.memory_space<hbm>>, %arg5: memref<128xi32, #tpu.memory_space<vmem>>, %arg6: memref<128x128xf32, #tpu.memory_space<vmem>>, %arg7: memref<!tpu.dma_semaphore, #tpu.memory_space<semaphore_mem>>) attributes {dimension_semantics = [#tpu.dimension_semantics<core_parallel>, #tpu.dimension_semantics<subcore_parallel>], iteration_bounds = array<i64: 2, 16>, scalar_prefetch = 0 : i64, scratch_operands = 3 : i64, tpu.core_type = #tpu.core_type<sc_vector_subcore>, window_params = [{transform_indices = #map}, {transform_indices = #map1}, {transform_indices = #map}]} {
    %mul3A = arith.constant 2 : i32
    %mul3A_0 = arith.muli %arg1, %mul3A : i32
    %add3A = arith.addi %mul3A_0, %arg0 : i32
    %mul3A_1 = arith.constant 128 : i32
    %mul3A_2 = arith.muli %add3A, %mul3A_1 : i32
    "tpu.region"() ({
      %run_scoped3A = tpu.sem_alloc : memref<!tpu.dma_semaphore, #tpu.memory_space<semaphore_mem>>
      %dma_start3A_17 = tpu.memref_slice %arg3[%mul3A_2] : memref<4096xi32, #tpu.memory_space<hbm>> -> memref<128xi32, #tpu.memory_space<hbm>>
      %dma_start3A_18 = tpu.memref_slice %arg3[%mul3A_2] : memref<4096xi32, #tpu.memory_space<hbm>> -> memref<128xi32, #tpu.memory_space<hbm>>
      tpu.enqueue_dma source(%dma_start3A_18 : memref<128xi32, #tpu.memory_space<hbm>>) target(%arg5 : memref<128xi32, #tpu.memory_space<vmem>>) target_semaphore(%run_scoped3A : memref<!tpu.dma_semaphore, #tpu.memory_space<semaphore_mem>>)
      %dma_wait3A_19 = tpu.memref_slice %arg3[%mul3A_2] : memref<4096xi32, #tpu.memory_space<hbm>> -> memref<128xi32, #tpu.memory_space<hbm>>
      %dma_wait3A_20 = tpu.memref_slice %arg3[%mul3A_2] : memref<4096xi32, #tpu.memory_space<hbm>> -> memref<128xi32, #tpu.memory_space<hbm>>
      tpu.wait_dma2 semaphore(%run_scoped3A : memref<!tpu.dma_semaphore, #tpu.memory_space<semaphore_mem>>) src(%dma_wait3A_20 : memref<128xi32, #tpu.memory_space<hbm>>) dst(%arg5 : memref<128xi32, #tpu.memory_space<vmem>>)
      tpu.yield
    }) : () -> ()
    %dma_start3A = arith.constant 0 : i32
    %dma_start3A_3 = arith.constant 0 : i32
    %dma_start3A_4 = tpu.memref_slice %arg6[%dma_start3A, %dma_start3A_3] : memref<128x128xf32, #tpu.memory_space<vmem>> -> memref<128x128xf32, #tpu.memory_space<vmem>>
    %dma_start3A_5 = arith.constant 0 : i32
    %dma_start3A_6 = tpu.memref_slice %arg5[%dma_start3A_5] : memref<128xi32, #tpu.memory_space<vmem>> -> memref<128xi32, #tpu.memory_space<vmem>>
    %dma_start3A_7 = arith.constant 0 : i32
    %dma_start3A_8 = arith.constant 0 : i32
    %dma_start3A_9 = tpu.memref_slice %arg2[%dma_start3A_7, %dma_start3A_8] : memref<50000x128xf32, #tpu.memory_space<hbm>> -> memref<50000x128xf32, #tpu.memory_space<hbm>>
    tpu.enqueue_indirect_dma source(%dma_start3A_9 : memref<50000x128xf32, #tpu.memory_space<hbm>>) target(%dma_start3A_4 : memref<128x128xf32, #tpu.memory_space<vmem>>) offsets(%dma_start3A_6 : memref<128xi32, #tpu.memory_space<vmem>>) semaphore(%arg7 : memref<!tpu.dma_semaphore, #tpu.memory_space<semaphore_mem>>)
    %dma_wait3A = arith.constant 0 : i32
    %dma_wait3A_10 = arith.constant 0 : i32
    %dma_wait3A_11 = tpu.memref_slice %arg6[%dma_wait3A, %dma_wait3A_10] : memref<128x128xf32, #tpu.memory_space<vmem>> -> memref<128x128xf32, #tpu.memory_space<vmem>>
    %dma_wait3A_12 = arith.constant 0 : i32
    %dma_wait3A_13 = tpu.memref_slice %arg5[%dma_wait3A_12] : memref<128xi32, #tpu.memory_space<vmem>> -> memref<128xi32, #tpu.memory_space<vmem>>
    %dma_wait3A_14 = arith.constant 0 : i32
    %dma_wait3A_15 = arith.constant 0 : i32
    %dma_wait3A_16 = tpu.memref_slice %arg2[%dma_wait3A_14, %dma_wait3A_15] : memref<50000x128xf32, #tpu.memory_space<hbm>> -> memref<50000x128xf32, #tpu.memory_space<hbm>>
    tpu.wait_indirect_dma semaphore(%arg7 : memref<!tpu.dma_semaphore, #tpu.memory_space<semaphore_mem>>) src(%dma_wait3A_16 : memref<50000x128xf32, #tpu.memory_space<hbm>>) dst(%dma_wait3A_11 : memref<128x128xf32, #tpu.memory_space<vmem>>)
    "tpu.region"() ({
      %run_scoped3A = tpu.sem_alloc : memref<!tpu.dma_semaphore, #tpu.memory_space<semaphore_mem>>
      %dma_start3A_17 = arith.constant 0 : i32
      %dma_start3A_18 = tpu.memref_slice %arg4[%mul3A_2, %dma_start3A_17] : memref<4096x128xf32, #tpu.memory_space<hbm>> -> memref<128x128xf32, #tpu.memory_space<hbm>>
      %dma_start3A_19 = arith.constant 0 : i32
      %dma_start3A_20 = tpu.memref_slice %arg4[%mul3A_2, %dma_start3A_19] : memref<4096x128xf32, #tpu.memory_space<hbm>> -> memref<128x128xf32, #tpu.memory_space<hbm>>
      tpu.enqueue_dma source(%arg6 : memref<128x128xf32, #tpu.memory_space<vmem>>) target(%dma_start3A_20 : memref<128x128xf32, #tpu.memory_space<hbm>>) target_semaphore(%run_scoped3A : memref<!tpu.dma_semaphore, #tpu.memory_space<semaphore_mem>>)
      %dma_wait3A_21 = arith.constant 0 : i32
      %dma_wait3A_22 = tpu.memref_slice %arg4[%mul3A_2, %dma_wait3A_21] : memref<4096x128xf32, #tpu.memory_space<hbm>> -> memref<128x128xf32, #tpu.memory_space<hbm>>
      %dma_wait3A_23 = arith.constant 0 : i32
      %dma_wait3A_24 = tpu.memref_slice %arg4[%mul3A_2, %dma_wait3A_23] : memref<4096x128xf32, #tpu.memory_space<hbm>> -> memref<128x128xf32, #tpu.memory_space<hbm>>
      tpu.wait_dma2 semaphore(%run_scoped3A : memref<!tpu.dma_semaphore, #tpu.memory_space<semaphore_mem>>) src(%arg6 : memref<128x128xf32, #tpu.memory_space<vmem>>) dst(%dma_wait3A_24 : memref<128x128xf32, #tpu.memory_space<hbm>>)
      tpu.yield
    }) : () -> ()
    return
  }
}

#map = affine_map<(d0, d1) -> (0, 0)>
#map1 = affine_map<(d0, d1) -> (0)>
module attributes {stable_mosaic.version = 14 : i64} {
  func.func @k(%arg0: i32, %arg1: i32, %arg2: memref<50000x128xf32, #tpu.memory_space<hbm>>, %arg3: memref<4096xi32, #tpu.memory_space<hbm>>, %arg4: memref<4096x128xf32, #tpu.memory_space<hbm>>, %arg5: memref<128xi32, #tpu.memory_space<vmem>>, %arg6: memref<128x128xf32, #tpu.memory_space<vmem>>, %arg7: memref<!tpu.dma_semaphore, #tpu.memory_space<semaphore_mem>>) attributes {dimension_semantics = [#tpu.dimension_semantics<core_parallel>, #tpu.dimension_semantics<subcore_parallel>], iteration_bounds = array<i64: 2, 16>, scalar_prefetch = 0 : i64, scratch_operands = 3 : i64, tpu.core_type = #tpu.core_type<sc_vector_subcore>, window_params = [{transform_indices = #map}, {transform_indices = #map1}, {transform_indices = #map}]} {
    %mul3A = arith.constant 2 : i32
    %mul3A_0 = arith.muli %arg1, %mul3A : i32
    %add3A = arith.addi %mul3A_0, %arg0 : i32
    %mul3A_1 = arith.constant 128 : i32
    %mul3A_2 = arith.muli %add3A, %mul3A_1 : i32
    "tpu.region"() ({
      %run_scoped3A = tpu.sem_alloc : memref<!tpu.dma_semaphore, #tpu.memory_space<semaphore_mem>>
      %dma_start3A_17 = tpu.memref_slice %arg3[%mul3A_2] : memref<4096xi32, #tpu.memory_space<hbm>> -> memref<128xi32, #tpu.memory_space<hbm>>
      %dma_start3A_18 = tpu.memref_slice %arg3[%mul3A_2] : memref<4096xi32, #tpu.memory_space<hbm>> -> memref<128xi32, #tpu.memory_space<hbm>>
      tpu.enqueue_dma source(%dma_start3A_18 : memref<128xi32, #tpu.memory_space<hbm>>) target(%arg5 : memref<128xi32, #tpu.memory_space<vmem>>) target_semaphore(%run_scoped3A : memref<!tpu.dma_semaphore, #tpu.memory_space<semaphore_mem>>)
      %dma_wait3A_19 = tpu.memref_slice %arg3[%mul3A_2] : memref<4096xi32, #tpu.memory_space<hbm>> -> memref<128xi32, #tpu.memory_space<hbm>>
      %dma_wait3A_20 = tpu.memref_slice %arg3[%mul3A_2] : memref<4096xi32, #tpu.memory_space<hbm>> -> memref<128xi32, #tpu.memory_space<hbm>>
      tpu.wait_dma2 semaphore(%run_scoped3A : memref<!tpu.dma_semaphore, #tpu.memory_space<semaphore_mem>>) src(%dma_wait3A_20 : memref<128xi32, #tpu.memory_space<hbm>>) dst(%arg5 : memref<128xi32, #tpu.memory_space<vmem>>)
      tpu.yield
    }) : () -> ()
    %dma_start3A = arith.constant 0 : i32
    %dma_start3A_3 = arith.constant 0 : i32
    %dma_start3A_4 = tpu.memref_slice %arg6[%dma_start3A, %dma_start3A_3] : memref<128x128xf32, #tpu.memory_space<vmem>> -> memref<128x128xf32, #tpu.memory_space<vmem>>
    %dma_start3A_5 = arith.constant 0 : i32
    %dma_start3A_6 = tpu.memref_slice %arg5[%dma_start3A_5] : memref<128xi32, #tpu.memory_space<vmem>> -> memref<128xi32, #tpu.memory_space<vmem>>
    %dma_start3A_7 = arith.constant 0 : i32
    %dma_start3A_8 = arith.constant 0 : i32
    %dma_start3A_9 = tpu.memref_slice %arg2[%dma_start3A_7, %dma_start3A_8] : memref<50000x128xf32, #tpu.memory_space<hbm>> -> memref<50000x128xf32, #tpu.memory_space<hbm>>
    tpu.enqueue_indirect_dma source(%dma_start3A_9 : memref<50000x128xf32, #tpu.memory_space<hbm>>) target(%dma_start3A_4 : memref<128x128xf32, #tpu.memory_space<vmem>>) offsets(%dma_start3A_6 : memref<128xi32, #tpu.memory_space<vmem>>) semaphore(%arg7 : memref<!tpu.dma_semaphore, #tpu.memory_space<semaphore_mem>>)
    %dma_wait3A = arith.constant 0 : i32
    %dma_wait3A_10 = arith.constant 0 : i32
    %dma_wait3A_11 = tpu.memref_slice %arg6[%dma_wait3A, %dma_wait3A_10] : memref<128x128xf32, #tpu.memory_space<vmem>> -> memref<128x128xf32, #tpu.memory_space<vmem>>
    %dma_wait3A_12 = arith.constant 0 : i32
    %dma_wait3A_13 = tpu.memref_slice %arg5[%dma_wait3A_12] : memref<128xi32, #tpu.memory_space<vmem>> -> memref<128xi32, #tpu.memory_space<vmem>>
    %dma_wait3A_14 = arith.constant 0 : i32
    %dma_wait3A_15 = arith.constant 0 : i32
    %dma_wait3A_16 = tpu.memref_slice %arg2[%dma_wait3A_14, %dma_wait3A_15] : memref<50000x128xf32, #tpu.memory_space<hbm>> -> memref<50000x128xf32, #tpu.memory_space<hbm>>
    tpu.wait_indirect_dma semaphore(%arg7 : memref<!tpu.dma_semaphore, #tpu.memory_space<semaphore_mem>>) src(%dma_wait3A_16 : memref<50000x128xf32, #tpu.memory_space<hbm>>) dst(%dma_wait3A_11 : memref<128x128xf32, #tpu.memory_space<vmem>>)
    "tpu.region"() ({
      %run_scoped3A = tpu.sem_alloc : memref<!tpu.dma_semaphore, #tpu.memory_space<semaphore_mem>>
      %dma_start3A_17 = arith.constant 0 : i32
      %dma_start3A_18 = tpu.memref_slice %arg4[%mul3A_2, %dma_start3A_17] : memref<4096x128xf32, #tpu.memory_space<hbm>> -> memref<128x128xf32, #tpu.memory_space<hbm>>
      %dma_start3A_19 = arith.constant 0 : i32
      %dma_start3A_20 = tpu.memref_slice %arg4[%mul3A_2, %dma_start3A_19] : memref<4096x128xf32, #tpu.memory_space<hbm>> -> memref<128x128xf32, #tpu.memory_space<hbm>>
      tpu.enqueue_dma source(%arg6 : memref<128x128xf32, #tpu.memory_space<vmem>>) target(%dma_start3A_20 : memref<128x128xf32, #tpu.memory_space<hbm>>) target_semaphore(%run_scoped3A : memref<!tpu.dma_semaphore, #tpu.memory_space<semaphore_mem>>)
      %dma_wait3A_21 = arith.constant 0 : i32
      %dma_wait3A_22 = tpu.memref_slice %arg4[%mul3A_2, %dma_wait3A_21] : memref<4096x128xf32, #tpu.memory_space<hbm>> -> memref<128x128xf32, #tpu.memory_space<hbm>>
      %dma_wait3A_23 = arith.constant 0 : i32
      %dma_wait3A_24 = tpu.memref_slice %arg4[%mul3A_2, %dma_wait3A_23] : memref<4096x128xf32, #tpu.memory_space<hbm>> -> memref<128x128xf32, #tpu.memory_space<hbm>>
      tpu.wait_dma2 semaphore(%run_scoped3A : memref<!tpu.dma_semaphore, #tpu.memory_space<semaphore_mem>>) src(%arg6 : memref<128x128xf32, #tpu.memory_space<vmem>>) dst(%dma_wait3A_24 : memref<128x128xf32, #tpu.memory_space<hbm>>)
      tpu.yield
    }) : () -> ()
    return
  }
}

#map = affine_map<(d0, d1) -> (0, 0)>
#map1 = affine_map<(d0, d1) -> (0)>
module attributes {stable_mosaic.version = 14 : i64} {
  func.func @k(%arg0: i32, %arg1: i32, %arg2: memref<50000x128xf32, #tpu.memory_space<hbm>>, %arg3: memref<4096xi32, #tpu.memory_space<hbm>>, %arg4: memref<4096x128xf32, #tpu.memory_space<hbm>>, %arg5: memref<128xi32, #tpu.memory_space<vmem>>, %arg6: memref<128x128xf32, #tpu.memory_space<vmem>>, %arg7: memref<!tpu.dma_semaphore, #tpu.memory_space<semaphore_mem>>) attributes {dimension_semantics = [#tpu.dimension_semantics<core_parallel>, #tpu.dimension_semantics<subcore_parallel>], iteration_bounds = array<i64: 2, 16>, scalar_prefetch = 0 : i64, scratch_operands = 3 : i64, tpu.core_type = #tpu.core_type<sc_vector_subcore>, window_params = [{transform_indices = #map}, {transform_indices = #map1}, {transform_indices = #map}]} {
    %mul3A = arith.constant 2 : i32
    %mul3A_0 = arith.muli %arg1, %mul3A : i32
    %add3A = arith.addi %mul3A_0, %arg0 : i32
    %mul3A_1 = arith.constant 128 : i32
    %mul3A_2 = arith.muli %add3A, %mul3A_1 : i32
    "tpu.region"() ({
      %run_scoped3A = tpu.sem_alloc : memref<!tpu.dma_semaphore, #tpu.memory_space<semaphore_mem>>
      %dma_start3A_17 = tpu.memref_slice %arg3[%mul3A_2] : memref<4096xi32, #tpu.memory_space<hbm>> -> memref<128xi32, #tpu.memory_space<hbm>>
      %dma_start3A_18 = tpu.memref_slice %arg3[%mul3A_2] : memref<4096xi32, #tpu.memory_space<hbm>> -> memref<128xi32, #tpu.memory_space<hbm>>
      tpu.enqueue_dma source(%dma_start3A_18 : memref<128xi32, #tpu.memory_space<hbm>>) target(%arg5 : memref<128xi32, #tpu.memory_space<vmem>>) target_semaphore(%run_scoped3A : memref<!tpu.dma_semaphore, #tpu.memory_space<semaphore_mem>>)
      %dma_wait3A_19 = tpu.memref_slice %arg3[%mul3A_2] : memref<4096xi32, #tpu.memory_space<hbm>> -> memref<128xi32, #tpu.memory_space<hbm>>
      %dma_wait3A_20 = tpu.memref_slice %arg3[%mul3A_2] : memref<4096xi32, #tpu.memory_space<hbm>> -> memref<128xi32, #tpu.memory_space<hbm>>
      tpu.wait_dma2 semaphore(%run_scoped3A : memref<!tpu.dma_semaphore, #tpu.memory_space<semaphore_mem>>) src(%dma_wait3A_20 : memref<128xi32, #tpu.memory_space<hbm>>) dst(%arg5 : memref<128xi32, #tpu.memory_space<vmem>>)
      tpu.yield
    }) : () -> ()
    %dma_start3A = arith.constant 0 : i32
    %dma_start3A_3 = arith.constant 0 : i32
    %dma_start3A_4 = tpu.memref_slice %arg6[%dma_start3A, %dma_start3A_3] : memref<128x128xf32, #tpu.memory_space<vmem>> -> memref<128x128xf32, #tpu.memory_space<vmem>>
    %dma_start3A_5 = arith.constant 0 : i32
    %dma_start3A_6 = tpu.memref_slice %arg5[%dma_start3A_5] : memref<128xi32, #tpu.memory_space<vmem>> -> memref<128xi32, #tpu.memory_space<vmem>>
    %dma_start3A_7 = arith.constant 0 : i32
    %dma_start3A_8 = arith.constant 0 : i32
    %dma_start3A_9 = tpu.memref_slice %arg2[%dma_start3A_7, %dma_start3A_8] : memref<50000x128xf32, #tpu.memory_space<hbm>> -> memref<50000x128xf32, #tpu.memory_space<hbm>>
    tpu.enqueue_indirect_dma source(%dma_start3A_9 : memref<50000x128xf32, #tpu.memory_space<hbm>>) target(%dma_start3A_4 : memref<128x128xf32, #tpu.memory_space<vmem>>) offsets(%dma_start3A_6 : memref<128xi32, #tpu.memory_space<vmem>>) semaphore(%arg7 : memref<!tpu.dma_semaphore, #tpu.memory_space<semaphore_mem>>)
    %dma_wait3A = arith.constant 0 : i32
    %dma_wait3A_10 = arith.constant 0 : i32
    %dma_wait3A_11 = tpu.memref_slice %arg6[%dma_wait3A, %dma_wait3A_10] : memref<128x128xf32, #tpu.memory_space<vmem>> -> memref<128x128xf32, #tpu.memory_space<vmem>>
    %dma_wait3A_12 = arith.constant 0 : i32
    %dma_wait3A_13 = tpu.memref_slice %arg5[%dma_wait3A_12] : memref<128xi32, #tpu.memory_space<vmem>> -> memref<128xi32, #tpu.memory_space<vmem>>
    %dma_wait3A_14 = arith.constant 0 : i32
    %dma_wait3A_15 = arith.constant 0 : i32
    %dma_wait3A_16 = tpu.memref_slice %arg2[%dma_wait3A_14, %dma_wait3A_15] : memref<50000x128xf32, #tpu.memory_space<hbm>> -> memref<50000x128xf32, #tpu.memory_space<hbm>>
    tpu.wait_indirect_dma semaphore(%arg7 : memref<!tpu.dma_semaphore, #tpu.memory_space<semaphore_mem>>) src(%dma_wait3A_16 : memref<50000x128xf32, #tpu.memory_space<hbm>>) dst(%dma_wait3A_11 : memref<128x128xf32, #tpu.memory_space<vmem>>)
    "tpu.region"() ({
      %run_scoped3A = tpu.sem_alloc : memref<!tpu.dma_semaphore, #tpu.memory_space<semaphore_mem>>
      %dma_start3A_17 = arith.constant 0 : i32
      %dma_start3A_18 = tpu.memref_slice %arg4[%mul3A_2, %dma_start3A_17] : memref<4096x128xf32, #tpu.memory_space<hbm>> -> memref<128x128xf32, #tpu.memory_space<hbm>>
      %dma_start3A_19 = arith.constant 0 : i32
      %dma_start3A_20 = tpu.memref_slice %arg4[%mul3A_2, %dma_start3A_19] : memref<4096x128xf32, #tpu.memory_space<hbm>> -> memref<128x128xf32, #tpu.memory_space<hbm>>
      tpu.enqueue_dma source(%arg6 : memref<128x128xf32, #tpu.memory_space<vmem>>) target(%dma_start3A_20 : memref<128x128xf32, #tpu.memory_space<hbm>>) target_semaphore(%run_scoped3A : memref<!tpu.dma_semaphore, #tpu.memory_space<semaphore_mem>>)
      %dma_wait3A_21 = arith.constant 0 : i32
      %dma_wait3A_22 = tpu.memref_slice %arg4[%mul3A_2, %dma_wait3A_21] : memref<4096x128xf32, #tpu.memory_space<hbm>> -> memref<128x128xf32, #tpu.memory_space<hbm>>
      %dma_wait3A_23 = arith.constant 0 : i32
      %dma_wait3A_24 = tpu.memref_slice %arg4[%mul3A_2, %dma_wait3A_23] : memref<4096x128xf32, #tpu.memory_space<hbm>> -> memref<128x128xf32, #tpu.memory_space<hbm>>
      tpu.wait_dma2 semaphore(%run_scoped3A : memref<!tpu.dma_semaphore, #tpu.memory_space<semaphore_mem>>) src(%arg6 : memref<128x128xf32, #tpu.memory_space<vmem>>) dst(%dma_wait3A_24 : memref<128x128xf32, #tpu.memory_space<hbm>>)
      tpu.yield
    }) : () -> ()
    return
  }
}

module attributes {stable_mosaic.version = 14 : i64} {
  func.func @_mlp_body(%arg0: i32, %arg1: memref<1x1x4096xi32, #tpu.memory_space<vmem>>, %arg2: memref<1x1x4096xf32, #tpu.memory_space<vmem>>, %arg3: memref<4096x128xf32, #tpu.memory_space<vmem>>, %arg4: memref<256x128xf32, #tpu.memory_space<vmem>>, %arg5: memref<256x128xf32, #tpu.memory_space<vmem>>, %arg6: memref<256x128xf32, #tpu.memory_space<vmem>>, %arg7: memref<384x128xf32, #tpu.memory_space<vmem>>, %arg8: memref<1x128xf32, #tpu.memory_space<vmem>>, %arg9: memref<128x128xf32, #tpu.memory_space<vmem>>, %arg10: memref<1x128xf32, #tpu.memory_space<vmem>>, %arg11: memref<128x1xf32, #tpu.memory_space<vmem>>, %arg12: memref<1x1xf32, #tpu.memory_space<vmem>>, %arg13: memref<1x1x4096xf32, #tpu.memory_space<vmem>>) attributes {dimension_semantics = [#tpu.dimension_semantics<arbitrary>], iteration_bounds = array<i64: 1>, scalar_prefetch = 0 : i64, scratch_operands = 0 : i64, tpu.core_type = #tpu.core_type<tc>, window_params = [{transform_indices = @transform_0, window_bounds = array<i64: 1, 1, 4096>}, {transform_indices = @transform_1, window_bounds = array<i64: 1, 1, 4096>}, {transform_indices = @transform_2, window_bounds = array<i64: 4096, 128>}, {pipeline_mode = #tpu.pipeline_mode<synchronous>, transform_indices = @transform_3, window_bounds = array<i64: 256, 128>}, {pipeline_mode = #tpu.pipeline_mode<synchronous>, transform_indices = @transform_4, window_bounds = array<i64: 256, 128>}, {pipeline_mode = #tpu.pipeline_mode<synchronous>, transform_indices = @transform_5, window_bounds = array<i64: 256, 128>}, {pipeline_mode = #tpu.pipeline_mode<synchronous>, transform_indices = @transform_6, window_bounds = array<i64: 384, 128>}, {pipeline_mode = #tpu.pipeline_mode<synchronous>, transform_indices = @transform_7, window_bounds = array<i64: 1, 128>}, {pipeline_mode = #tpu.pipeline_mode<synchronous>, transform_indices = @transform_8, window_bounds = array<i64: 128, 128>}, {pipeline_mode = #tpu.pipeline_mode<synchronous>, transform_indices = @transform_9, window_bounds = array<i64: 1, 128>}, {pipeline_mode = #tpu.pipeline_mode<synchronous>, transform_indices = @transform_10, window_bounds = array<i64: 128, 1>}, {pipeline_mode = #tpu.pipeline_mode<synchronous>, transform_indices = @transform_11, window_bounds = array<i64: 1, 1>}, {transform_indices = @transform_12, window_bounds = array<i64: 1, 1, 4096>}]} {
    %get3A = arith.constant 0 : index
    %get3A_0 = arith.constant 0 : index
    %get3A_1 = arith.constant 0 : index
    %get3A_2 = vector.load %arg1[%get3A, %get3A_0, %get3A_1] : memref<1x1x4096xi32, #tpu.memory_space<vmem>>, vector<1x1x4096xi32>
    %get3A_3 = vector.shape_cast %get3A_2 : vector<1x1x4096xi32> to vector<4096xi32>
    %broadcast_in_dim3A = vector.shape_cast %get3A_3 : vector<4096xi32> to vector<4096x1xi32>
    %iota3A = tpu.iota {dimensions = array<i32: 1>} : vector<4096x256xi32>
    %eq3A = vector.broadcast %broadcast_in_dim3A : vector<4096x1xi32> to vector<4096x256xi32>
    %eq3A_4 = arith.cmpi eq, %eq3A, %iota3A : vector<4096x256xi32>
    %convert_element_type3A = arith.extui %eq3A_4 : vector<4096x256xi1> to vector<4096x256xi32>
    %convert_element_type3A_5 = arith.sitofp %convert_element_type3A : vector<4096x256xi32> to vector<4096x256xf32>
    %get3A_6 = arith.constant 0 : index
    %get3A_7 = arith.constant 0 : index
    %get3A_8 = vector.load %arg4[%get3A_6, %get3A_7] : memref<256x128xf32, #tpu.memory_space<vmem>>, vector<256x128xf32>
    %dot_general3A = arith.constant dense<0.000000e+00> : vector<4096x128xf32>
    %dot_general3A_9 = tpu.matmul %convert_element_type3A_5, %get3A_8, %dot_general3A {dimension_numbers = #tpu.dot_dimension_numbers<[1], [0], [0], [1], [0, 0, 1, 1], [], []>, transpose_lhs_hint = false} : vector<4096x256xf32>, vector<256x128xf32>, vector<4096x128xf32> -> vector<4096x128xf32>
    %get3A_10 = arith.constant 0 : index
    %get3A_11 = arith.constant 0 : index
    %get3A_12 = vector.load %arg5[%get3A_10, %get3A_11] : memref<256x128xf32, #tpu.memory_space<vmem>>, vector<256x128xf32>
    %dot_general3A_13 = arith.constant dense<0.000000e+00> : vector<4096x128xf32>
    %dot_general3A_14 = tpu.matmul %convert_element_type3A_5, %get3A_12, %dot_general3A_13 {dimension_numbers = #tpu.dot_dimension_numbers<[1], [0], [0], [1], [0, 0, 1, 1], [], []>, transpose_lhs_hint = false} : vector<4096x256xf32>, vector<256x128xf32>, vector<4096x128xf32> -> vector<4096x128xf32>
    %add3A = arith.addf %dot_general3A_9, %dot_general3A_14 : vector<4096x128xf32>
    %get3A_15 = arith.constant 0 : index
    %get3A_16 = arith.constant 0 : index
    %get3A_17 = vector.load %arg6[%get3A_15, %get3A_16] : memref<256x128xf32, #tpu.memory_space<vmem>>, vector<256x128xf32>
    %dot_general3A_18 = arith.constant dense<0.000000e+00> : vector<4096x128xf32>
    %dot_general3A_19 = tpu.matmul %convert_element_type3A_5, %get3A_17, %dot_general3A_18 {dimension_numbers = #tpu.dot_dimension_numbers<[1], [0], [0], [1], [0, 0, 1, 1], [], []>, transpose_lhs_hint = false} : vector<4096x256xf32>, vector<256x128xf32>, vector<4096x128xf32> -> vector<4096x128xf32>
    %add3A_20 = arith.addf %add3A, %dot_general3A_19 : vector<4096x128xf32>
    %get3A_21 = arith.constant 0 : index
    %get3A_22 = arith.constant 0 : index
    %get3A_23 = arith.constant 0 : index
    %get3A_24 = vector.load %arg2[%get3A_21, %get3A_22, %get3A_23] : memref<1x1x4096xf32, #tpu.memory_space<vmem>>, vector<1x1x4096xf32>
    %get3A_25 = vector.shape_cast %get3A_24 : vector<1x1x4096xf32> to vector<4096xf32>
    %get3A_26 = arith.constant 0 : index
    %get3A_27 = arith.constant 0 : index
    %get3A_28 = vector.load %arg3[%get3A_26, %get3A_27] : memref<4096x128xf32, #tpu.memory_space<vmem>>, vector<4096x128xf32>
    %broadcast_in_dim3A_29 = vector.shape_cast %get3A_25 : vector<4096xf32> to vector<4096x1xf32>
    %broadcast_in_dim3A_30 = arith.constant 0.000000e+00 : f32
    %broadcast_in_dim3A_31 = vector.broadcast %broadcast_in_dim3A_30 : f32 to vector<4096x127xf32>
    %concatenate3A = tpu.concatenate %add3A_20, %get3A_28, %broadcast_in_dim3A_29, %broadcast_in_dim3A_31 in 1 : vector<4096x128xf32>, vector<4096x128xf32>, vector<4096x1xf32>, vector<4096x127xf32> -> vector<4096x384xf32>
    %get3A_32 = arith.constant 0 : index
    %get3A_33 = arith.constant 0 : index
    %get3A_34 = vector.load %arg7[%get3A_32, %get3A_33] : memref<384x128xf32, #tpu.memory_space<vmem>>, vector<384x128xf32>
    %dot_general3A_35 = arith.constant dense<0.000000e+00> : vector<4096x128xf32>
    %dot_general3A_36 = tpu.matmul %concatenate3A, %get3A_34, %dot_general3A_35 {dimension_numbers = #tpu.dot_dimension_numbers<[1], [0], [0], [1], [0, 0, 1, 1], [], []>, transpose_lhs_hint = false} : vector<4096x384xf32>, vector<384x128xf32>, vector<4096x128xf32> -> vector<4096x128xf32>
    %get3A_37 = arith.constant 0 : index
    %get3A_38 = arith.constant 0 : index
    %get3A_39 = vector.load %arg8[%get3A_37, %get3A_38] : memref<1x128xf32, #tpu.memory_space<vmem>>, vector<1x128xf32>
    %add3A_40 = vector.broadcast %get3A_39 : vector<1x128xf32> to vector<4096x128xf32>
    %add3A_41 = arith.addf %dot_general3A_36, %add3A_40 : vector<4096x128xf32>
    %ge3A = arith.constant 0.000000e+00 : f32
    %ge3A_42 = vector.broadcast %ge3A : f32 to vector<4096x128xf32>
    %ge3A_43 = arith.cmpf oge, %add3A_41, %ge3A_42 : vector<4096x128xf32>
    %mul3A = arith.constant 0.00999999977 : f32
    %mul3A_44 = vector.broadcast %mul3A : f32 to vector<4096x128xf32>
    %mul3A_45 = arith.mulf %mul3A_44, %add3A_41 : vector<4096x128xf32>
    %select_n3A = arith.select %ge3A_43, %add3A_41, %mul3A_45 : vector<4096x128xi1>, vector<4096x128xf32>
    %get3A_46 = arith.constant 0 : index
    %get3A_47 = arith.constant 0 : index
    %get3A_48 = vector.load %arg9[%get3A_46, %get3A_47] : memref<128x128xf32, #tpu.memory_space<vmem>>, vector<128x128xf32>
    %dot_general3A_49 = arith.constant dense<0.000000e+00> : vector<4096x128xf32>
    %dot_general3A_50 = tpu.matmul %select_n3A, %get3A_48, %dot_general3A_49 {dimension_numbers = #tpu.dot_dimension_numbers<[1], [0], [0], [1], [0, 0, 1, 1], [], []>, transpose_lhs_hint = false} : vector<4096x128xf32>, vector<128x128xf32>, vector<4096x128xf32> -> vector<4096x128xf32>
    %get3A_51 = arith.constant 0 : index
    %get3A_52 = arith.constant 0 : index
    %get3A_53 = vector.load %arg10[%get3A_51, %get3A_52] : memref<1x128xf32, #tpu.memory_space<vmem>>, vector<1x128xf32>
    %add3A_54 = vector.broadcast %get3A_53 : vector<1x128xf32> to vector<4096x128xf32>
    %add3A_55 = arith.addf %dot_general3A_50, %add3A_54 : vector<4096x128xf32>
    %ge3A_56 = arith.constant 0.000000e+00 : f32
    %ge3A_57 = vector.broadcast %ge3A_56 : f32 to vector<4096x128xf32>
    %ge3A_58 = arith.cmpf oge, %add3A_55, %ge3A_57 : vector<4096x128xf32>
    %mul3A_59 = arith.constant 0.00999999977 : f32
    %mul3A_60 = vector.broadcast %mul3A_59 : f32 to vector<4096x128xf32>
    %mul3A_61 = arith.mulf %mul3A_60, %add3A_55 : vector<4096x128xf32>
    %select_n3A_62 = arith.select %ge3A_58, %add3A_55, %mul3A_61 : vector<4096x128xi1>, vector<4096x128xf32>
    %get3A_63 = arith.constant 0 : index
    %get3A_64 = arith.constant 0 : index
    %get3A_65 = vector.load %arg11[%get3A_63, %get3A_64] : memref<128x1xf32, #tpu.memory_space<vmem>>, vector<128x1xf32>
    %dot_general3A_66 = arith.constant dense<0.000000e+00> : vector<4096x1xf32>
    %dot_general3A_67 = tpu.matmul %select_n3A_62, %get3A_65, %dot_general3A_66 {dimension_numbers = #tpu.dot_dimension_numbers<[1], [0], [0], [1], [0, 0, 1, 1], [], []>, transpose_lhs_hint = false} : vector<4096x128xf32>, vector<128x1xf32>, vector<4096x1xf32> -> vector<4096x1xf32>
    %get3A_68 = arith.constant 0 : index
    %get3A_69 = arith.constant 0 : index
    %get3A_70 = vector.load %arg12[%get3A_68, %get3A_69] : memref<1x1xf32, #tpu.memory_space<vmem>>, vector<1x1xf32>
    %add3A_71 = vector.broadcast %get3A_70 : vector<1x1xf32> to vector<4096x1xf32>
    %add3A_72 = arith.addf %dot_general3A_67, %add3A_71 : vector<4096x1xf32>
    %squeeze3A = vector.shape_cast %add3A_72 : vector<4096x1xf32> to vector<4096xf32>
    %swap3A = arith.constant 0 : index
    %swap3A_73 = arith.constant 0 : index
    %swap3A_74 = arith.constant 0 : index
    %swap3A_75 = vector.load %arg13[%swap3A, %swap3A_73, %swap3A_74] : memref<1x1x4096xf32, #tpu.memory_space<vmem>>, vector<1x1x4096xf32>
    %swap3A_76 = vector.shape_cast %swap3A_75 : vector<1x1x4096xf32> to vector<4096xf32>
    %swap3A_77 = vector.shape_cast %squeeze3A : vector<4096xf32> to vector<1x1x4096xf32>
    tpu.vector_store %arg13[%swap3A, %swap3A_73, %swap3A_74], %swap3A_77 {strides = array<i32>} : memref<1x1x4096xf32, #tpu.memory_space<vmem>>, vector<1x1x4096xf32>,
    return
  }
  func.func @transform_0(%arg0: i32) -> (i32, i32, i32) {
    %c0_i32 = arith.constant 0 : i32
    %c0_i32_0 = arith.constant 0 : i32
    %c0_i32_1 = arith.constant 0 : i32
    return %arg0, %c0_i32, %c0_i32_0 : i32, i32, i32
  }
  func.func @transform_1(%arg0: i32) -> (i32, i32, i32) {
    %c0_i32 = arith.constant 0 : i32
    %c0_i32_0 = arith.constant 0 : i32
    %c0_i32_1 = arith.constant 0 : i32
    return %arg0, %c0_i32, %c0_i32_0 : i32, i32, i32
  }
  func.func @transform_2(%arg0: i32) -> (i32, i32) {
    %c0_i32 = arith.constant 0 : i32
    %c0_i32_0 = arith.constant 0 : i32
    return %arg0, %c0_i32 : i32, i32
  }
  func.func @transform_3(%arg0: i32) -> (i32, i32) {
    %c0_i32 = arith.constant 0 : i32
    %c0_i32_0 = arith.constant 0 : i32
    %c0_i32_1 = arith.constant 0 : i32
    return %c0_i32, %c0_i32_0 : i32, i32
  }
  func.func @transform_4(%arg0: i32) -> (i32, i32) {
    %c0_i32 = arith.constant 0 : i32
    %c0_i32_0 = arith.constant 0 : i32
    %c0_i32_1 = arith.constant 0 : i32
    return %c0_i32, %c0_i32_0 : i32, i32
  }
  func.func @transform_5(%arg0: i32) -> (i32, i32) {
    %c0_i32 = arith.constant 0 : i32
    %c0_i32_0 = arith.constant 0 : i32
    %c0_i32_1 = arith.constant 0 : i32
    return %c0_i32, %c0_i32_0 : i32, i32
  }
  func.func @transform_6(%arg0: i32) -> (i32, i32) {
    %c0_i32 = arith.constant 0 : i32
    %c0_i32_0 = arith.constant 0 : i32
    %c0_i32_1 = arith.constant 0 : i32
    return %c0_i32, %c0_i32_0 : i32, i32
  }
  func.func @transform_7(%arg0: i32) -> (i32, i32) {
    %c0_i32 = arith.constant 0 : i32
    %c0_i32_0 = arith.constant 0 : i32
    %c0_i32_1 = arith.constant 0 : i32
    return %c0_i32, %c0_i32_0 : i32, i32
  }
  func.func @transform_8(%arg0: i32) -> (i32, i32) {
    %c0_i32 = arith.constant 0 : i32
    %c0_i32_0 = arith.constant 0 : i32
    %c0_i32_1 = arith.constant 0 : i32
    return %c0_i32, %c0_i32_0 : i32, i32
  }
  func.func @transform_9(%arg0: i32) -> (i32, i32) {
    %c0_i32 = arith.constant 0 : i32
    %c0_i32_0 = arith.constant 0 : i32
    %c0_i32_1 = arith.constant 0 : i32
    return %c0_i32, %c0_i32_0 : i32, i32
  }
  func.func @transform_10(%arg0: i32) -> (i32, i32) {
    %c0_i32 = arith.constant 0 : i32
    %c0_i32_0 = arith.constant 0 : i32
    %c0_i32_1 = arith.constant 0 : i32
    return %c0_i32, %c0_i32_0 : i32, i32
  }
  func.func @transform_11(%arg0: i32) -> (i32, i32) {
    %c0_i32 = arith.constant 0 : i32
    %c0_i32_0 = arith.constant 0 : i32
    %c0_i32_1 = arith.constant 0 : i32
    return %c0_i32, %c0_i32_0 : i32, i32
  }
  func.func @transform_12(%arg0: i32) -> (i32, i32, i32) {
    %c0_i32 = arith.constant 0 : i32
    %c0_i32_0 = arith.constant 0 : i32
    %c0_i32_1 = arith.constant 0 : i32
    return %arg0, %c0_i32, %c0_i32_0 : i32, i32, i32
  }
}

module attributes {stable_mosaic.version = 14 : i64} {
  func.func @_mlp_body(%arg0: i32, %arg1: memref<1x1x4096xi32, #tpu.memory_space<vmem>>, %arg2: memref<1x1x4096xf32, #tpu.memory_space<vmem>>, %arg3: memref<4096x128xf32, #tpu.memory_space<vmem>>, %arg4: memref<256x128xf32, #tpu.memory_space<vmem>>, %arg5: memref<256x128xf32, #tpu.memory_space<vmem>>, %arg6: memref<256x128xf32, #tpu.memory_space<vmem>>, %arg7: memref<384x128xf32, #tpu.memory_space<vmem>>, %arg8: memref<1x128xf32, #tpu.memory_space<vmem>>, %arg9: memref<128x128xf32, #tpu.memory_space<vmem>>, %arg10: memref<1x128xf32, #tpu.memory_space<vmem>>, %arg11: memref<128x1xf32, #tpu.memory_space<vmem>>, %arg12: memref<1x1xf32, #tpu.memory_space<vmem>>, %arg13: memref<1x1x4096xf32, #tpu.memory_space<vmem>>) attributes {dimension_semantics = [#tpu.dimension_semantics<arbitrary>], iteration_bounds = array<i64: 1>, scalar_prefetch = 0 : i64, scratch_operands = 0 : i64, tpu.core_type = #tpu.core_type<tc>, window_params = [{transform_indices = @transform_0, window_bounds = array<i64: 1, 1, 4096>}, {transform_indices = @transform_1, window_bounds = array<i64: 1, 1, 4096>}, {transform_indices = @transform_2, window_bounds = array<i64: 4096, 128>}, {pipeline_mode = #tpu.pipeline_mode<synchronous>, transform_indices = @transform_3, window_bounds = array<i64: 256, 128>}, {pipeline_mode = #tpu.pipeline_mode<synchronous>, transform_indices = @transform_4, window_bounds = array<i64: 256, 128>}, {pipeline_mode = #tpu.pipeline_mode<synchronous>, transform_indices = @transform_5, window_bounds = array<i64: 256, 128>}, {pipeline_mode = #tpu.pipeline_mode<synchronous>, transform_indices = @transform_6, window_bounds = array<i64: 384, 128>}, {pipeline_mode = #tpu.pipeline_mode<synchronous>, transform_indices = @transform_7, window_bounds = array<i64: 1, 128>}, {pipeline_mode = #tpu.pipeline_mode<synchronous>, transform_indices = @transform_8, window_bounds = array<i64: 128, 128>}, {pipeline_mode = #tpu.pipeline_mode<synchronous>, transform_indices = @transform_9, window_bounds = array<i64: 1, 128>}, {pipeline_mode = #tpu.pipeline_mode<synchronous>, transform_indices = @transform_10, window_bounds = array<i64: 128, 1>}, {pipeline_mode = #tpu.pipeline_mode<synchronous>, transform_indices = @transform_11, window_bounds = array<i64: 1, 1>}, {transform_indices = @transform_12, window_bounds = array<i64: 1, 1, 4096>}]} {
    %get3A = arith.constant 0 : index
    %get3A_0 = arith.constant 0 : index
    %get3A_1 = arith.constant 0 : index
    %get3A_2 = vector.load %arg1[%get3A, %get3A_0, %get3A_1] : memref<1x1x4096xi32, #tpu.memory_space<vmem>>, vector<1x1x4096xi32>
    %get3A_3 = vector.shape_cast %get3A_2 : vector<1x1x4096xi32> to vector<4096xi32>
    %broadcast_in_dim3A = vector.shape_cast %get3A_3 : vector<4096xi32> to vector<4096x1xi32>
    %iota3A = tpu.iota {dimensions = array<i32: 1>} : vector<4096x256xi32>
    %eq3A = vector.broadcast %broadcast_in_dim3A : vector<4096x1xi32> to vector<4096x256xi32>
    %eq3A_4 = arith.cmpi eq, %eq3A, %iota3A : vector<4096x256xi32>
    %convert_element_type3A = arith.extui %eq3A_4 : vector<4096x256xi1> to vector<4096x256xi32>
    %convert_element_type3A_5 = arith.sitofp %convert_element_type3A : vector<4096x256xi32> to vector<4096x256xf32>
    %get3A_6 = arith.constant 0 : index
    %get3A_7 = arith.constant 0 : index
    %get3A_8 = vector.load %arg4[%get3A_6, %get3A_7] : memref<256x128xf32, #tpu.memory_space<vmem>>, vector<256x128xf32>
    %dot_general3A = arith.constant dense<0.000000e+00> : vector<4096x128xf32>
    %dot_general3A_9 = tpu.matmul %convert_element_type3A_5, %get3A_8, %dot_general3A {dimension_numbers = #tpu.dot_dimension_numbers<[1], [0], [0], [1], [0, 0, 1, 1], [], []>, transpose_lhs_hint = false} : vector<4096x256xf32>, vector<256x128xf32>, vector<4096x128xf32> -> vector<4096x128xf32>
    %get3A_10 = arith.constant 0 : index
    %get3A_11 = arith.constant 0 : index
    %get3A_12 = vector.load %arg5[%get3A_10, %get3A_11] : memref<256x128xf32, #tpu.memory_space<vmem>>, vector<256x128xf32>
    %dot_general3A_13 = arith.constant dense<0.000000e+00> : vector<4096x128xf32>
    %dot_general3A_14 = tpu.matmul %convert_element_type3A_5, %get3A_12, %dot_general3A_13 {dimension_numbers = #tpu.dot_dimension_numbers<[1], [0], [0], [1], [0, 0, 1, 1], [], []>, transpose_lhs_hint = false} : vector<4096x256xf32>, vector<256x128xf32>, vector<4096x128xf32> -> vector<4096x128xf32>
    %add3A = arith.addf %dot_general3A_9, %dot_general3A_14 : vector<4096x128xf32>
    %get3A_15 = arith.constant 0 : index
    %get3A_16 = arith.constant 0 : index
    %get3A_17 = vector.load %arg6[%get3A_15, %get3A_16] : memref<256x128xf32, #tpu.memory_space<vmem>>, vector<256x128xf32>
    %dot_general3A_18 = arith.constant dense<0.000000e+00> : vector<4096x128xf32>
    %dot_general3A_19 = tpu.matmul %convert_element_type3A_5, %get3A_17, %dot_general3A_18 {dimension_numbers = #tpu.dot_dimension_numbers<[1], [0], [0], [1], [0, 0, 1, 1], [], []>, transpose_lhs_hint = false} : vector<4096x256xf32>, vector<256x128xf32>, vector<4096x128xf32> -> vector<4096x128xf32>
    %add3A_20 = arith.addf %add3A, %dot_general3A_19 : vector<4096x128xf32>
    %get3A_21 = arith.constant 0 : index
    %get3A_22 = arith.constant 0 : index
    %get3A_23 = arith.constant 0 : index
    %get3A_24 = vector.load %arg2[%get3A_21, %get3A_22, %get3A_23] : memref<1x1x4096xf32, #tpu.memory_space<vmem>>, vector<1x1x4096xf32>
    %get3A_25 = vector.shape_cast %get3A_24 : vector<1x1x4096xf32> to vector<4096xf32>
    %get3A_26 = arith.constant 0 : index
    %get3A_27 = arith.constant 0 : index
    %get3A_28 = vector.load %arg3[%get3A_26, %get3A_27] : memref<4096x128xf32, #tpu.memory_space<vmem>>, vector<4096x128xf32>
    %broadcast_in_dim3A_29 = vector.shape_cast %get3A_25 : vector<4096xf32> to vector<4096x1xf32>
    %broadcast_in_dim3A_30 = arith.constant 0.000000e+00 : f32
    %broadcast_in_dim3A_31 = vector.broadcast %broadcast_in_dim3A_30 : f32 to vector<4096x127xf32>
    %concatenate3A = tpu.concatenate %add3A_20, %get3A_28, %broadcast_in_dim3A_29, %broadcast_in_dim3A_31 in 1 : vector<4096x128xf32>, vector<4096x128xf32>, vector<4096x1xf32>, vector<4096x127xf32> -> vector<4096x384xf32>
    %get3A_32 = arith.constant 0 : index
    %get3A_33 = arith.constant 0 : index
    %get3A_34 = vector.load %arg7[%get3A_32, %get3A_33] : memref<384x128xf32, #tpu.memory_space<vmem>>, vector<384x128xf32>
    %dot_general3A_35 = arith.constant dense<0.000000e+00> : vector<4096x128xf32>
    %dot_general3A_36 = tpu.matmul %concatenate3A, %get3A_34, %dot_general3A_35 {dimension_numbers = #tpu.dot_dimension_numbers<[1], [0], [0], [1], [0, 0, 1, 1], [], []>, transpose_lhs_hint = false} : vector<4096x384xf32>, vector<384x128xf32>, vector<4096x128xf32> -> vector<4096x128xf32>
    %get3A_37 = arith.constant 0 : index
    %get3A_38 = arith.constant 0 : index
    %get3A_39 = vector.load %arg8[%get3A_37, %get3A_38] : memref<1x128xf32, #tpu.memory_space<vmem>>, vector<1x128xf32>
    %add3A_40 = vector.broadcast %get3A_39 : vector<1x128xf32> to vector<4096x128xf32>
    %add3A_41 = arith.addf %dot_general3A_36, %add3A_40 : vector<4096x128xf32>
    %ge3A = arith.constant 0.000000e+00 : f32
    %ge3A_42 = vector.broadcast %ge3A : f32 to vector<4096x128xf32>
    %ge3A_43 = arith.cmpf oge, %add3A_41, %ge3A_42 : vector<4096x128xf32>
    %mul3A = arith.constant 0.00999999977 : f32
    %mul3A_44 = vector.broadcast %mul3A : f32 to vector<4096x128xf32>
    %mul3A_45 = arith.mulf %mul3A_44, %add3A_41 : vector<4096x128xf32>
    %select_n3A = arith.select %ge3A_43, %add3A_41, %mul3A_45 : vector<4096x128xi1>, vector<4096x128xf32>
    %get3A_46 = arith.constant 0 : index
    %get3A_47 = arith.constant 0 : index
    %get3A_48 = vector.load %arg9[%get3A_46, %get3A_47] : memref<128x128xf32, #tpu.memory_space<vmem>>, vector<128x128xf32>
    %dot_general3A_49 = arith.constant dense<0.000000e+00> : vector<4096x128xf32>
    %dot_general3A_50 = tpu.matmul %select_n3A, %get3A_48, %dot_general3A_49 {dimension_numbers = #tpu.dot_dimension_numbers<[1], [0], [0], [1], [0, 0, 1, 1], [], []>, transpose_lhs_hint = false} : vector<4096x128xf32>, vector<128x128xf32>, vector<4096x128xf32> -> vector<4096x128xf32>
    %get3A_51 = arith.constant 0 : index
    %get3A_52 = arith.constant 0 : index
    %get3A_53 = vector.load %arg10[%get3A_51, %get3A_52] : memref<1x128xf32, #tpu.memory_space<vmem>>, vector<1x128xf32>
    %add3A_54 = vector.broadcast %get3A_53 : vector<1x128xf32> to vector<4096x128xf32>
    %add3A_55 = arith.addf %dot_general3A_50, %add3A_54 : vector<4096x128xf32>
    %ge3A_56 = arith.constant 0.000000e+00 : f32
    %ge3A_57 = vector.broadcast %ge3A_56 : f32 to vector<4096x128xf32>
    %ge3A_58 = arith.cmpf oge, %add3A_55, %ge3A_57 : vector<4096x128xf32>
    %mul3A_59 = arith.constant 0.00999999977 : f32
    %mul3A_60 = vector.broadcast %mul3A_59 : f32 to vector<4096x128xf32>
    %mul3A_61 = arith.mulf %mul3A_60, %add3A_55 : vector<4096x128xf32>
    %select_n3A_62 = arith.select %ge3A_58, %add3A_55, %mul3A_61 : vector<4096x128xi1>, vector<4096x128xf32>
    %get3A_63 = arith.constant 0 : index
    %get3A_64 = arith.constant 0 : index
    %get3A_65 = vector.load %arg11[%get3A_63, %get3A_64] : memref<128x1xf32, #tpu.memory_space<vmem>>, vector<128x1xf32>
    %dot_general3A_66 = arith.constant dense<0.000000e+00> : vector<4096x1xf32>
    %dot_general3A_67 = tpu.matmul %select_n3A_62, %get3A_65, %dot_general3A_66 {dimension_numbers = #tpu.dot_dimension_numbers<[1], [0], [0], [1], [0, 0, 1, 1], [], []>, transpose_lhs_hint = false} : vector<4096x128xf32>, vector<128x1xf32>, vector<4096x1xf32> -> vector<4096x1xf32>
    %get3A_68 = arith.constant 0 : index
    %get3A_69 = arith.constant 0 : index
    %get3A_70 = vector.load %arg12[%get3A_68, %get3A_69] : memref<1x1xf32, #tpu.memory_space<vmem>>, vector<1x1xf32>
    %add3A_71 = vector.broadcast %get3A_70 : vector<1x1xf32> to vector<4096x1xf32>
    %add3A_72 = arith.addf %dot_general3A_67, %add3A_71 : vector<4096x1xf32>
    %squeeze3A = vector.shape_cast %add3A_72 : vector<4096x1xf32> to vector<4096xf32>
    %swap3A = arith.constant 0 : index
    %swap3A_73 = arith.constant 0 : index
    %swap3A_74 = arith.constant 0 : index
    %swap3A_75 = vector.load %arg13[%swap3A, %swap3A_73, %swap3A_74] : memref<1x1x4096xf32, #tpu.memory_space<vmem>>, vector<1x1x4096xf32>
    %swap3A_76 = vector.shape_cast %swap3A_75 : vector<1x1x4096xf32> to vector<4096xf32>
    %swap3A_77 = vector.shape_cast %squeeze3A : vector<4096xf32> to vector<1x1x4096xf32>
    tpu.vector_store %arg13[%swap3A, %swap3A_73, %swap3A_74], %swap3A_77 {strides = array<i32>} : memref<1x1x4096xf32, #tpu.memory_space<vmem>>, vector<1x1x4096xf32>,
    return
  }
  func.func @transform_0(%arg0: i32) -> (i32, i32, i32) {
    %c0_i32 = arith.constant 0 : i32
    %c0_i32_0 = arith.constant 0 : i32
    %c0_i32_1 = arith.constant 0 : i32
    return %arg0, %c0_i32, %c0_i32_0 : i32, i32, i32
  }
  func.func @transform_1(%arg0: i32) -> (i32, i32, i32) {
    %c0_i32 = arith.constant 0 : i32
    %c0_i32_0 = arith.constant 0 : i32
    %c0_i32_1 = arith.constant 0 : i32
    return %arg0, %c0_i32, %c0_i32_0 : i32, i32, i32
  }
  func.func @transform_2(%arg0: i32) -> (i32, i32) {
    %c0_i32 = arith.constant 0 : i32
    %c0_i32_0 = arith.constant 0 : i32
    return %arg0, %c0_i32 : i32, i32
  }
  func.func @transform_3(%arg0: i32) -> (i32, i32) {
    %c0_i32 = arith.constant 0 : i32
    %c0_i32_0 = arith.constant 0 : i32
    %c0_i32_1 = arith.constant 0 : i32
    return %c0_i32, %c0_i32_0 : i32, i32
  }
  func.func @transform_4(%arg0: i32) -> (i32, i32) {
    %c0_i32 = arith.constant 0 : i32
    %c0_i32_0 = arith.constant 0 : i32
    %c0_i32_1 = arith.constant 0 : i32
    return %c0_i32, %c0_i32_0 : i32, i32
  }
  func.func @transform_5(%arg0: i32) -> (i32, i32) {
    %c0_i32 = arith.constant 0 : i32
    %c0_i32_0 = arith.constant 0 : i32
    %c0_i32_1 = arith.constant 0 : i32
    return %c0_i32, %c0_i32_0 : i32, i32
  }
  func.func @transform_6(%arg0: i32) -> (i32, i32) {
    %c0_i32 = arith.constant 0 : i32
    %c0_i32_0 = arith.constant 0 : i32
    %c0_i32_1 = arith.constant 0 : i32
    return %c0_i32, %c0_i32_0 : i32, i32
  }
  func.func @transform_7(%arg0: i32) -> (i32, i32) {
    %c0_i32 = arith.constant 0 : i32
    %c0_i32_0 = arith.constant 0 : i32
    %c0_i32_1 = arith.constant 0 : i32
    return %c0_i32, %c0_i32_0 : i32, i32
  }
  func.func @transform_8(%arg0: i32) -> (i32, i32) {
    %c0_i32 = arith.constant 0 : i32
    %c0_i32_0 = arith.constant 0 : i32
    %c0_i32_1 = arith.constant 0 : i32
    return %c0_i32, %c0_i32_0 : i32, i32
  }
  func.func @transform_9(%arg0: i32) -> (i32, i32) {
    %c0_i32 = arith.constant 0 : i32
    %c0_i32_0 = arith.constant 0 : i32
    %c0_i32_1 = arith.constant 0 : i32
    return %c0_i32, %c0_i32_0 : i32, i32
  }
  func.func @transform_10(%arg0: i32) -> (i32, i32) {
    %c0_i32 = arith.constant 0 : i32
    %c0_i32_0 = arith.constant 0 : i32
    %c0_i32_1 = arith.constant 0 : i32
    return %c0_i32, %c0_i32_0 : i32, i32
  }
  func.func @transform_11(%arg0: i32) -> (i32, i32) {
    %c0_i32 = arith.constant 0 : i32
    %c0_i32_0 = arith.constant 0 : i32
    %c0_i32_1 = arith.constant 0 : i32
    return %c0_i32, %c0_i32_0 : i32, i32
  }
  func.func @transform_12(%arg0: i32) -> (i32, i32, i32) {
    %c0_i32 = arith.constant 0 : i32
    %c0_i32_0 = arith.constant 0 : i32
    %c0_i32_1 = arith.constant 0 : i32
    return %arg0, %c0_i32, %c0_i32_0 : i32, i32, i32
  }
}

module attributes {stable_mosaic.version = 14 : i64} {
  func.func @_mlp_body(%arg0: i32, %arg1: memref<1x1x4096xi32, #tpu.memory_space<vmem>>, %arg2: memref<1x1x4096xf32, #tpu.memory_space<vmem>>, %arg3: memref<4096x128xf32, #tpu.memory_space<vmem>>, %arg4: memref<256x128xf32, #tpu.memory_space<vmem>>, %arg5: memref<256x128xf32, #tpu.memory_space<vmem>>, %arg6: memref<256x128xf32, #tpu.memory_space<vmem>>, %arg7: memref<384x128xf32, #tpu.memory_space<vmem>>, %arg8: memref<1x128xf32, #tpu.memory_space<vmem>>, %arg9: memref<128x128xf32, #tpu.memory_space<vmem>>, %arg10: memref<1x128xf32, #tpu.memory_space<vmem>>, %arg11: memref<128x1xf32, #tpu.memory_space<vmem>>, %arg12: memref<1x1xf32, #tpu.memory_space<vmem>>, %arg13: memref<1x1x4096xf32, #tpu.memory_space<vmem>>) attributes {dimension_semantics = [#tpu.dimension_semantics<arbitrary>], iteration_bounds = array<i64: 1>, scalar_prefetch = 0 : i64, scratch_operands = 0 : i64, tpu.core_type = #tpu.core_type<tc>, window_params = [{transform_indices = @transform_0, window_bounds = array<i64: 1, 1, 4096>}, {transform_indices = @transform_1, window_bounds = array<i64: 1, 1, 4096>}, {transform_indices = @transform_2, window_bounds = array<i64: 4096, 128>}, {pipeline_mode = #tpu.pipeline_mode<synchronous>, transform_indices = @transform_3, window_bounds = array<i64: 256, 128>}, {pipeline_mode = #tpu.pipeline_mode<synchronous>, transform_indices = @transform_4, window_bounds = array<i64: 256, 128>}, {pipeline_mode = #tpu.pipeline_mode<synchronous>, transform_indices = @transform_5, window_bounds = array<i64: 256, 128>}, {pipeline_mode = #tpu.pipeline_mode<synchronous>, transform_indices = @transform_6, window_bounds = array<i64: 384, 128>}, {pipeline_mode = #tpu.pipeline_mode<synchronous>, transform_indices = @transform_7, window_bounds = array<i64: 1, 128>}, {pipeline_mode = #tpu.pipeline_mode<synchronous>, transform_indices = @transform_8, window_bounds = array<i64: 128, 128>}, {pipeline_mode = #tpu.pipeline_mode<synchronous>, transform_indices = @transform_9, window_bounds = array<i64: 1, 128>}, {pipeline_mode = #tpu.pipeline_mode<synchronous>, transform_indices = @transform_10, window_bounds = array<i64: 128, 1>}, {pipeline_mode = #tpu.pipeline_mode<synchronous>, transform_indices = @transform_11, window_bounds = array<i64: 1, 1>}, {transform_indices = @transform_12, window_bounds = array<i64: 1, 1, 4096>}]} {
    %get3A = arith.constant 0 : index
    %get3A_0 = arith.constant 0 : index
    %get3A_1 = arith.constant 0 : index
    %get3A_2 = vector.load %arg1[%get3A, %get3A_0, %get3A_1] : memref<1x1x4096xi32, #tpu.memory_space<vmem>>, vector<1x1x4096xi32>
    %get3A_3 = vector.shape_cast %get3A_2 : vector<1x1x4096xi32> to vector<4096xi32>
    %broadcast_in_dim3A = vector.shape_cast %get3A_3 : vector<4096xi32> to vector<4096x1xi32>
    %iota3A = tpu.iota {dimensions = array<i32: 1>} : vector<4096x256xi32>
    %eq3A = vector.broadcast %broadcast_in_dim3A : vector<4096x1xi32> to vector<4096x256xi32>
    %eq3A_4 = arith.cmpi eq, %eq3A, %iota3A : vector<4096x256xi32>
    %convert_element_type3A = arith.extui %eq3A_4 : vector<4096x256xi1> to vector<4096x256xi32>
    %convert_element_type3A_5 = arith.sitofp %convert_element_type3A : vector<4096x256xi32> to vector<4096x256xf32>
    %get3A_6 = arith.constant 0 : index
    %get3A_7 = arith.constant 0 : index
    %get3A_8 = vector.load %arg4[%get3A_6, %get3A_7] : memref<256x128xf32, #tpu.memory_space<vmem>>, vector<256x128xf32>
    %dot_general3A = arith.constant dense<0.000000e+00> : vector<4096x128xf32>
    %dot_general3A_9 = tpu.matmul %convert_element_type3A_5, %get3A_8, %dot_general3A {dimension_numbers = #tpu.dot_dimension_numbers<[1], [0], [0], [1], [0, 0, 1, 1], [], []>, transpose_lhs_hint = false} : vector<4096x256xf32>, vector<256x128xf32>, vector<4096x128xf32> -> vector<4096x128xf32>
    %get3A_10 = arith.constant 0 : index
    %get3A_11 = arith.constant 0 : index
    %get3A_12 = vector.load %arg5[%get3A_10, %get3A_11] : memref<256x128xf32, #tpu.memory_space<vmem>>, vector<256x128xf32>
    %dot_general3A_13 = arith.constant dense<0.000000e+00> : vector<4096x128xf32>
    %dot_general3A_14 = tpu.matmul %convert_element_type3A_5, %get3A_12, %dot_general3A_13 {dimension_numbers = #tpu.dot_dimension_numbers<[1], [0], [0], [1], [0, 0, 1, 1], [], []>, transpose_lhs_hint = false} : vector<4096x256xf32>, vector<256x128xf32>, vector<4096x128xf32> -> vector<4096x128xf32>
    %add3A = arith.addf %dot_general3A_9, %dot_general3A_14 : vector<4096x128xf32>
    %get3A_15 = arith.constant 0 : index
    %get3A_16 = arith.constant 0 : index
    %get3A_17 = vector.load %arg6[%get3A_15, %get3A_16] : memref<256x128xf32, #tpu.memory_space<vmem>>, vector<256x128xf32>
    %dot_general3A_18 = arith.constant dense<0.000000e+00> : vector<4096x128xf32>
    %dot_general3A_19 = tpu.matmul %convert_element_type3A_5, %get3A_17, %dot_general3A_18 {dimension_numbers = #tpu.dot_dimension_numbers<[1], [0], [0], [1], [0, 0, 1, 1], [], []>, transpose_lhs_hint = false} : vector<4096x256xf32>, vector<256x128xf32>, vector<4096x128xf32> -> vector<4096x128xf32>
    %add3A_20 = arith.addf %add3A, %dot_general3A_19 : vector<4096x128xf32>
    %get3A_21 = arith.constant 0 : index
    %get3A_22 = arith.constant 0 : index
    %get3A_23 = arith.constant 0 : index
    %get3A_24 = vector.load %arg2[%get3A_21, %get3A_22, %get3A_23] : memref<1x1x4096xf32, #tpu.memory_space<vmem>>, vector<1x1x4096xf32>
    %get3A_25 = vector.shape_cast %get3A_24 : vector<1x1x4096xf32> to vector<4096xf32>
    %get3A_26 = arith.constant 0 : index
    %get3A_27 = arith.constant 0 : index
    %get3A_28 = vector.load %arg3[%get3A_26, %get3A_27] : memref<4096x128xf32, #tpu.memory_space<vmem>>, vector<4096x128xf32>
    %broadcast_in_dim3A_29 = vector.shape_cast %get3A_25 : vector<4096xf32> to vector<4096x1xf32>
    %broadcast_in_dim3A_30 = arith.constant 0.000000e+00 : f32
    %broadcast_in_dim3A_31 = vector.broadcast %broadcast_in_dim3A_30 : f32 to vector<4096x127xf32>
    %concatenate3A = tpu.concatenate %add3A_20, %get3A_28, %broadcast_in_dim3A_29, %broadcast_in_dim3A_31 in 1 : vector<4096x128xf32>, vector<4096x128xf32>, vector<4096x1xf32>, vector<4096x127xf32> -> vector<4096x384xf32>
    %get3A_32 = arith.constant 0 : index
    %get3A_33 = arith.constant 0 : index
    %get3A_34 = vector.load %arg7[%get3A_32, %get3A_33] : memref<384x128xf32, #tpu.memory_space<vmem>>, vector<384x128xf32>
    %dot_general3A_35 = arith.constant dense<0.000000e+00> : vector<4096x128xf32>
    %dot_general3A_36 = tpu.matmul %concatenate3A, %get3A_34, %dot_general3A_35 {dimension_numbers = #tpu.dot_dimension_numbers<[1], [0], [0], [1], [0, 0, 1, 1], [], []>, transpose_lhs_hint = false} : vector<4096x384xf32>, vector<384x128xf32>, vector<4096x128xf32> -> vector<4096x128xf32>
    %get3A_37 = arith.constant 0 : index
    %get3A_38 = arith.constant 0 : index
    %get3A_39 = vector.load %arg8[%get3A_37, %get3A_38] : memref<1x128xf32, #tpu.memory_space<vmem>>, vector<1x128xf32>
    %add3A_40 = vector.broadcast %get3A_39 : vector<1x128xf32> to vector<4096x128xf32>
    %add3A_41 = arith.addf %dot_general3A_36, %add3A_40 : vector<4096x128xf32>
    %ge3A = arith.constant 0.000000e+00 : f32
    %ge3A_42 = vector.broadcast %ge3A : f32 to vector<4096x128xf32>
    %ge3A_43 = arith.cmpf oge, %add3A_41, %ge3A_42 : vector<4096x128xf32>
    %mul3A = arith.constant 0.00999999977 : f32
    %mul3A_44 = vector.broadcast %mul3A : f32 to vector<4096x128xf32>
    %mul3A_45 = arith.mulf %mul3A_44, %add3A_41 : vector<4096x128xf32>
    %select_n3A = arith.select %ge3A_43, %add3A_41, %mul3A_45 : vector<4096x128xi1>, vector<4096x128xf32>
    %get3A_46 = arith.constant 0 : index
    %get3A_47 = arith.constant 0 : index
    %get3A_48 = vector.load %arg9[%get3A_46, %get3A_47] : memref<128x128xf32, #tpu.memory_space<vmem>>, vector<128x128xf32>
    %dot_general3A_49 = arith.constant dense<0.000000e+00> : vector<4096x128xf32>
    %dot_general3A_50 = tpu.matmul %select_n3A, %get3A_48, %dot_general3A_49 {dimension_numbers = #tpu.dot_dimension_numbers<[1], [0], [0], [1], [0, 0, 1, 1], [], []>, transpose_lhs_hint = false} : vector<4096x128xf32>, vector<128x128xf32>, vector<4096x128xf32> -> vector<4096x128xf32>
    %get3A_51 = arith.constant 0 : index
    %get3A_52 = arith.constant 0 : index
    %get3A_53 = vector.load %arg10[%get3A_51, %get3A_52] : memref<1x128xf32, #tpu.memory_space<vmem>>, vector<1x128xf32>
    %add3A_54 = vector.broadcast %get3A_53 : vector<1x128xf32> to vector<4096x128xf32>
    %add3A_55 = arith.addf %dot_general3A_50, %add3A_54 : vector<4096x128xf32>
    %ge3A_56 = arith.constant 0.000000e+00 : f32
    %ge3A_57 = vector.broadcast %ge3A_56 : f32 to vector<4096x128xf32>
    %ge3A_58 = arith.cmpf oge, %add3A_55, %ge3A_57 : vector<4096x128xf32>
    %mul3A_59 = arith.constant 0.00999999977 : f32
    %mul3A_60 = vector.broadcast %mul3A_59 : f32 to vector<4096x128xf32>
    %mul3A_61 = arith.mulf %mul3A_60, %add3A_55 : vector<4096x128xf32>
    %select_n3A_62 = arith.select %ge3A_58, %add3A_55, %mul3A_61 : vector<4096x128xi1>, vector<4096x128xf32>
    %get3A_63 = arith.constant 0 : index
    %get3A_64 = arith.constant 0 : index
    %get3A_65 = vector.load %arg11[%get3A_63, %get3A_64] : memref<128x1xf32, #tpu.memory_space<vmem>>, vector<128x1xf32>
    %dot_general3A_66 = arith.constant dense<0.000000e+00> : vector<4096x1xf32>
    %dot_general3A_67 = tpu.matmul %select_n3A_62, %get3A_65, %dot_general3A_66 {dimension_numbers = #tpu.dot_dimension_numbers<[1], [0], [0], [1], [0, 0, 1, 1], [], []>, transpose_lhs_hint = false} : vector<4096x128xf32>, vector<128x1xf32>, vector<4096x1xf32> -> vector<4096x1xf32>
    %get3A_68 = arith.constant 0 : index
    %get3A_69 = arith.constant 0 : index
    %get3A_70 = vector.load %arg12[%get3A_68, %get3A_69] : memref<1x1xf32, #tpu.memory_space<vmem>>, vector<1x1xf32>
    %add3A_71 = vector.broadcast %get3A_70 : vector<1x1xf32> to vector<4096x1xf32>
    %add3A_72 = arith.addf %dot_general3A_67, %add3A_71 : vector<4096x1xf32>
    %squeeze3A = vector.shape_cast %add3A_72 : vector<4096x1xf32> to vector<4096xf32>
    %swap3A = arith.constant 0 : index
    %swap3A_73 = arith.constant 0 : index
    %swap3A_74 = arith.constant 0 : index
    %swap3A_75 = vector.load %arg13[%swap3A, %swap3A_73, %swap3A_74] : memref<1x1x4096xf32, #tpu.memory_space<vmem>>, vector<1x1x4096xf32>
    %swap3A_76 = vector.shape_cast %swap3A_75 : vector<1x1x4096xf32> to vector<4096xf32>
    %swap3A_77 = vector.shape_cast %squeeze3A : vector<4096xf32> to vector<1x1x4096xf32>
    tpu.vector_store %arg13[%swap3A, %swap3A_73, %swap3A_74], %swap3A_77 {strides = array<i32>} : memref<1x1x4096xf32, #tpu.memory_space<vmem>>, vector<1x1x4096xf32>,
    return
  }
  func.func @transform_0(%arg0: i32) -> (i32, i32, i32) {
    %c0_i32 = arith.constant 0 : i32
    %c0_i32_0 = arith.constant 0 : i32
    %c0_i32_1 = arith.constant 0 : i32
    return %arg0, %c0_i32, %c0_i32_0 : i32, i32, i32
  }
  func.func @transform_1(%arg0: i32) -> (i32, i32, i32) {
    %c0_i32 = arith.constant 0 : i32
    %c0_i32_0 = arith.constant 0 : i32
    %c0_i32_1 = arith.constant 0 : i32
    return %arg0, %c0_i32, %c0_i32_0 : i32, i32, i32
  }
  func.func @transform_2(%arg0: i32) -> (i32, i32) {
    %c0_i32 = arith.constant 0 : i32
    %c0_i32_0 = arith.constant 0 : i32
    return %arg0, %c0_i32 : i32, i32
  }
  func.func @transform_3(%arg0: i32) -> (i32, i32) {
    %c0_i32 = arith.constant 0 : i32
    %c0_i32_0 = arith.constant 0 : i32
    %c0_i32_1 = arith.constant 0 : i32
    return %c0_i32, %c0_i32_0 : i32, i32
  }
  func.func @transform_4(%arg0: i32) -> (i32, i32) {
    %c0_i32 = arith.constant 0 : i32
    %c0_i32_0 = arith.constant 0 : i32
    %c0_i32_1 = arith.constant 0 : i32
    return %c0_i32, %c0_i32_0 : i32, i32
  }
  func.func @transform_5(%arg0: i32) -> (i32, i32) {
    %c0_i32 = arith.constant 0 : i32
    %c0_i32_0 = arith.constant 0 : i32
    %c0_i32_1 = arith.constant 0 : i32
    return %c0_i32, %c0_i32_0 : i32, i32
  }
  func.func @transform_6(%arg0: i32) -> (i32, i32) {
    %c0_i32 = arith.constant 0 : i32
    %c0_i32_0 = arith.constant 0 : i32
    %c0_i32_1 = arith.constant 0 : i32
    return %c0_i32, %c0_i32_0 : i32, i32
  }
  func.func @transform_7(%arg0: i32) -> (i32, i32) {
    %c0_i32 = arith.constant 0 : i32
    %c0_i32_0 = arith.constant 0 : i32
    %c0_i32_1 = arith.constant 0 : i32
    return %c0_i32, %c0_i32_0 : i32, i32
  }
  func.func @transform_8(%arg0: i32) -> (i32, i32) {
    %c0_i32 = arith.constant 0 : i32
    %c0_i32_0 = arith.constant 0 : i32
    %c0_i32_1 = arith.constant 0 : i32
    return %c0_i32, %c0_i32_0 : i32, i32
  }
  func.func @transform_9(%arg0: i32) -> (i32, i32) {
    %c0_i32 = arith.constant 0 : i32
    %c0_i32_0 = arith.constant 0 : i32
    %c0_i32_1 = arith.constant 0 : i32
    return %c0_i32, %c0_i32_0 : i32, i32
  }
  func.func @transform_10(%arg0: i32) -> (i32, i32) {
    %c0_i32 = arith.constant 0 : i32
    %c0_i32_0 = arith.constant 0 : i32
    %c0_i32_1 = arith.constant 0 : i32
    return %c0_i32, %c0_i32_0 : i32, i32
  }
  func.func @transform_11(%arg0: i32) -> (i32, i32) {
    %c0_i32 = arith.constant 0 : i32
    %c0_i32_0 = arith.constant 0 : i32
    %c0_i32_1 = arith.constant 0 : i32
    return %c0_i32, %c0_i32_0 : i32, i32
  }
  func.func @transform_12(%arg0: i32) -> (i32, i32, i32) {
    %c0_i32 = arith.constant 0 : i32
    %c0_i32_0 = arith.constant 0 : i32
    %c0_i32_1 = arith.constant 0 : i32
    return %arg0, %c0_i32, %c0_i32_0 : i32, i32, i32
  }
}

module attributes {stable_mosaic.version = 14 : i64} {
  func.func @_mlp_body(%arg0: i32, %arg1: memref<1x1x4096xi32, #tpu.memory_space<vmem>>, %arg2: memref<1x1x4096xf32, #tpu.memory_space<vmem>>, %arg3: memref<4096x128xf32, #tpu.memory_space<vmem>>, %arg4: memref<256x128xf32, #tpu.memory_space<vmem>>, %arg5: memref<256x128xf32, #tpu.memory_space<vmem>>, %arg6: memref<256x128xf32, #tpu.memory_space<vmem>>, %arg7: memref<384x128xf32, #tpu.memory_space<vmem>>, %arg8: memref<1x128xf32, #tpu.memory_space<vmem>>, %arg9: memref<128x128xf32, #tpu.memory_space<vmem>>, %arg10: memref<1x128xf32, #tpu.memory_space<vmem>>, %arg11: memref<128x1xf32, #tpu.memory_space<vmem>>, %arg12: memref<1x1xf32, #tpu.memory_space<vmem>>, %arg13: memref<1x1x4096xf32, #tpu.memory_space<vmem>>) attributes {dimension_semantics = [#tpu.dimension_semantics<arbitrary>], iteration_bounds = array<i64: 1>, scalar_prefetch = 0 : i64, scratch_operands = 0 : i64, tpu.core_type = #tpu.core_type<tc>, window_params = [{transform_indices = @transform_0, window_bounds = array<i64: 1, 1, 4096>}, {transform_indices = @transform_1, window_bounds = array<i64: 1, 1, 4096>}, {transform_indices = @transform_2, window_bounds = array<i64: 4096, 128>}, {pipeline_mode = #tpu.pipeline_mode<synchronous>, transform_indices = @transform_3, window_bounds = array<i64: 256, 128>}, {pipeline_mode = #tpu.pipeline_mode<synchronous>, transform_indices = @transform_4, window_bounds = array<i64: 256, 128>}, {pipeline_mode = #tpu.pipeline_mode<synchronous>, transform_indices = @transform_5, window_bounds = array<i64: 256, 128>}, {pipeline_mode = #tpu.pipeline_mode<synchronous>, transform_indices = @transform_6, window_bounds = array<i64: 384, 128>}, {pipeline_mode = #tpu.pipeline_mode<synchronous>, transform_indices = @transform_7, window_bounds = array<i64: 1, 128>}, {pipeline_mode = #tpu.pipeline_mode<synchronous>, transform_indices = @transform_8, window_bounds = array<i64: 128, 128>}, {pipeline_mode = #tpu.pipeline_mode<synchronous>, transform_indices = @transform_9, window_bounds = array<i64: 1, 128>}, {pipeline_mode = #tpu.pipeline_mode<synchronous>, transform_indices = @transform_10, window_bounds = array<i64: 128, 1>}, {pipeline_mode = #tpu.pipeline_mode<synchronous>, transform_indices = @transform_11, window_bounds = array<i64: 1, 1>}, {transform_indices = @transform_12, window_bounds = array<i64: 1, 1, 4096>}]} {
    %get3A = arith.constant 0 : index
    %get3A_0 = arith.constant 0 : index
    %get3A_1 = arith.constant 0 : index
    %get3A_2 = vector.load %arg1[%get3A, %get3A_0, %get3A_1] : memref<1x1x4096xi32, #tpu.memory_space<vmem>>, vector<1x1x4096xi32>
    %get3A_3 = vector.shape_cast %get3A_2 : vector<1x1x4096xi32> to vector<4096xi32>
    %broadcast_in_dim3A = vector.shape_cast %get3A_3 : vector<4096xi32> to vector<4096x1xi32>
    %iota3A = tpu.iota {dimensions = array<i32: 1>} : vector<4096x256xi32>
    %eq3A = vector.broadcast %broadcast_in_dim3A : vector<4096x1xi32> to vector<4096x256xi32>
    %eq3A_4 = arith.cmpi eq, %eq3A, %iota3A : vector<4096x256xi32>
    %convert_element_type3A = arith.extui %eq3A_4 : vector<4096x256xi1> to vector<4096x256xi32>
    %convert_element_type3A_5 = arith.sitofp %convert_element_type3A : vector<4096x256xi32> to vector<4096x256xf32>
    %get3A_6 = arith.constant 0 : index
    %get3A_7 = arith.constant 0 : index
    %get3A_8 = vector.load %arg4[%get3A_6, %get3A_7] : memref<256x128xf32, #tpu.memory_space<vmem>>, vector<256x128xf32>
    %dot_general3A = arith.constant dense<0.000000e+00> : vector<4096x128xf32>
    %dot_general3A_9 = tpu.matmul %convert_element_type3A_5, %get3A_8, %dot_general3A {dimension_numbers = #tpu.dot_dimension_numbers<[1], [0], [0], [1], [0, 0, 1, 1], [], []>, transpose_lhs_hint = false} : vector<4096x256xf32>, vector<256x128xf32>, vector<4096x128xf32> -> vector<4096x128xf32>
    %get3A_10 = arith.constant 0 : index
    %get3A_11 = arith.constant 0 : index
    %get3A_12 = vector.load %arg5[%get3A_10, %get3A_11] : memref<256x128xf32, #tpu.memory_space<vmem>>, vector<256x128xf32>
    %dot_general3A_13 = arith.constant dense<0.000000e+00> : vector<4096x128xf32>
    %dot_general3A_14 = tpu.matmul %convert_element_type3A_5, %get3A_12, %dot_general3A_13 {dimension_numbers = #tpu.dot_dimension_numbers<[1], [0], [0], [1], [0, 0, 1, 1], [], []>, transpose_lhs_hint = false} : vector<4096x256xf32>, vector<256x128xf32>, vector<4096x128xf32> -> vector<4096x128xf32>
    %add3A = arith.addf %dot_general3A_9, %dot_general3A_14 : vector<4096x128xf32>
    %get3A_15 = arith.constant 0 : index
    %get3A_16 = arith.constant 0 : index
    %get3A_17 = vector.load %arg6[%get3A_15, %get3A_16] : memref<256x128xf32, #tpu.memory_space<vmem>>, vector<256x128xf32>
    %dot_general3A_18 = arith.constant dense<0.000000e+00> : vector<4096x128xf32>
    %dot_general3A_19 = tpu.matmul %convert_element_type3A_5, %get3A_17, %dot_general3A_18 {dimension_numbers = #tpu.dot_dimension_numbers<[1], [0], [0], [1], [0, 0, 1, 1], [], []>, transpose_lhs_hint = false} : vector<4096x256xf32>, vector<256x128xf32>, vector<4096x128xf32> -> vector<4096x128xf32>
    %add3A_20 = arith.addf %add3A, %dot_general3A_19 : vector<4096x128xf32>
    %get3A_21 = arith.constant 0 : index
    %get3A_22 = arith.constant 0 : index
    %get3A_23 = arith.constant 0 : index
    %get3A_24 = vector.load %arg2[%get3A_21, %get3A_22, %get3A_23] : memref<1x1x4096xf32, #tpu.memory_space<vmem>>, vector<1x1x4096xf32>
    %get3A_25 = vector.shape_cast %get3A_24 : vector<1x1x4096xf32> to vector<4096xf32>
    %get3A_26 = arith.constant 0 : index
    %get3A_27 = arith.constant 0 : index
    %get3A_28 = vector.load %arg3[%get3A_26, %get3A_27] : memref<4096x128xf32, #tpu.memory_space<vmem>>, vector<4096x128xf32>
    %broadcast_in_dim3A_29 = vector.shape_cast %get3A_25 : vector<4096xf32> to vector<4096x1xf32>
    %broadcast_in_dim3A_30 = arith.constant 0.000000e+00 : f32
    %broadcast_in_dim3A_31 = vector.broadcast %broadcast_in_dim3A_30 : f32 to vector<4096x127xf32>
    %concatenate3A = tpu.concatenate %add3A_20, %get3A_28, %broadcast_in_dim3A_29, %broadcast_in_dim3A_31 in 1 : vector<4096x128xf32>, vector<4096x128xf32>, vector<4096x1xf32>, vector<4096x127xf32> -> vector<4096x384xf32>
    %get3A_32 = arith.constant 0 : index
    %get3A_33 = arith.constant 0 : index
    %get3A_34 = vector.load %arg7[%get3A_32, %get3A_33] : memref<384x128xf32, #tpu.memory_space<vmem>>, vector<384x128xf32>
    %dot_general3A_35 = arith.constant dense<0.000000e+00> : vector<4096x128xf32>
    %dot_general3A_36 = tpu.matmul %concatenate3A, %get3A_34, %dot_general3A_35 {dimension_numbers = #tpu.dot_dimension_numbers<[1], [0], [0], [1], [0, 0, 1, 1], [], []>, transpose_lhs_hint = false} : vector<4096x384xf32>, vector<384x128xf32>, vector<4096x128xf32> -> vector<4096x128xf32>
    %get3A_37 = arith.constant 0 : index
    %get3A_38 = arith.constant 0 : index
    %get3A_39 = vector.load %arg8[%get3A_37, %get3A_38] : memref<1x128xf32, #tpu.memory_space<vmem>>, vector<1x128xf32>
    %add3A_40 = vector.broadcast %get3A_39 : vector<1x128xf32> to vector<4096x128xf32>
    %add3A_41 = arith.addf %dot_general3A_36, %add3A_40 : vector<4096x128xf32>
    %ge3A = arith.constant 0.000000e+00 : f32
    %ge3A_42 = vector.broadcast %ge3A : f32 to vector<4096x128xf32>
    %ge3A_43 = arith.cmpf oge, %add3A_41, %ge3A_42 : vector<4096x128xf32>
    %mul3A = arith.constant 0.00999999977 : f32
    %mul3A_44 = vector.broadcast %mul3A : f32 to vector<4096x128xf32>
    %mul3A_45 = arith.mulf %mul3A_44, %add3A_41 : vector<4096x128xf32>
    %select_n3A = arith.select %ge3A_43, %add3A_41, %mul3A_45 : vector<4096x128xi1>, vector<4096x128xf32>
    %get3A_46 = arith.constant 0 : index
    %get3A_47 = arith.constant 0 : index
    %get3A_48 = vector.load %arg9[%get3A_46, %get3A_47] : memref<128x128xf32, #tpu.memory_space<vmem>>, vector<128x128xf32>
    %dot_general3A_49 = arith.constant dense<0.000000e+00> : vector<4096x128xf32>
    %dot_general3A_50 = tpu.matmul %select_n3A, %get3A_48, %dot_general3A_49 {dimension_numbers = #tpu.dot_dimension_numbers<[1], [0], [0], [1], [0, 0, 1, 1], [], []>, transpose_lhs_hint = false} : vector<4096x128xf32>, vector<128x128xf32>, vector<4096x128xf32> -> vector<4096x128xf32>
    %get3A_51 = arith.constant 0 : index
    %get3A_52 = arith.constant 0 : index
    %get3A_53 = vector.load %arg10[%get3A_51, %get3A_52] : memref<1x128xf32, #tpu.memory_space<vmem>>, vector<1x128xf32>
    %add3A_54 = vector.broadcast %get3A_53 : vector<1x128xf32> to vector<4096x128xf32>
    %add3A_55 = arith.addf %dot_general3A_50, %add3A_54 : vector<4096x128xf32>
    %ge3A_56 = arith.constant 0.000000e+00 : f32
    %ge3A_57 = vector.broadcast %ge3A_56 : f32 to vector<4096x128xf32>
    %ge3A_58 = arith.cmpf oge, %add3A_55, %ge3A_57 : vector<4096x128xf32>
    %mul3A_59 = arith.constant 0.00999999977 : f32
    %mul3A_60 = vector.broadcast %mul3A_59 : f32 to vector<4096x128xf32>
    %mul3A_61 = arith.mulf %mul3A_60, %add3A_55 : vector<4096x128xf32>
    %select_n3A_62 = arith.select %ge3A_58, %add3A_55, %mul3A_61 : vector<4096x128xi1>, vector<4096x128xf32>
    %get3A_63 = arith.constant 0 : index
    %get3A_64 = arith.constant 0 : index
    %get3A_65 = vector.load %arg11[%get3A_63, %get3A_64] : memref<128x1xf32, #tpu.memory_space<vmem>>, vector<128x1xf32>
    %dot_general3A_66 = arith.constant dense<0.000000e+00> : vector<4096x1xf32>
    %dot_general3A_67 = tpu.matmul %select_n3A_62, %get3A_65, %dot_general3A_66 {dimension_numbers = #tpu.dot_dimension_numbers<[1], [0], [0], [1], [0, 0, 1, 1], [], []>, transpose_lhs_hint = false} : vector<4096x128xf32>, vector<128x1xf32>, vector<4096x1xf32> -> vector<4096x1xf32>
    %get3A_68 = arith.constant 0 : index
    %get3A_69 = arith.constant 0 : index
    %get3A_70 = vector.load %arg12[%get3A_68, %get3A_69] : memref<1x1xf32, #tpu.memory_space<vmem>>, vector<1x1xf32>
    %add3A_71 = vector.broadcast %get3A_70 : vector<1x1xf32> to vector<4096x1xf32>
    %add3A_72 = arith.addf %dot_general3A_67, %add3A_71 : vector<4096x1xf32>
    %squeeze3A = vector.shape_cast %add3A_72 : vector<4096x1xf32> to vector<4096xf32>
    %swap3A = arith.constant 0 : index
    %swap3A_73 = arith.constant 0 : index
    %swap3A_74 = arith.constant 0 : index
    %swap3A_75 = vector.load %arg13[%swap3A, %swap3A_73, %swap3A_74] : memref<1x1x4096xf32, #tpu.memory_space<vmem>>, vector<1x1x4096xf32>
    %swap3A_76 = vector.shape_cast %swap3A_75 : vector<1x1x4096xf32> to vector<4096xf32>
    %swap3A_77 = vector.shape_cast %squeeze3A : vector<4096xf32> to vector<1x1x4096xf32>
    tpu.vector_store %arg13[%swap3A, %swap3A_73, %swap3A_74], %swap3A_77 {strides = array<i32>} : memref<1x1x4096xf32, #tpu.memory_space<vmem>>, vector<1x1x4096xf32>,
    return
  }
  func.func @transform_0(%arg0: i32) -> (i32, i32, i32) {
    %c0_i32 = arith.constant 0 : i32
    %c0_i32_0 = arith.constant 0 : i32
    %c0_i32_1 = arith.constant 0 : i32
    return %arg0, %c0_i32, %c0_i32_0 : i32, i32, i32
  }
  func.func @transform_1(%arg0: i32) -> (i32, i32, i32) {
    %c0_i32 = arith.constant 0 : i32
    %c0_i32_0 = arith.constant 0 : i32
    %c0_i32_1 = arith.constant 0 : i32
    return %arg0, %c0_i32, %c0_i32_0 : i32, i32, i32
  }
  func.func @transform_2(%arg0: i32) -> (i32, i32) {
    %c0_i32 = arith.constant 0 : i32
    %c0_i32_0 = arith.constant 0 : i32
    return %arg0, %c0_i32 : i32, i32
  }
  func.func @transform_3(%arg0: i32) -> (i32, i32) {
    %c0_i32 = arith.constant 0 : i32
    %c0_i32_0 = arith.constant 0 : i32
    %c0_i32_1 = arith.constant 0 : i32
    return %c0_i32, %c0_i32_0 : i32, i32
  }
  func.func @transform_4(%arg0: i32) -> (i32, i32) {
    %c0_i32 = arith.constant 0 : i32
    %c0_i32_0 = arith.constant 0 : i32
    %c0_i32_1 = arith.constant 0 : i32
    return %c0_i32, %c0_i32_0 : i32, i32
  }
  func.func @transform_5(%arg0: i32) -> (i32, i32) {
    %c0_i32 = arith.constant 0 : i32
    %c0_i32_0 = arith.constant 0 : i32
    %c0_i32_1 = arith.constant 0 : i32
    return %c0_i32, %c0_i32_0 : i32, i32
  }
  func.func @transform_6(%arg0: i32) -> (i32, i32) {
    %c0_i32 = arith.constant 0 : i32
    %c0_i32_0 = arith.constant 0 : i32
    %c0_i32_1 = arith.constant 0 : i32
    return %c0_i32, %c0_i32_0 : i32, i32
  }
  func.func @transform_7(%arg0: i32) -> (i32, i32) {
    %c0_i32 = arith.constant 0 : i32
    %c0_i32_0 = arith.constant 0 : i32
    %c0_i32_1 = arith.constant 0 : i32
    return %c0_i32, %c0_i32_0 : i32, i32
  }
  func.func @transform_8(%arg0: i32) -> (i32, i32) {
    %c0_i32 = arith.constant 0 : i32
    %c0_i32_0 = arith.constant 0 : i32
    %c0_i32_1 = arith.constant 0 : i32
    return %c0_i32, %c0_i32_0 : i32, i32
  }
  func.func @transform_9(%arg0: i32) -> (i32, i32) {
    %c0_i32 = arith.constant 0 : i32
    %c0_i32_0 = arith.constant 0 : i32
    %c0_i32_1 = arith.constant 0 : i32
    return %c0_i32, %c0_i32_0 : i32, i32
  }
  func.func @transform_10(%arg0: i32) -> (i32, i32) {
    %c0_i32 = arith.constant 0 : i32
    %c0_i32_0 = arith.constant 0 : i32
    %c0_i32_1 = arith.constant 0 : i32
    return %c0_i32, %c0_i32_0 : i32, i32
  }
  func.func @transform_11(%arg0: i32) -> (i32, i32) {
    %c0_i32 = arith.constant 0 : i32
    %c0_i32_0 = arith.constant 0 : i32
    %c0_i32_1 = arith.constant 0 : i32
    return %c0_i32, %c0_i32_0 : i32, i32
  }
  func.func @transform_12(%arg0: i32) -> (i32, i32, i32) {
    %c0_i32 = arith.constant 0 : i32
    %c0_i32_0 = arith.constant 0 : i32
    %c0_i32_1 = arith.constant 0 : i32
    return %arg0, %c0_i32, %c0_i32_0 : i32, i32, i32
  }
}

module attributes {stable_mosaic.version = 14 : i64} {
  func.func @_mlp_body(%arg0: i32, %arg1: memref<1x1x4096xi32, #tpu.memory_space<vmem>>, %arg2: memref<1x1x4096xf32, #tpu.memory_space<vmem>>, %arg3: memref<4096x128xf32, #tpu.memory_space<vmem>>, %arg4: memref<256x128xf32, #tpu.memory_space<vmem>>, %arg5: memref<256x128xf32, #tpu.memory_space<vmem>>, %arg6: memref<256x128xf32, #tpu.memory_space<vmem>>, %arg7: memref<384x128xf32, #tpu.memory_space<vmem>>, %arg8: memref<1x128xf32, #tpu.memory_space<vmem>>, %arg9: memref<128x128xf32, #tpu.memory_space<vmem>>, %arg10: memref<1x128xf32, #tpu.memory_space<vmem>>, %arg11: memref<128x1xf32, #tpu.memory_space<vmem>>, %arg12: memref<1x1xf32, #tpu.memory_space<vmem>>, %arg13: memref<1x1x4096xf32, #tpu.memory_space<vmem>>) attributes {dimension_semantics = [#tpu.dimension_semantics<arbitrary>], iteration_bounds = array<i64: 1>, scalar_prefetch = 0 : i64, scratch_operands = 0 : i64, tpu.core_type = #tpu.core_type<tc>, window_params = [{transform_indices = @transform_0, window_bounds = array<i64: 1, 1, 4096>}, {transform_indices = @transform_1, window_bounds = array<i64: 1, 1, 4096>}, {transform_indices = @transform_2, window_bounds = array<i64: 4096, 128>}, {pipeline_mode = #tpu.pipeline_mode<synchronous>, transform_indices = @transform_3, window_bounds = array<i64: 256, 128>}, {pipeline_mode = #tpu.pipeline_mode<synchronous>, transform_indices = @transform_4, window_bounds = array<i64: 256, 128>}, {pipeline_mode = #tpu.pipeline_mode<synchronous>, transform_indices = @transform_5, window_bounds = array<i64: 256, 128>}, {pipeline_mode = #tpu.pipeline_mode<synchronous>, transform_indices = @transform_6, window_bounds = array<i64: 384, 128>}, {pipeline_mode = #tpu.pipeline_mode<synchronous>, transform_indices = @transform_7, window_bounds = array<i64: 1, 128>}, {pipeline_mode = #tpu.pipeline_mode<synchronous>, transform_indices = @transform_8, window_bounds = array<i64: 128, 128>}, {pipeline_mode = #tpu.pipeline_mode<synchronous>, transform_indices = @transform_9, window_bounds = array<i64: 1, 128>}, {pipeline_mode = #tpu.pipeline_mode<synchronous>, transform_indices = @transform_10, window_bounds = array<i64: 128, 1>}, {pipeline_mode = #tpu.pipeline_mode<synchronous>, transform_indices = @transform_11, window_bounds = array<i64: 1, 1>}, {transform_indices = @transform_12, window_bounds = array<i64: 1, 1, 4096>}]} {
    %get3A = arith.constant 0 : index
    %get3A_0 = arith.constant 0 : index
    %get3A_1 = arith.constant 0 : index
    %get3A_2 = vector.load %arg1[%get3A, %get3A_0, %get3A_1] : memref<1x1x4096xi32, #tpu.memory_space<vmem>>, vector<1x1x4096xi32>
    %get3A_3 = vector.shape_cast %get3A_2 : vector<1x1x4096xi32> to vector<4096xi32>
    %broadcast_in_dim3A = vector.shape_cast %get3A_3 : vector<4096xi32> to vector<4096x1xi32>
    %iota3A = tpu.iota {dimensions = array<i32: 1>} : vector<4096x256xi32>
    %eq3A = vector.broadcast %broadcast_in_dim3A : vector<4096x1xi32> to vector<4096x256xi32>
    %eq3A_4 = arith.cmpi eq, %eq3A, %iota3A : vector<4096x256xi32>
    %convert_element_type3A = arith.extui %eq3A_4 : vector<4096x256xi1> to vector<4096x256xi32>
    %convert_element_type3A_5 = arith.sitofp %convert_element_type3A : vector<4096x256xi32> to vector<4096x256xf32>
    %get3A_6 = arith.constant 0 : index
    %get3A_7 = arith.constant 0 : index
    %get3A_8 = vector.load %arg4[%get3A_6, %get3A_7] : memref<256x128xf32, #tpu.memory_space<vmem>>, vector<256x128xf32>
    %dot_general3A = arith.constant dense<0.000000e+00> : vector<4096x128xf32>
    %dot_general3A_9 = tpu.matmul %convert_element_type3A_5, %get3A_8, %dot_general3A {dimension_numbers = #tpu.dot_dimension_numbers<[1], [0], [0], [1], [0, 0, 1, 1], [], []>, transpose_lhs_hint = false} : vector<4096x256xf32>, vector<256x128xf32>, vector<4096x128xf32> -> vector<4096x128xf32>
    %get3A_10 = arith.constant 0 : index
    %get3A_11 = arith.constant 0 : index
    %get3A_12 = vector.load %arg5[%get3A_10, %get3A_11] : memref<256x128xf32, #tpu.memory_space<vmem>>, vector<256x128xf32>
    %dot_general3A_13 = arith.constant dense<0.000000e+00> : vector<4096x128xf32>
    %dot_general3A_14 = tpu.matmul %convert_element_type3A_5, %get3A_12, %dot_general3A_13 {dimension_numbers = #tpu.dot_dimension_numbers<[1], [0], [0], [1], [0, 0, 1, 1], [], []>, transpose_lhs_hint = false} : vector<4096x256xf32>, vector<256x128xf32>, vector<4096x128xf32> -> vector<4096x128xf32>
    %add3A = arith.addf %dot_general3A_9, %dot_general3A_14 : vector<4096x128xf32>
    %get3A_15 = arith.constant 0 : index
    %get3A_16 = arith.constant 0 : index
    %get3A_17 = vector.load %arg6[%get3A_15, %get3A_16] : memref<256x128xf32, #tpu.memory_space<vmem>>, vector<256x128xf32>
    %dot_general3A_18 = arith.constant dense<0.000000e+00> : vector<4096x128xf32>
    %dot_general3A_19 = tpu.matmul %convert_element_type3A_5, %get3A_17, %dot_general3A_18 {dimension_numbers = #tpu.dot_dimension_numbers<[1], [0], [0], [1], [0, 0, 1, 1], [], []>, transpose_lhs_hint = false} : vector<4096x256xf32>, vector<256x128xf32>, vector<4096x128xf32> -> vector<4096x128xf32>
    %add3A_20 = arith.addf %add3A, %dot_general3A_19 : vector<4096x128xf32>
    %get3A_21 = arith.constant 0 : index
    %get3A_22 = arith.constant 0 : index
    %get3A_23 = arith.constant 0 : index
    %get3A_24 = vector.load %arg2[%get3A_21, %get3A_22, %get3A_23] : memref<1x1x4096xf32, #tpu.memory_space<vmem>>, vector<1x1x4096xf32>
    %get3A_25 = vector.shape_cast %get3A_24 : vector<1x1x4096xf32> to vector<4096xf32>
    %get3A_26 = arith.constant 0 : index
    %get3A_27 = arith.constant 0 : index
    %get3A_28 = vector.load %arg3[%get3A_26, %get3A_27] : memref<4096x128xf32, #tpu.memory_space<vmem>>, vector<4096x128xf32>
    %broadcast_in_dim3A_29 = vector.shape_cast %get3A_25 : vector<4096xf32> to vector<4096x1xf32>
    %broadcast_in_dim3A_30 = arith.constant 0.000000e+00 : f32
    %broadcast_in_dim3A_31 = vector.broadcast %broadcast_in_dim3A_30 : f32 to vector<4096x127xf32>
    %concatenate3A = tpu.concatenate %add3A_20, %get3A_28, %broadcast_in_dim3A_29, %broadcast_in_dim3A_31 in 1 : vector<4096x128xf32>, vector<4096x128xf32>, vector<4096x1xf32>, vector<4096x127xf32> -> vector<4096x384xf32>
    %get3A_32 = arith.constant 0 : index
    %get3A_33 = arith.constant 0 : index
    %get3A_34 = vector.load %arg7[%get3A_32, %get3A_33] : memref<384x128xf32, #tpu.memory_space<vmem>>, vector<384x128xf32>
    %dot_general3A_35 = arith.constant dense<0.000000e+00> : vector<4096x128xf32>
    %dot_general3A_36 = tpu.matmul %concatenate3A, %get3A_34, %dot_general3A_35 {dimension_numbers = #tpu.dot_dimension_numbers<[1], [0], [0], [1], [0, 0, 1, 1], [], []>, transpose_lhs_hint = false} : vector<4096x384xf32>, vector<384x128xf32>, vector<4096x128xf32> -> vector<4096x128xf32>
    %get3A_37 = arith.constant 0 : index
    %get3A_38 = arith.constant 0 : index
    %get3A_39 = vector.load %arg8[%get3A_37, %get3A_38] : memref<1x128xf32, #tpu.memory_space<vmem>>, vector<1x128xf32>
    %add3A_40 = vector.broadcast %get3A_39 : vector<1x128xf32> to vector<4096x128xf32>
    %add3A_41 = arith.addf %dot_general3A_36, %add3A_40 : vector<4096x128xf32>
    %ge3A = arith.constant 0.000000e+00 : f32
    %ge3A_42 = vector.broadcast %ge3A : f32 to vector<4096x128xf32>
    %ge3A_43 = arith.cmpf oge, %add3A_41, %ge3A_42 : vector<4096x128xf32>
    %mul3A = arith.constant 0.00999999977 : f32
    %mul3A_44 = vector.broadcast %mul3A : f32 to vector<4096x128xf32>
    %mul3A_45 = arith.mulf %mul3A_44, %add3A_41 : vector<4096x128xf32>
    %select_n3A = arith.select %ge3A_43, %add3A_41, %mul3A_45 : vector<4096x128xi1>, vector<4096x128xf32>
    %get3A_46 = arith.constant 0 : index
    %get3A_47 = arith.constant 0 : index
    %get3A_48 = vector.load %arg9[%get3A_46, %get3A_47] : memref<128x128xf32, #tpu.memory_space<vmem>>, vector<128x128xf32>
    %dot_general3A_49 = arith.constant dense<0.000000e+00> : vector<4096x128xf32>
    %dot_general3A_50 = tpu.matmul %select_n3A, %get3A_48, %dot_general3A_49 {dimension_numbers = #tpu.dot_dimension_numbers<[1], [0], [0], [1], [0, 0, 1, 1], [], []>, transpose_lhs_hint = false} : vector<4096x128xf32>, vector<128x128xf32>, vector<4096x128xf32> -> vector<4096x128xf32>
    %get3A_51 = arith.constant 0 : index
    %get3A_52 = arith.constant 0 : index
    %get3A_53 = vector.load %arg10[%get3A_51, %get3A_52] : memref<1x128xf32, #tpu.memory_space<vmem>>, vector<1x128xf32>
    %add3A_54 = vector.broadcast %get3A_53 : vector<1x128xf32> to vector<4096x128xf32>
    %add3A_55 = arith.addf %dot_general3A_50, %add3A_54 : vector<4096x128xf32>
    %ge3A_56 = arith.constant 0.000000e+00 : f32
    %ge3A_57 = vector.broadcast %ge3A_56 : f32 to vector<4096x128xf32>
    %ge3A_58 = arith.cmpf oge, %add3A_55, %ge3A_57 : vector<4096x128xf32>
    %mul3A_59 = arith.constant 0.00999999977 : f32
    %mul3A_60 = vector.broadcast %mul3A_59 : f32 to vector<4096x128xf32>
    %mul3A_61 = arith.mulf %mul3A_60, %add3A_55 : vector<4096x128xf32>
    %select_n3A_62 = arith.select %ge3A_58, %add3A_55, %mul3A_61 : vector<4096x128xi1>, vector<4096x128xf32>
    %get3A_63 = arith.constant 0 : index
    %get3A_64 = arith.constant 0 : index
    %get3A_65 = vector.load %arg11[%get3A_63, %get3A_64] : memref<128x1xf32, #tpu.memory_space<vmem>>, vector<128x1xf32>
    %dot_general3A_66 = arith.constant dense<0.000000e+00> : vector<4096x1xf32>
    %dot_general3A_67 = tpu.matmul %select_n3A_62, %get3A_65, %dot_general3A_66 {dimension_numbers = #tpu.dot_dimension_numbers<[1], [0], [0], [1], [0, 0, 1, 1], [], []>, transpose_lhs_hint = false} : vector<4096x128xf32>, vector<128x1xf32>, vector<4096x1xf32> -> vector<4096x1xf32>
    %get3A_68 = arith.constant 0 : index
    %get3A_69 = arith.constant 0 : index
    %get3A_70 = vector.load %arg12[%get3A_68, %get3A_69] : memref<1x1xf32, #tpu.memory_space<vmem>>, vector<1x1xf32>
    %add3A_71 = vector.broadcast %get3A_70 : vector<1x1xf32> to vector<4096x1xf32>
    %add3A_72 = arith.addf %dot_general3A_67, %add3A_71 : vector<4096x1xf32>
    %squeeze3A = vector.shape_cast %add3A_72 : vector<4096x1xf32> to vector<4096xf32>
    %swap3A = arith.constant 0 : index
    %swap3A_73 = arith.constant 0 : index
    %swap3A_74 = arith.constant 0 : index
    %swap3A_75 = vector.load %arg13[%swap3A, %swap3A_73, %swap3A_74] : memref<1x1x4096xf32, #tpu.memory_space<vmem>>, vector<1x1x4096xf32>
    %swap3A_76 = vector.shape_cast %swap3A_75 : vector<1x1x4096xf32> to vector<4096xf32>
    %swap3A_77 = vector.shape_cast %squeeze3A : vector<4096xf32> to vector<1x1x4096xf32>
    tpu.vector_store %arg13[%swap3A, %swap3A_73, %swap3A_74], %swap3A_77 {strides = array<i32>} : memref<1x1x4096xf32, #tpu.memory_space<vmem>>, vector<1x1x4096xf32>,
    return
  }
  func.func @transform_0(%arg0: i32) -> (i32, i32, i32) {
    %c0_i32 = arith.constant 0 : i32
    %c0_i32_0 = arith.constant 0 : i32
    %c0_i32_1 = arith.constant 0 : i32
    return %arg0, %c0_i32, %c0_i32_0 : i32, i32, i32
  }
  func.func @transform_1(%arg0: i32) -> (i32, i32, i32) {
    %c0_i32 = arith.constant 0 : i32
    %c0_i32_0 = arith.constant 0 : i32
    %c0_i32_1 = arith.constant 0 : i32
    return %arg0, %c0_i32, %c0_i32_0 : i32, i32, i32
  }
  func.func @transform_2(%arg0: i32) -> (i32, i32) {
    %c0_i32 = arith.constant 0 : i32
    %c0_i32_0 = arith.constant 0 : i32
    return %arg0, %c0_i32 : i32, i32
  }
  func.func @transform_3(%arg0: i32) -> (i32, i32) {
    %c0_i32 = arith.constant 0 : i32
    %c0_i32_0 = arith.constant 0 : i32
    %c0_i32_1 = arith.constant 0 : i32
    return %c0_i32, %c0_i32_0 : i32, i32
  }
  func.func @transform_4(%arg0: i32) -> (i32, i32) {
    %c0_i32 = arith.constant 0 : i32
    %c0_i32_0 = arith.constant 0 : i32
    %c0_i32_1 = arith.constant 0 : i32
    return %c0_i32, %c0_i32_0 : i32, i32
  }
  func.func @transform_5(%arg0: i32) -> (i32, i32) {
    %c0_i32 = arith.constant 0 : i32
    %c0_i32_0 = arith.constant 0 : i32
    %c0_i32_1 = arith.constant 0 : i32
    return %c0_i32, %c0_i32_0 : i32, i32
  }
  func.func @transform_6(%arg0: i32) -> (i32, i32) {
    %c0_i32 = arith.constant 0 : i32
    %c0_i32_0 = arith.constant 0 : i32
    %c0_i32_1 = arith.constant 0 : i32
    return %c0_i32, %c0_i32_0 : i32, i32
  }
  func.func @transform_7(%arg0: i32) -> (i32, i32) {
    %c0_i32 = arith.constant 0 : i32
    %c0_i32_0 = arith.constant 0 : i32
    %c0_i32_1 = arith.constant 0 : i32
    return %c0_i32, %c0_i32_0 : i32, i32
  }
  func.func @transform_8(%arg0: i32) -> (i32, i32) {
    %c0_i32 = arith.constant 0 : i32
    %c0_i32_0 = arith.constant 0 : i32
    %c0_i32_1 = arith.constant 0 : i32
    return %c0_i32, %c0_i32_0 : i32, i32
  }
  func.func @transform_9(%arg0: i32) -> (i32, i32) {
    %c0_i32 = arith.constant 0 : i32
    %c0_i32_0 = arith.constant 0 : i32
    %c0_i32_1 = arith.constant 0 : i32
    return %c0_i32, %c0_i32_0 : i32, i32
  }
  func.func @transform_10(%arg0: i32) -> (i32, i32) {
    %c0_i32 = arith.constant 0 : i32
    %c0_i32_0 = arith.constant 0 : i32
    %c0_i32_1 = arith.constant 0 : i32
    return %c0_i32, %c0_i32_0 : i32, i32
  }
  func.func @transform_11(%arg0: i32) -> (i32, i32) {
    %c0_i32 = arith.constant 0 : i32
    %c0_i32_0 = arith.constant 0 : i32
    %c0_i32_1 = arith.constant 0 : i32
    return %c0_i32, %c0_i32_0 : i32, i32
  }
  func.func @transform_12(%arg0: i32) -> (i32, i32, i32) {
    %c0_i32 = arith.constant 0 : i32
    %c0_i32_0 = arith.constant 0 : i32
    %c0_i32_1 = arith.constant 0 : i32
    return %arg0, %c0_i32, %c0_i32_0 : i32, i32, i32
  }
}

module attributes {stable_mosaic.version = 14 : i64} {
  func.func @_select_body(%arg0: memref<8x2560xf32, #tpu.memory_space<vmem>>, %arg1: memref<8x2560xi32, #tpu.memory_space<vmem>>, %arg2: memref<8x2560xi32, #tpu.memory_space<vmem>>, %arg3: memref<1x1xi32, #tpu.memory_space<vmem>>, %arg4: memref<8x2560xf32, #tpu.memory_space<vmem>>, %arg5: memref<8x32xi32, #tpu.memory_space<vmem>>) attributes {dimension_semantics = [], scalar_prefetch = 0 : i64, scratch_operands = 0 : i64, tpu.core_type = #tpu.core_type<tc>} {
    %iota3A = tpu.iota {dimensions = array<i32: 0>} : vector<8x2560xi32>
    %iota3A_0 = tpu.iota {dimensions = array<i32: 1>} : vector<8x2560xi32>
    %mul3A = arith.constant 2560 : i32
    %mul3A_1 = vector.broadcast %mul3A : i32 to vector<8x2560xi32>
    %mul3A_2 = arith.muli %iota3A, %mul3A_1 : vector<8x2560xi32>
    %add3A = arith.addi %mul3A_2, %iota3A_0 : vector<8x2560xi32>
    %lt3A = arith.constant 20000 : i32
    %lt3A_3 = vector.broadcast %lt3A : i32 to vector<8x2560xi32>
    %lt3A_4 = arith.cmpi slt, %add3A, %lt3A_3 : vector<8x2560xi32>
    %get3A = arith.constant 0 : index
    %get3A_5 = arith.constant 0 : index
    %get3A_6 = vector.load %arg0[%get3A, %get3A_5] : memref<8x2560xf32, #tpu.memory_space<vmem>>, vector<8x2560xf32>
    %jit3A = arith.constant 0xFF800000 : f32
    %broadcast_in_dim3A = vector.broadcast %jit3A : f32 to vector<8x2560xf32>
    %select_n3A = arith.select %lt3A_4, %get3A_6, %broadcast_in_dim3A : vector<8x2560xi1>, vector<8x2560xf32>
    %reduce_max3A = vector.shape_cast %select_n3A : vector<8x2560xf32> to vector<1x8x2560xf32>
    %reduce_max3A_7 = arith.constant dense<0xFF800000> : vector<1xf32>
    %reduce_max3A_8 = vector.multi_reduction <maximumf>, %reduce_max3A, %reduce_max3A_7 [1, 2] : vector<1x8x2560xf32> to vector<1xf32>
    %reduce_max3A_9 = vector.shape_cast %reduce_max3A_8 : vector<1xf32> to vector<1x1x1xf32>
    %reduce_max3A_10 = vector.extract %reduce_max3A_9[0, 0, 0] : f32 from vector<1x1x1xf32>
    %sub3A = vector.broadcast %reduce_max3A_10 : f32 to vector<8x2560xf32>
    %sub3A_11 = arith.subf %select_n3A, %sub3A : vector<8x2560xf32>
    %exp3A = math.exp %sub3A_11 : vector<8x2560xf32>
    %reduce_sum3A = vector.shape_cast %exp3A : vector<8x2560xf32> to vector<1x8x2560xf32>
    %reduce_sum3A_12 = arith.constant dense<0.000000e+00> : vector<1xf32>
    %reduce_sum3A_13 = vector.multi_reduction <add>, %reduce_sum3A, %reduce_sum3A_12 [1, 2] : vector<1x8x2560xf32> to vector<1xf32>
    %reduce_sum3A_14 = vector.shape_cast %reduce_sum3A_13 : vector<1xf32> to vector<1x1x1xf32>
    %reduce_sum3A_15 = vector.extract %reduce_sum3A_14[0, 0, 0] : f32 from vector<1x1x1xf32>
    %div3A = vector.broadcast %reduce_sum3A_15 : f32 to vector<8x2560xf32>
    %div3A_16 = arith.divf %exp3A, %div3A : vector<8x2560xf32>
    %swap3A = arith.constant 0 : index
    %swap3A_17 = arith.constant 0 : index
    %swap3A_18 = vector.load %arg4[%swap3A, %swap3A_17] : memref<8x2560xf32, #tpu.memory_space<vmem>>, vector<8x2560xf32>
    tpu.vector_store %arg4[%swap3A, %swap3A_17], %div3A_16 {strides = array<i32>} : memref<8x2560xf32, #tpu.memory_space<vmem>>, vector<8x2560xf32>,
    %shift_left3A = arith.constant 8 : i32
    %shift_left3A_19 = vector.broadcast %shift_left3A : i32 to vector<8x2560xi32>
    %shift_left3A_20 = arith.shli %add3A, %shift_left3A_19 : vector<8x2560xi32>
    %get3A_21 = arith.constant 0 : index
    %get3A_22 = arith.constant 0 : index
    %get3A_23 = vector.load %arg2[%get3A_21, %get3A_22] : memref<8x2560xi32, #tpu.memory_space<vmem>>, vector<8x2560xi32>
    %or3A = arith.ori %shift_left3A_20, %get3A_23 : vector<8x2560xi32>
    %shift_left3A_24 = arith.constant 13 : i32
    %shift_left3A_25 = vector.broadcast %shift_left3A_24 : i32 to vector<8x2560xi32>
    %shift_left3A_26 = arith.shli %add3A, %shift_left3A_25 : vector<8x2560xi32>
    %get3A_27 = arith.constant 0 : index
    %get3A_28 = arith.constant 0 : index
    %get3A_29 = vector.load %arg1[%get3A_27, %get3A_28] : memref<8x2560xi32, #tpu.memory_space<vmem>>, vector<8x2560xi32>
    %or3A_30 = arith.ori %shift_left3A_26, %get3A_29 : vector<8x2560xi32>
    %get3A_31 = arith.constant 0 : index
    %get3A_32 = arith.constant 0 : index
    %get3A_33 = vector.load %arg3[%get3A_31, %get3A_32] : memref<1x1xi32, #tpu.memory_space<vmem>>, vector<1x1xi32>
    %get3A_34 = vector.extract %get3A_33[0, 0] : i32 from vector<1x1xi32>
    %iota3A_35 = tpu.iota {dimensions = array<i32: 0>} : vector<8x32xi32>
    %mul3A_36 = arith.constant 32 : i32
    %mul3A_37 = vector.broadcast %mul3A_36 : i32 to vector<8x32xi32>
    %mul3A_38 = arith.muli %iota3A_35, %mul3A_37 : vector<8x32xi32>
    %iota3A_39 = tpu.iota {dimensions = array<i32: 1>} : vector<8x32xi32>
    %add3A_40 = arith.addi %mul3A_38, %iota3A_39 : vector<8x32xi32>
    %gt3A = arith.constant 0.000000e+00 : f32
    %gt3A_41 = vector.broadcast %gt3A : f32 to vector<8x2560xf32>
    %gt3A_42 = arith.cmpf ogt, %div3A_16, %gt3A_41 : vector<8x2560xf32>
    %jit3A_43 = arith.constant 0xFF800000 : f32
    %broadcast_in_dim3A_44 = vector.broadcast %jit3A_43 : f32 to vector<8x2560xf32>
    %select_n3A_45 = arith.select %gt3A_42, %div3A_16, %broadcast_in_dim3A_44 : vector<8x2560xi1>, vector<8x2560xf32>
    %broadcast_in_dim3A_46 = arith.constant -1 : i32
    %broadcast_in_dim3A_47 = vector.broadcast %broadcast_in_dim3A_46 : i32 to vector<8x32xi32>
    %scan3A = arith.constant 0xFF800000 : f32
    %scan3A_48 = arith.constant 1073741824 : i32
    %scan3A_49 = arith.constant 0 : i32
    %scan3A_50 = arith.constant 256 : i32
    %scan3A_51 = arith.addi %scan3A_49, %scan3A_50 : i32
    %scan3A_52 = arith.constant 8 : i32
    %scan3A_53:2 = scf.for %scan3A_58 = %scan3A_49 to %scan3A_51 step %scan3A_52 iter_args(%scan3A_59 = %select_n3A_45, %scan3A_60 = %broadcast_in_dim3A_47) -> (vector<8x2560xf32>, vector<8x32xi32>)  : i32 {
      %reduce_max3A_61 = vector.shape_cast %scan3A_59 : vector<8x2560xf32> to vector<1x8x2560xf32>
      %reduce_max3A_62 = arith.constant dense<0xFF800000> : vector<1xf32>
      %reduce_max3A_63 = vector.multi_reduction <maximumf>, %reduce_max3A_61, %reduce_max3A_62 [1, 2] : vector<1x8x2560xf32> to vector<1xf32>
      %reduce_max3A_64 = vector.shape_cast %reduce_max3A_63 : vector<1xf32> to vector<1x1x1xf32>
      %reduce_max3A_65 = vector.extract %reduce_max3A_64[0, 0, 0] : f32 from vector<1x1x1xf32>
      %gt3A_66 = arith.cmpf ogt, %reduce_max3A_65, %scan3A : f32
      %lt3A_67 = arith.cmpi slt, %scan3A_58, %get3A_34 : i32
      %and3A = arith.andi %gt3A_66, %lt3A_67 : i1
      %eq3A = vector.broadcast %reduce_max3A_65 : f32 to vector<8x2560xf32>
      %eq3A_68 = arith.cmpf oeq, %scan3A_59, %eq3A : vector<8x2560xf32>
      %broadcast_in_dim3A_69 = vector.broadcast %scan3A_48 : i32 to vector<8x2560xi32>
      %select_n3A_70 = arith.select %eq3A_68, %or3A, %broadcast_in_dim3A_69 : vector<8x2560xi1>, vector<8x2560xi32>
      %reduce_min3A = vector.shape_cast %select_n3A_70 : vector<8x2560xi32> to vector<1x8x2560xi32>
      %reduce_min3A_71 = arith.constant dense<2147483647> : vector<1xi32>
      %reduce_min3A_72 = vector.multi_reduction <minsi>, %reduce_min3A, %reduce_min3A_71 [1, 2] : vector<1x8x2560xi32> to vector<1xi32>
      %reduce_min3A_73 = vector.shape_cast %reduce_min3A_72 : vector<1xi32> to vector<1x1x1xi32>
      %reduce_min3A_74 = vector.extract %reduce_min3A_73[0, 0, 0] : i32 from vector<1x1x1xi32>
      %broadcast_in_dim3A_75 = vector.broadcast %scan3A_48 : i32 to vector<8x2560xi32>
      %select_n3A_76 = arith.select %eq3A_68, %or3A_30, %broadcast_in_dim3A_75 : vector<8x2560xi1>, vector<8x2560xi32>
      %reduce_min3A_77 = vector.shape_cast %select_n3A_76 : vector<8x2560xi32> to vector<1x8x2560xi32>
      %reduce_min3A_78 = arith.constant dense<2147483647> : vector<1xi32>
      %reduce_min3A_79 = vector.multi_reduction <minsi>, %reduce_min3A_77, %reduce_min3A_78 [1, 2] : vector<1x8x2560xi32> to vector<1xi32>
      %reduce_min3A_80 = vector.shape_cast %reduce_min3A_79 : vector<1xi32> to vector<1x1x1xi32>
      %reduce_min3A_81 = vector.extract %reduce_min3A_80[0, 0, 0] : i32 from vector<1x1x1xi32>
      %shift_right_arithmetic3A = arith.constant 8 : i32
      %shift_right_arithmetic3A_82 = arith.shrsi %reduce_min3A_74, %shift_right_arithmetic3A : i32
      %and3A_83 = arith.constant 255 : i32
      %and3A_84 = arith.andi %reduce_min3A_74, %and3A_83 : i32
      %and3A_85 = arith.constant 8191 : i32
      %and3A_86 = arith.andi %reduce_min3A_81, %and3A_85 : i32
      %eq3A_87 = vector.broadcast %scan3A_58 : i32 to vector<8x32xi32>
      %eq3A_88 = arith.cmpi eq, %add3A_40, %eq3A_87 : vector<8x32xi32>
      %and3A_89 = vector.broadcast %and3A : i1 to vector<8x32xi1>
      %and3A_90 = arith.andi %and3A_89, %eq3A_88 : vector<8x32xi1>
      %broadcast_in_dim3A_91 = vector.broadcast %shift_right_arithmetic3A_82 : i32 to vector<8x32xi32>
      %select_n3A_92 = arith.select %and3A_90, %broadcast_in_dim3A_91, %scan3A_60 : vector<8x32xi1>, vector<8x32xi32>
      %and3A_93 = arith.constant 8191 : i32
      %and3A_94 = vector.broadcast %and3A_93 : i32 to vector<8x2560xi32>
      %and3A_95 = arith.andi %or3A_30, %and3A_94 : vector<8x2560xi32>
      %eq3A_96 = vector.broadcast %and3A_86 : i32 to vector<8x2560xi32>
      %eq3A_97 = arith.cmpi eq, %and3A_95, %eq3A_96 : vector<8x2560xi32>
      %and3A_98 = arith.constant 255 : i32
      %and3A_99 = vector.broadcast %and3A_98 : i32 to vector<8x2560xi32>
      %and3A_100 = arith.andi %or3A, %and3A_99 : vector<8x2560xi32>
      %eq3A_101 = vector.broadcast %and3A_84 : i32 to vector<8x2560xi32>
      %eq3A_102 = arith.cmpi eq, %and3A_100, %eq3A_101 : vector<8x2560xi32>
      %or3A_103 = arith.ori %eq3A_97, %eq3A_102 : vector<8x2560xi1>
      %and3A_104 = vector.broadcast %and3A : i1 to vector<8x2560xi1>
      %and3A_105 = arith.andi %and3A_104, %or3A_103 : vector<8x2560xi1>
      %broadcast_in_dim3A_106 = vector.broadcast %scan3A : f32 to vector<8x2560xf32>
      %select_n3A_107 = arith.select %and3A_105, %broadcast_in_dim3A_106, %scan3A_59 : vector<8x2560xi1>, vector<8x2560xf32>
      %scan3A_108 = arith.constant 1 : i32
      %scan3A_109 = arith.addi %scan3A_58, %scan3A_108 : i32
      %reduce_max3A_110 = vector.shape_cast %select_n3A_107 : vector<8x2560xf32> to vector<1x8x2560xf32>
      %reduce_max3A_111 = arith.constant dense<0xFF800000> : vector<1xf32>
      %reduce_max3A_112 = vector.multi_reduction <maximumf>, %reduce_max3A_110, %reduce_max3A_111 [1, 2] : vector<1x8x2560xf32> to vector<1xf32>
      %reduce_max3A_113 = vector.shape_cast %reduce_max3A_112 : vector<1xf32> to vector<1x1x1xf32>
      %reduce_max3A_114 = vector.extract %reduce_max3A_113[0, 0, 0] : f32 from vector<1x1x1xf32>
      %gt3A_115 = arith.cmpf ogt, %reduce_max3A_114, %scan3A : f32
      %lt3A_116 = arith.cmpi slt, %scan3A_109, %get3A_34 : i32
      %and3A_117 = arith.andi %gt3A_115, %lt3A_116 : i1
      %eq3A_118 = vector.broadcast %reduce_max3A_114 : f32 to vector<8x2560xf32>
      %eq3A_119 = arith.cmpf oeq, %select_n3A_107, %eq3A_118 : vector<8x2560xf32>
      %broadcast_in_dim3A_120 = vector.broadcast %scan3A_48 : i32 to vector<8x2560xi32>
      %select_n3A_121 = arith.select %eq3A_119, %or3A, %broadcast_in_dim3A_120 : vector<8x2560xi1>, vector<8x2560xi32>
      %reduce_min3A_122 = vector.shape_cast %select_n3A_121 : vector<8x2560xi32> to vector<1x8x2560xi32>
      %reduce_min3A_123 = arith.constant dense<2147483647> : vector<1xi32>
      %reduce_min3A_124 = vector.multi_reduction <minsi>, %reduce_min3A_122, %reduce_min3A_123 [1, 2] : vector<1x8x2560xi32> to vector<1xi32>
      %reduce_min3A_125 = vector.shape_cast %reduce_min3A_124 : vector<1xi32> to vector<1x1x1xi32>
      %reduce_min3A_126 = vector.extract %reduce_min3A_125[0, 0, 0] : i32 from vector<1x1x1xi32>
      %broadcast_in_dim3A_127 = vector.broadcast %scan3A_48 : i32 to vector<8x2560xi32>
      %select_n3A_128 = arith.select %eq3A_119, %or3A_30, %broadcast_in_dim3A_127 : vector<8x2560xi1>, vector<8x2560xi32>
      %reduce_min3A_129 = vector.shape_cast %select_n3A_128 : vector<8x2560xi32> to vector<1x8x2560xi32>
      %reduce_min3A_130 = arith.constant dense<2147483647> : vector<1xi32>
      %reduce_min3A_131 = vector.multi_reduction <minsi>, %reduce_min3A_129, %reduce_min3A_130 [1, 2] : vector<1x8x2560xi32> to vector<1xi32>
      %reduce_min3A_132 = vector.shape_cast %reduce_min3A_131 : vector<1xi32> to vector<1x1x1xi32>
      %reduce_min3A_133 = vector.extract %reduce_min3A_132[0, 0, 0] : i32 from vector<1x1x1xi32>
      %shift_right_arithmetic3A_134 = arith.constant 8 : i32
      %shift_right_arithmetic3A_135 = arith.shrsi %reduce_min3A_126, %shift_right_arithmetic3A_134 : i32
      %and3A_136 = arith.constant 255 : i32
      %and3A_137 = arith.andi %reduce_min3A_126, %and3A_136 : i32
      %and3A_138 = arith.constant 8191 : i32
      %and3A_139 = arith.andi %reduce_min3A_133, %and3A_138 : i32
      %eq3A_140 = vector.broadcast %scan3A_109 : i32 to vector<8x32xi32>
      %eq3A_141 = arith.cmpi eq, %add3A_40, %eq3A_140 : vector<8x32xi32>
      %and3A_142 = vector.broadcast %and3A_117 : i1 to vector<8x32xi1>
      %and3A_143 = arith.andi %and3A_142, %eq3A_141 : vector<8x32xi1>
      %broadcast_in_dim3A_144 = vector.broadcast %shift_right_arithmetic3A_135 : i32 to vector<8x32xi32>
      %select_n3A_145 = arith.select %and3A_143, %broadcast_in_dim3A_144, %select_n3A_92 : vector<8x32xi1>, vector<8x32xi32>
      %and3A_146 = arith.constant 8191 : i32
      %and3A_147 = vector.broadcast %and3A_146 : i32 to vector<8x2560xi32>
      %and3A_148 = arith.andi %or3A_30, %and3A_147 : vector<8x2560xi32>
      %eq3A_149 = vector.broadcast %and3A_139 : i32 to vector<8x2560xi32>
      %eq3A_150 = arith.cmpi eq, %and3A_148, %eq3A_149 : vector<8x2560xi32>
      %and3A_151 = arith.constant 255 : i32
      %and3A_152 = vector.broadcast %and3A_151 : i32 to vector<8x2560xi32>
      %and3A_153 = arith.andi %or3A, %and3A_152 : vector<8x2560xi32>
      %eq3A_154 = vector.broadcast %and3A_137 : i32 to vector<8x2560xi32>
      %eq3A_155 = arith.cmpi eq, %and3A_153, %eq3A_154 : vector<8x2560xi32>
      %or3A_156 = arith.ori %eq3A_150, %eq3A_155 : vector<8x2560xi1>
      %and3A_157 = vector.broadcast %and3A_117 : i1 to vector<8x2560xi1>
      %and3A_158 = arith.andi %and3A_157, %or3A_156 : vector<8x2560xi1>
      %broadcast_in_dim3A_159 = vector.broadcast %scan3A : f32 to vector<8x2560xf32>
      %select_n3A_160 = arith.select %and3A_158, %broadcast_in_dim3A_159, %select_n3A_107 : vector<8x2560xi1>, vector<8x2560xf32>
      %scan3A_161 = arith.constant 2 : i32
      %scan3A_162 = arith.addi %scan3A_58, %scan3A_161 : i32
      %reduce_max3A_163 = vector.shape_cast %select_n3A_160 : vector<8x2560xf32> to vector<1x8x2560xf32>
      %reduce_max3A_164 = arith.constant dense<0xFF800000> : vector<1xf32>
      %reduce_max3A_165 = vector.multi_reduction <maximumf>, %reduce_max3A_163, %reduce_max3A_164 [1, 2] : vector<1x8x2560xf32> to vector<1xf32>
      %reduce_max3A_166 = vector.shape_cast %reduce_max3A_165 : vector<1xf32> to vector<1x1x1xf32>
      %reduce_max3A_167 = vector.extract %reduce_max3A_166[0, 0, 0] : f32 from vector<1x1x1xf32>
      %gt3A_168 = arith.cmpf ogt, %reduce_max3A_167, %scan3A : f32
      %lt3A_169 = arith.cmpi slt, %scan3A_162, %get3A_34 : i32
      %and3A_170 = arith.andi %gt3A_168, %lt3A_169 : i1
      %eq3A_171 = vector.broadcast %reduce_max3A_167 : f32 to vector<8x2560xf32>
      %eq3A_172 = arith.cmpf oeq, %select_n3A_160, %eq3A_171 : vector<8x2560xf32>
      %broadcast_in_dim3A_173 = vector.broadcast %scan3A_48 : i32 to vector<8x2560xi32>
      %select_n3A_174 = arith.select %eq3A_172, %or3A, %broadcast_in_dim3A_173 : vector<8x2560xi1>, vector<8x2560xi32>
      %reduce_min3A_175 = vector.shape_cast %select_n3A_174 : vector<8x2560xi32> to vector<1x8x2560xi32>
      %reduce_min3A_176 = arith.constant dense<2147483647> : vector<1xi32>
      %reduce_min3A_177 = vector.multi_reduction <minsi>, %reduce_min3A_175, %reduce_min3A_176 [1, 2] : vector<1x8x2560xi32> to vector<1xi32>
      %reduce_min3A_178 = vector.shape_cast %reduce_min3A_177 : vector<1xi32> to vector<1x1x1xi32>
      %reduce_min3A_179 = vector.extract %reduce_min3A_178[0, 0, 0] : i32 from vector<1x1x1xi32>
      %broadcast_in_dim3A_180 = vector.broadcast %scan3A_48 : i32 to vector<8x2560xi32>
      %select_n3A_181 = arith.select %eq3A_172, %or3A_30, %broadcast_in_dim3A_180 : vector<8x2560xi1>, vector<8x2560xi32>
      %reduce_min3A_182 = vector.shape_cast %select_n3A_181 : vector<8x2560xi32> to vector<1x8x2560xi32>
      %reduce_min3A_183 = arith.constant dense<2147483647> : vector<1xi32>
      %reduce_min3A_184 = vector.multi_reduction <minsi>, %reduce_min3A_182, %reduce_min3A_183 [1, 2] : vector<1x8x2560xi32> to vector<1xi32>
      %reduce_min3A_185 = vector.shape_cast %reduce_min3A_184 : vector<1xi32> to vector<1x1x1xi32>
      %reduce_min3A_186 = vector.extract %reduce_min3A_185[0, 0, 0] : i32 from vector<1x1x1xi32>
      %shift_right_arithmetic3A_187 = arith.constant 8 : i32
      %shift_right_arithmetic3A_188 = arith.shrsi %reduce_min3A_179, %shift_right_arithmetic3A_187 : i32
      %and3A_189 = arith.constant 255 : i32
      %and3A_190 = arith.andi %reduce_min3A_179, %and3A_189 : i32
      %and3A_191 = arith.constant 8191 : i32
      %and3A_192 = arith.andi %reduce_min3A_186, %and3A_191 : i32
      %eq3A_193 = vector.broadcast %scan3A_162 : i32 to vector<8x32xi32>
      %eq3A_194 = arith.cmpi eq, %add3A_40, %eq3A_193 : vector<8x32xi32>
      %and3A_195 = vector.broadcast %and3A_170 : i1 to vector<8x32xi1>
      %and3A_196 = arith.andi %and3A_195, %eq3A_194 : vector<8x32xi1>
      %broadcast_in_dim3A_197 = vector.broadcast %shift_right_arithmetic3A_188 : i32 to vector<8x32xi32>
      %select_n3A_198 = arith.select %and3A_196, %broadcast_in_dim3A_197, %select_n3A_145 : vector<8x32xi1>, vector<8x32xi32>
      %and3A_199 = arith.constant 8191 : i32
      %and3A_200 = vector.broadcast %and3A_199 : i32 to vector<8x2560xi32>
      %and3A_201 = arith.andi %or3A_30, %and3A_200 : vector<8x2560xi32>
      %eq3A_202 = vector.broadcast %and3A_192 : i32 to vector<8x2560xi32>
      %eq3A_203 = arith.cmpi eq, %and3A_201, %eq3A_202 : vector<8x2560xi32>
      %and3A_204 = arith.constant 255 : i32
      %and3A_205 = vector.broadcast %and3A_204 : i32 to vector<8x2560xi32>
      %and3A_206 = arith.andi %or3A, %and3A_205 : vector<8x2560xi32>
      %eq3A_207 = vector.broadcast %and3A_190 : i32 to vector<8x2560xi32>
      %eq3A_208 = arith.cmpi eq, %and3A_206, %eq3A_207 : vector<8x2560xi32>
      %or3A_209 = arith.ori %eq3A_203, %eq3A_208 : vector<8x2560xi1>
      %and3A_210 = vector.broadcast %and3A_170 : i1 to vector<8x2560xi1>
      %and3A_211 = arith.andi %and3A_210, %or3A_209 : vector<8x2560xi1>
      %broadcast_in_dim3A_212 = vector.broadcast %scan3A : f32 to vector<8x2560xf32>
      %select_n3A_213 = arith.select %and3A_211, %broadcast_in_dim3A_212, %select_n3A_160 : vector<8x2560xi1>, vector<8x2560xf32>
      %scan3A_214 = arith.constant 3 : i32
      %scan3A_215 = arith.addi %scan3A_58, %scan3A_214 : i32
      %reduce_max3A_216 = vector.shape_cast %select_n3A_213 : vector<8x2560xf32> to vector<1x8x2560xf32>
      %reduce_max3A_217 = arith.constant dense<0xFF800000> : vector<1xf32>
      %reduce_max3A_218 = vector.multi_reduction <maximumf>, %reduce_max3A_216, %reduce_max3A_217 [1, 2] : vector<1x8x2560xf32> to vector<1xf32>
      %reduce_max3A_219 = vector.shape_cast %reduce_max3A_218 : vector<1xf32> to vector<1x1x1xf32>
      %reduce_max3A_220 = vector.extract %reduce_max3A_219[0, 0, 0] : f32 from vector<1x1x1xf32>
      %gt3A_221 = arith.cmpf ogt, %reduce_max3A_220, %scan3A : f32
      %lt3A_222 = arith.cmpi slt, %scan3A_215, %get3A_34 : i32
      %and3A_223 = arith.andi %gt3A_221, %lt3A_222 : i1
      %eq3A_224 = vector.broadcast %reduce_max3A_220 : f32 to vector<8x2560xf32>
      %eq3A_225 = arith.cmpf oeq, %select_n3A_213, %eq3A_224 : vector<8x2560xf32>
      %broadcast_in_dim3A_226 = vector.broadcast %scan3A_48 : i32 to vector<8x2560xi32>
      %select_n3A_227 = arith.select %eq3A_225, %or3A, %broadcast_in_dim3A_226 : vector<8x2560xi1>, vector<8x2560xi32>
      %reduce_min3A_228 = vector.shape_cast %select_n3A_227 : vector<8x2560xi32> to vector<1x8x2560xi32>
      %reduce_min3A_229 = arith.constant dense<2147483647> : vector<1xi32>
      %reduce_min3A_230 = vector.multi_reduction <minsi>, %reduce_min3A_228, %reduce_min3A_229 [1, 2] : vector<1x8x2560xi32> to vector<1xi32>
      %reduce_min3A_231 = vector.shape_cast %reduce_min3A_230 : vector<1xi32> to vector<1x1x1xi32>
      %reduce_min3A_232 = vector.extract %reduce_min3A_231[0, 0, 0] : i32 from vector<1x1x1xi32>
      %broadcast_in_dim3A_233 = vector.broadcast %scan3A_48 : i32 to vector<8x2560xi32>
      %select_n3A_234 = arith.select %eq3A_225, %or3A_30, %broadcast_in_dim3A_233 : vector<8x2560xi1>, vector<8x2560xi32>
      %reduce_min3A_235 = vector.shape_cast %select_n3A_234 : vector<8x2560xi32> to vector<1x8x2560xi32>
      %reduce_min3A_236 = arith.constant dense<2147483647> : vector<1xi32>
      %reduce_min3A_237 = vector.multi_reduction <minsi>, %reduce_min3A_235, %reduce_min3A_236 [1, 2] : vector<1x8x2560xi32> to vector<1xi32>
      %reduce_min3A_238 = vector.shape_cast %reduce_min3A_237 : vector<1xi32> to vector<1x1x1xi32>
      %reduce_min3A_239 = vector.extract %reduce_min3A_238[0, 0, 0] : i32 from vector<1x1x1xi32>
      %shift_right_arithmetic3A_240 = arith.constant 8 : i32
      %shift_right_arithmetic3A_241 = arith.shrsi %reduce_min3A_232, %shift_right_arithmetic3A_240 : i32
      %and3A_242 = arith.constant 255 : i32
      %and3A_243 = arith.andi %reduce_min3A_232, %and3A_242 : i32
      %and3A_244 = arith.constant 8191 : i32
      %and3A_245 = arith.andi %reduce_min3A_239, %and3A_244 : i32
      %eq3A_246 = vector.broadcast %scan3A_215 : i32 to vector<8x32xi32>
      %eq3A_247 = arith.cmpi eq, %add3A_40, %eq3A_246 : vector<8x32xi32>
      %and3A_248 = vector.broadcast %and3A_223 : i1 to vector<8x32xi1>
      %and3A_249 = arith.andi %and3A_248, %eq3A_247 : vector<8x32xi1>
      %broadcast_in_dim3A_250 = vector.broadcast %shift_right_arithmetic3A_241 : i32 to vector<8x32xi32>
      %select_n3A_251 = arith.select %and3A_249, %broadcast_in_dim3A_250, %select_n3A_198 : vector<8x32xi1>, vector<8x32xi32>
      %and3A_252 = arith.constant 8191 : i32
      %and3A_253 = vector.broadcast %and3A_252 : i32 to vector<8x2560xi32>
      %and3A_254 = arith.andi %or3A_30, %and3A_253 : vector<8x2560xi32>
      %eq3A_255 = vector.broadcast %and3A_245 : i32 to vector<8x2560xi32>
      %eq3A_256 = arith.cmpi eq, %and3A_254, %eq3A_255 : vector<8x2560xi32>
      %and3A_257 = arith.constant 255 : i32
      %and3A_258 = vector.broadcast %and3A_257 : i32 to vector<8x2560xi32>
      %and3A_259 = arith.andi %or3A, %and3A_258 : vector<8x2560xi32>
      %eq3A_260 = vector.broadcast %and3A_243 : i32 to vector<8x2560xi32>
      %eq3A_261 = arith.cmpi eq, %and3A_259, %eq3A_260 : vector<8x2560xi32>
      %or3A_262 = arith.ori %eq3A_256, %eq3A_261 : vector<8x2560xi1>
      %and3A_263 = vector.broadcast %and3A_223 : i1 to vector<8x2560xi1>
      %and3A_264 = arith.andi %and3A_263, %or3A_262 : vector<8x2560xi1>
      %broadcast_in_dim3A_265 = vector.broadcast %scan3A : f32 to vector<8x2560xf32>
      %select_n3A_266 = arith.select %and3A_264, %broadcast_in_dim3A_265, %select_n3A_213 : vector<8x2560xi1>, vector<8x2560xf32>
      %scan3A_267 = arith.constant 4 : i32
      %scan3A_268 = arith.addi %scan3A_58, %scan3A_267 : i32
      %reduce_max3A_269 = vector.shape_cast %select_n3A_266 : vector<8x2560xf32> to vector<1x8x2560xf32>
      %reduce_max3A_270 = arith.constant dense<0xFF800000> : vector<1xf32>
      %reduce_max3A_271 = vector.multi_reduction <maximumf>, %reduce_max3A_269, %reduce_max3A_270 [1, 2] : vector<1x8x2560xf32> to vector<1xf32>
      %reduce_max3A_272 = vector.shape_cast %reduce_max3A_271 : vector<1xf32> to vector<1x1x1xf32>
      %reduce_max3A_273 = vector.extract %reduce_max3A_272[0, 0, 0] : f32 from vector<1x1x1xf32>
      %gt3A_274 = arith.cmpf ogt, %reduce_max3A_273, %scan3A : f32
      %lt3A_275 = arith.cmpi slt, %scan3A_268, %get3A_34 : i32
      %and3A_276 = arith.andi %gt3A_274, %lt3A_275 : i1
      %eq3A_277 = vector.broadcast %reduce_max3A_273 : f32 to vector<8x2560xf32>
      %eq3A_278 = arith.cmpf oeq, %select_n3A_266, %eq3A_277 : vector<8x2560xf32>
      %broadcast_in_dim3A_279 = vector.broadcast %scan3A_48 : i32 to vector<8x2560xi32>
      %select_n3A_280 = arith.select %eq3A_278, %or3A, %broadcast_in_dim3A_279 : vector<8x2560xi1>, vector<8x2560xi32>
      %reduce_min3A_281 = vector.shape_cast %select_n3A_280 : vector<8x2560xi32> to vector<1x8x2560xi32>
      %reduce_min3A_282 = arith.constant dense<2147483647> : vector<1xi32>
      %reduce_min3A_283 = vector.multi_reduction <minsi>, %reduce_min3A_281, %reduce_min3A_282 [1, 2] : vector<1x8x2560xi32> to vector<1xi32>
      %reduce_min3A_284 = vector.shape_cast %reduce_min3A_283 : vector<1xi32> to vector<1x1x1xi32>
      %reduce_min3A_285 = vector.extract %reduce_min3A_284[0, 0, 0] : i32 from vector<1x1x1xi32>
      %broadcast_in_dim3A_286 = vector.broadcast %scan3A_48 : i32 to vector<8x2560xi32>
      %select_n3A_287 = arith.select %eq3A_278, %or3A_30, %broadcast_in_dim3A_286 : vector<8x2560xi1>, vector<8x2560xi32>
      %reduce_min3A_288 = vector.shape_cast %select_n3A_287 : vector<8x2560xi32> to vector<1x8x2560xi32>
      %reduce_min3A_289 = arith.constant dense<2147483647> : vector<1xi32>
      %reduce_min3A_290 = vector.multi_reduction <minsi>, %reduce_min3A_288, %reduce_min3A_289 [1, 2] : vector<1x8x2560xi32> to vector<1xi32>
      %reduce_min3A_291 = vector.shape_cast %reduce_min3A_290 : vector<1xi32> to vector<1x1x1xi32>
      %reduce_min3A_292 = vector.extract %reduce_min3A_291[0, 0, 0] : i32 from vector<1x1x1xi32>
      %shift_right_arithmetic3A_293 = arith.constant 8 : i32
      %shift_right_arithmetic3A_294 = arith.shrsi %reduce_min3A_285, %shift_right_arithmetic3A_293 : i32
      %and3A_295 = arith.constant 255 : i32
      %and3A_296 = arith.andi %reduce_min3A_285, %and3A_295 : i32
      %and3A_297 = arith.constant 8191 : i32
      %and3A_298 = arith.andi %reduce_min3A_292, %and3A_297 : i32
      %eq3A_299 = vector.broadcast %scan3A_268 : i32 to vector<8x32xi32>
      %eq3A_300 = arith.cmpi eq, %add3A_40, %eq3A_299 : vector<8x32xi32>
      %and3A_301 = vector.broadcast %and3A_276 : i1 to vector<8x32xi1>
      %and3A_302 = arith.andi %and3A_301, %eq3A_300 : vector<8x32xi1>
      %broadcast_in_dim3A_303 = vector.broadcast %shift_right_arithmetic3A_294 : i32 to vector<8x32xi32>
      %select_n3A_304 = arith.select %and3A_302, %broadcast_in_dim3A_303, %select_n3A_251 : vector<8x32xi1>, vector<8x32xi32>
      %and3A_305 = arith.constant 8191 : i32
      %and3A_306 = vector.broadcast %and3A_305 : i32 to vector<8x2560xi32>
      %and3A_307 = arith.andi %or3A_30, %and3A_306 : vector<8x2560xi32>
      %eq3A_308 = vector.broadcast %and3A_298 : i32 to vector<8x2560xi32>
      %eq3A_309 = arith.cmpi eq, %and3A_307, %eq3A_308 : vector<8x2560xi32>
      %and3A_310 = arith.constant 255 : i32
      %and3A_311 = vector.broadcast %and3A_310 : i32 to vector<8x2560xi32>
      %and3A_312 = arith.andi %or3A, %and3A_311 : vector<8x2560xi32>
      %eq3A_313 = vector.broadcast %and3A_296 : i32 to vector<8x2560xi32>
      %eq3A_314 = arith.cmpi eq, %and3A_312, %eq3A_313 : vector<8x2560xi32>
      %or3A_315 = arith.ori %eq3A_309, %eq3A_314 : vector<8x2560xi1>
      %and3A_316 = vector.broadcast %and3A_276 : i1 to vector<8x2560xi1>
      %and3A_317 = arith.andi %and3A_316, %or3A_315 : vector<8x2560xi1>
      %broadcast_in_dim3A_318 = vector.broadcast %scan3A : f32 to vector<8x2560xf32>
      %select_n3A_319 = arith.select %and3A_317, %broadcast_in_dim3A_318, %select_n3A_266 : vector<8x2560xi1>, vector<8x2560xf32>
      %scan3A_320 = arith.constant 5 : i32
      %scan3A_321 = arith.addi %scan3A_58, %scan3A_320 : i32
      %reduce_max3A_322 = vector.shape_cast %select_n3A_319 : vector<8x2560xf32> to vector<1x8x2560xf32>
      %reduce_max3A_323 = arith.constant dense<0xFF800000> : vector<1xf32>
      %reduce_max3A_324 = vector.multi_reduction <maximumf>, %reduce_max3A_322, %reduce_max3A_323 [1, 2] : vector<1x8x2560xf32> to vector<1xf32>
      %reduce_max3A_325 = vector.shape_cast %reduce_max3A_324 : vector<1xf32> to vector<1x1x1xf32>
      %reduce_max3A_326 = vector.extract %reduce_max3A_325[0, 0, 0] : f32 from vector<1x1x1xf32>
      %gt3A_327 = arith.cmpf ogt, %reduce_max3A_326, %scan3A : f32
      %lt3A_328 = arith.cmpi slt, %scan3A_321, %get3A_34 : i32
      %and3A_329 = arith.andi %gt3A_327, %lt3A_328 : i1
      %eq3A_330 = vector.broadcast %reduce_max3A_326 : f32 to vector<8x2560xf32>
      %eq3A_331 = arith.cmpf oeq, %select_n3A_319, %eq3A_330 : vector<8x2560xf32>
      %broadcast_in_dim3A_332 = vector.broadcast %scan3A_48 : i32 to vector<8x2560xi32>
      %select_n3A_333 = arith.select %eq3A_331, %or3A, %broadcast_in_dim3A_332 : vector<8x2560xi1>, vector<8x2560xi32>
      %reduce_min3A_334 = vector.shape_cast %select_n3A_333 : vector<8x2560xi32> to vector<1x8x2560xi32>
      %reduce_min3A_335 = arith.constant dense<2147483647> : vector<1xi32>
      %reduce_min3A_336 = vector.multi_reduction <minsi>, %reduce_min3A_334, %reduce_min3A_335 [1, 2] : vector<1x8x2560xi32> to vector<1xi32>
      %reduce_min3A_337 = vector.shape_cast %reduce_min3A_336 : vector<1xi32> to vector<1x1x1xi32>
      %reduce_min3A_338 = vector.extract %reduce_min3A_337[0, 0, 0] : i32 from vector<1x1x1xi32>
      %broadcast_in_dim3A_339 = vector.broadcast %scan3A_48 : i32 to vector<8x2560xi32>
      %select_n3A_340 = arith.select %eq3A_331, %or3A_30, %broadcast_in_dim3A_339 : vector<8x2560xi1>, vector<8x2560xi32>
      %reduce_min3A_341 = vector.shape_cast %select_n3A_340 : vector<8x2560xi32> to vector<1x8x2560xi32>
      %reduce_min3A_342 = arith.constant dense<2147483647> : vector<1xi32>
      %reduce_min3A_343 = vector.multi_reduction <minsi>, %reduce_min3A_341, %reduce_min3A_342 [1, 2] : vector<1x8x2560xi32> to vector<1xi32>
      %reduce_min3A_344 = vector.shape_cast %reduce_min3A_343 : vector<1xi32> to vector<1x1x1xi32>
      %reduce_min3A_345 = vector.extract %reduce_min3A_344[0, 0, 0] : i32 from vector<1x1x1xi32>
      %shift_right_arithmetic3A_346 = arith.constant 8 : i32
      %shift_right_arithmetic3A_347 = arith.shrsi %reduce_min3A_338, %shift_right_arithmetic3A_346 : i32
      %and3A_348 = arith.constant 255 : i32
      %and3A_349 = arith.andi %reduce_min3A_338, %and3A_348 : i32
      %and3A_350 = arith.constant 8191 : i32
      %and3A_351 = arith.andi %reduce_min3A_345, %and3A_350 : i32
      %eq3A_352 = vector.broadcast %scan3A_321 : i32 to vector<8x32xi32>
      %eq3A_353 = arith.cmpi eq, %add3A_40, %eq3A_352 : vector<8x32xi32>
      %and3A_354 = vector.broadcast %and3A_329 : i1 to vector<8x32xi1>
      %and3A_355 = arith.andi %and3A_354, %eq3A_353 : vector<8x32xi1>
      %broadcast_in_dim3A_356 = vector.broadcast %shift_right_arithmetic3A_347 : i32 to vector<8x32xi32>
      %select_n3A_357 = arith.select %and3A_355, %broadcast_in_dim3A_356, %select_n3A_304 : vector<8x32xi1>, vector<8x32xi32>
      %and3A_358 = arith.constant 8191 : i32
      %and3A_359 = vector.broadcast %and3A_358 : i32 to vector<8x2560xi32>
      %and3A_360 = arith.andi %or3A_30, %and3A_359 : vector<8x2560xi32>
      %eq3A_361 = vector.broadcast %and3A_351 : i32 to vector<8x2560xi32>
      %eq3A_362 = arith.cmpi eq, %and3A_360, %eq3A_361 : vector<8x2560xi32>
      %and3A_363 = arith.constant 255 : i32
      %and3A_364 = vector.broadcast %and3A_363 : i32 to vector<8x2560xi32>
      %and3A_365 = arith.andi %or3A, %and3A_364 : vector<8x2560xi32>
      %eq3A_366 = vector.broadcast %and3A_349 : i32 to vector<8x2560xi32>
      %eq3A_367 = arith.cmpi eq, %and3A_365, %eq3A_366 : vector<8x2560xi32>
      %or3A_368 = arith.ori %eq3A_362, %eq3A_367 : vector<8x2560xi1>
      %and3A_369 = vector.broadcast %and3A_329 : i1 to vector<8x2560xi1>
      %and3A_370 = arith.andi %and3A_369, %or3A_368 : vector<8x2560xi1>
      %broadcast_in_dim3A_371 = vector.broadcast %scan3A : f32 to vector<8x2560xf32>
      %select_n3A_372 = arith.select %and3A_370, %broadcast_in_dim3A_371, %select_n3A_319 : vector<8x2560xi1>, vector<8x2560xf32>
      %scan3A_373 = arith.constant 6 : i32
      %scan3A_374 = arith.addi %scan3A_58, %scan3A_373 : i32
      %reduce_max3A_375 = vector.shape_cast %select_n3A_372 : vector<8x2560xf32> to vector<1x8x2560xf32>
      %reduce_max3A_376 = arith.constant dense<0xFF800000> : vector<1xf32>
      %reduce_max3A_377 = vector.multi_reduction <maximumf>, %reduce_max3A_375, %reduce_max3A_376 [1, 2] : vector<1x8x2560xf32> to vector<1xf32>
      %reduce_max3A_378 = vector.shape_cast %reduce_max3A_377 : vector<1xf32> to vector<1x1x1xf32>
      %reduce_max3A_379 = vector.extract %reduce_max3A_378[0, 0, 0] : f32 from vector<1x1x1xf32>
      %gt3A_380 = arith.cmpf ogt, %reduce_max3A_379, %scan3A : f32
      %lt3A_381 = arith.cmpi slt, %scan3A_374, %get3A_34 : i32
      %and3A_382 = arith.andi %gt3A_380, %lt3A_381 : i1
      %eq3A_383 = vector.broadcast %reduce_max3A_379 : f32 to vector<8x2560xf32>
      %eq3A_384 = arith.cmpf oeq, %select_n3A_372, %eq3A_383 : vector<8x2560xf32>
      %broadcast_in_dim3A_385 = vector.broadcast %scan3A_48 : i32 to vector<8x2560xi32>
      %select_n3A_386 = arith.select %eq3A_384, %or3A, %broadcast_in_dim3A_385 : vector<8x2560xi1>, vector<8x2560xi32>
      %reduce_min3A_387 = vector.shape_cast %select_n3A_386 : vector<8x2560xi32> to vector<1x8x2560xi32>
      %reduce_min3A_388 = arith.constant dense<2147483647> : vector<1xi32>
      %reduce_min3A_389 = vector.multi_reduction <minsi>, %reduce_min3A_387, %reduce_min3A_388 [1, 2] : vector<1x8x2560xi32> to vector<1xi32>
      %reduce_min3A_390 = vector.shape_cast %reduce_min3A_389 : vector<1xi32> to vector<1x1x1xi32>
      %reduce_min3A_391 = vector.extract %reduce_min3A_390[0, 0, 0] : i32 from vector<1x1x1xi32>
      %broadcast_in_dim3A_392 = vector.broadcast %scan3A_48 : i32 to vector<8x2560xi32>
      %select_n3A_393 = arith.select %eq3A_384, %or3A_30, %broadcast_in_dim3A_392 : vector<8x2560xi1>, vector<8x2560xi32>
      %reduce_min3A_394 = vector.shape_cast %select_n3A_393 : vector<8x2560xi32> to vector<1x8x2560xi32>
      %reduce_min3A_395 = arith.constant dense<2147483647> : vector<1xi32>
      %reduce_min3A_396 = vector.multi_reduction <minsi>, %reduce_min3A_394, %reduce_min3A_395 [1, 2] : vector<1x8x2560xi32> to vector<1xi32>
      %reduce_min3A_397 = vector.shape_cast %reduce_min3A_396 : vector<1xi32> to vector<1x1x1xi32>
      %reduce_min3A_398 = vector.extract %reduce_min3A_397[0, 0, 0] : i32 from vector<1x1x1xi32>
      %shift_right_arithmetic3A_399 = arith.constant 8 : i32
      %shift_right_arithmetic3A_400 = arith.shrsi %reduce_min3A_391, %shift_right_arithmetic3A_399 : i32
      %and3A_401 = arith.constant 255 : i32
      %and3A_402 = arith.andi %reduce_min3A_391, %and3A_401 : i32
      %and3A_403 = arith.constant 8191 : i32
      %and3A_404 = arith.andi %reduce_min3A_398, %and3A_403 : i32
      %eq3A_405 = vector.broadcast %scan3A_374 : i32 to vector<8x32xi32>
      %eq3A_406 = arith.cmpi eq, %add3A_40, %eq3A_405 : vector<8x32xi32>
      %and3A_407 = vector.broadcast %and3A_382 : i1 to vector<8x32xi1>
      %and3A_408 = arith.andi %and3A_407, %eq3A_406 : vector<8x32xi1>
      %broadcast_in_dim3A_409 = vector.broadcast %shift_right_arithmetic3A_400 : i32 to vector<8x32xi32>
      %select_n3A_410 = arith.select %and3A_408, %broadcast_in_dim3A_409, %select_n3A_357 : vector<8x32xi1>, vector<8x32xi32>
      %and3A_411 = arith.constant 8191 : i32
      %and3A_412 = vector.broadcast %and3A_411 : i32 to vector<8x2560xi32>
      %and3A_413 = arith.andi %or3A_30, %and3A_412 : vector<8x2560xi32>
      %eq3A_414 = vector.broadcast %and3A_404 : i32 to vector<8x2560xi32>
      %eq3A_415 = arith.cmpi eq, %and3A_413, %eq3A_414 : vector<8x2560xi32>
      %and3A_416 = arith.constant 255 : i32
      %and3A_417 = vector.broadcast %and3A_416 : i32 to vector<8x2560xi32>
      %and3A_418 = arith.andi %or3A, %and3A_417 : vector<8x2560xi32>
      %eq3A_419 = vector.broadcast %and3A_402 : i32 to vector<8x2560xi32>
      %eq3A_420 = arith.cmpi eq, %and3A_418, %eq3A_419 : vector<8x2560xi32>
      %or3A_421 = arith.ori %eq3A_415, %eq3A_420 : vector<8x2560xi1>
      %and3A_422 = vector.broadcast %and3A_382 : i1 to vector<8x2560xi1>
      %and3A_423 = arith.andi %and3A_422, %or3A_421 : vector<8x2560xi1>
      %broadcast_in_dim3A_424 = vector.broadcast %scan3A : f32 to vector<8x2560xf32>
      %select_n3A_425 = arith.select %and3A_423, %broadcast_in_dim3A_424, %select_n3A_372 : vector<8x2560xi1>, vector<8x2560xf32>
      %scan3A_426 = arith.constant 7 : i32
      %scan3A_427 = arith.addi %scan3A_58, %scan3A_426 : i32
      %reduce_max3A_428 = vector.shape_cast %select_n3A_425 : vector<8x2560xf32> to vector<1x8x2560xf32>
      %reduce_max3A_429 = arith.constant dense<0xFF800000> : vector<1xf32>
      %reduce_max3A_430 = vector.multi_reduction <maximumf>, %reduce_max3A_428, %reduce_max3A_429 [1, 2] : vector<1x8x2560xf32> to vector<1xf32>
      %reduce_max3A_431 = vector.shape_cast %reduce_max3A_430 : vector<1xf32> to vector<1x1x1xf32>
      %reduce_max3A_432 = vector.extract %reduce_max3A_431[0, 0, 0] : f32 from vector<1x1x1xf32>
      %gt3A_433 = arith.cmpf ogt, %reduce_max3A_432, %scan3A : f32
      %lt3A_434 = arith.cmpi slt, %scan3A_427, %get3A_34 : i32
      %and3A_435 = arith.andi %gt3A_433, %lt3A_434 : i1
      %eq3A_436 = vector.broadcast %reduce_max3A_432 : f32 to vector<8x2560xf32>
      %eq3A_437 = arith.cmpf oeq, %select_n3A_425, %eq3A_436 : vector<8x2560xf32>
      %broadcast_in_dim3A_438 = vector.broadcast %scan3A_48 : i32 to vector<8x2560xi32>
      %select_n3A_439 = arith.select %eq3A_437, %or3A, %broadcast_in_dim3A_438 : vector<8x2560xi1>, vector<8x2560xi32>
      %reduce_min3A_440 = vector.shape_cast %select_n3A_439 : vector<8x2560xi32> to vector<1x8x2560xi32>
      %reduce_min3A_441 = arith.constant dense<2147483647> : vector<1xi32>
      %reduce_min3A_442 = vector.multi_reduction <minsi>, %reduce_min3A_440, %reduce_min3A_441 [1, 2] : vector<1x8x2560xi32> to vector<1xi32>
      %reduce_min3A_443 = vector.shape_cast %reduce_min3A_442 : vector<1xi32> to vector<1x1x1xi32>
      %reduce_min3A_444 = vector.extract %reduce_min3A_443[0, 0, 0] : i32 from vector<1x1x1xi32>
      %broadcast_in_dim3A_445 = vector.broadcast %scan3A_48 : i32 to vector<8x2560xi32>
      %select_n3A_446 = arith.select %eq3A_437, %or3A_30, %broadcast_in_dim3A_445 : vector<8x2560xi1>, vector<8x2560xi32>
      %reduce_min3A_447 = vector.shape_cast %select_n3A_446 : vector<8x2560xi32> to vector<1x8x2560xi32>
      %reduce_min3A_448 = arith.constant dense<2147483647> : vector<1xi32>
      %reduce_min3A_449 = vector.multi_reduction <minsi>, %reduce_min3A_447, %reduce_min3A_448 [1, 2] : vector<1x8x2560xi32> to vector<1xi32>
      %reduce_min3A_450 = vector.shape_cast %reduce_min3A_449 : vector<1xi32> to vector<1x1x1xi32>
      %reduce_min3A_451 = vector.extract %reduce_min3A_450[0, 0, 0] : i32 from vector<1x1x1xi32>
      %shift_right_arithmetic3A_452 = arith.constant 8 : i32
      %shift_right_arithmetic3A_453 = arith.shrsi %reduce_min3A_444, %shift_right_arithmetic3A_452 : i32
      %and3A_454 = arith.constant 255 : i32
      %and3A_455 = arith.andi %reduce_min3A_444, %and3A_454 : i32
      %and3A_456 = arith.constant 8191 : i32
      %and3A_457 = arith.andi %reduce_min3A_451, %and3A_456 : i32
      %eq3A_458 = vector.broadcast %scan3A_427 : i32 to vector<8x32xi32>
      %eq3A_459 = arith.cmpi eq, %add3A_40, %eq3A_458 : vector<8x32xi32>
      %and3A_460 = vector.broadcast %and3A_435 : i1 to vector<8x32xi1>
      %and3A_461 = arith.andi %and3A_460, %eq3A_459 : vector<8x32xi1>
      %broadcast_in_dim3A_462 = vector.broadcast %shift_right_arithmetic3A_453 : i32 to vector<8x32xi32>
      %select_n3A_463 = arith.select %and3A_461, %broadcast_in_dim3A_462, %select_n3A_410 : vector<8x32xi1>, vector<8x32xi32>
      %and3A_464 = arith.constant 8191 : i32
      %and3A_465 = vector.broadcast %and3A_464 : i32 to vector<8x2560xi32>
      %and3A_466 = arith.andi %or3A_30, %and3A_465 : vector<8x2560xi32>
      %eq3A_467 = vector.broadcast %and3A_457 : i32 to vector<8x2560xi32>
      %eq3A_468 = arith.cmpi eq, %and3A_466, %eq3A_467 : vector<8x2560xi32>
      %and3A_469 = arith.constant 255 : i32
      %and3A_470 = vector.broadcast %and3A_469 : i32 to vector<8x2560xi32>
      %and3A_471 = arith.andi %or3A, %and3A_470 : vector<8x2560xi32>
      %eq3A_472 = vector.broadcast %and3A_455 : i32 to vector<8x2560xi32>
      %eq3A_473 = arith.cmpi eq, %and3A_471, %eq3A_472 : vector<8x2560xi32>
      %or3A_474 = arith.ori %eq3A_468, %eq3A_473 : vector<8x2560xi1>
      %and3A_475 = vector.broadcast %and3A_435 : i1 to vector<8x2560xi1>
      %and3A_476 = arith.andi %and3A_475, %or3A_474 : vector<8x2560xi1>
      %broadcast_in_dim3A_477 = vector.broadcast %scan3A : f32 to vector<8x2560xf32>
      %select_n3A_478 = arith.select %and3A_476, %broadcast_in_dim3A_477, %select_n3A_425 : vector<8x2560xi1>, vector<8x2560xf32>
      scf.yield %select_n3A_478, %select_n3A_463 : vector<8x2560xf32>, vector<8x32xi32>
    }
    %scan3A_54 = arith.constant 256 : i32
    %swap3A_55 = arith.constant 0 : index
    %swap3A_56 = arith.constant 0 : index
    %swap3A_57 = vector.load %arg5[%swap3A_55, %swap3A_56] : memref<8x32xi32, #tpu.memory_space<vmem>>, vector<8x32xi32>
    tpu.vector_store %arg5[%swap3A_55, %swap3A_56], %scan3A_53#1 {strides = array<i32>} : memref<8x32xi32, #tpu.memory_space<vmem>>, vector<8x32xi32>,
    return
  }
}

</mosaic_0001>

<sc_bundles>
// kernel: kernel.18.cloned.1.call-start
scs
__scs_entry_jumppad:
0x0: {  	(pc) =	sbr.rel $0x88, $3  }
0x1: {  	(tag) =	ssettag $0x0;
	lr =	simm.s32 $0x1  }
0x2: {  	[smem:$0x3F94] =	sst lr;
	_ =	strace $0xD0000000  }
0x3: {  	_ = 	snop  }
0x4: {  	_ = 	snop  }
0x5: {  	_ = 	snop  }
0x6: {  	_ = 	snop  }
0x7: {  	_ = 	snop  }
__scs_overlays_trampoline_lowered:
0x8: {  	[smem:$0x3FA3] =	sst s0  }
0x9: {  	[smem:$0x3FA4] =	sst s1  }
0xa: {  	[smem:$0x3FA5] =	sst s2  }
0xb: {  	[smem:$0x3FA6] =	sst s3  }
0xc: {  	[smem:$0x3FA7] =	sst s4  }
0xd: {  	[smem:$0x3FA8] =	sst s5  }
0xe: {  	[smem:$0x3FA9] =	sst s6  }
0xf: {  	[smem:$0x3FAA] =	sst s7  }
0x10: {  	[smem:$0x3FAB] =	sst s8  }
0x11: {  	[smem:$0x3FAC] =	sst s9;
	s0 =	simm.s32 @!p0 $0x0  }
0x12: {  	s1 =	sld [smem:$0x3F92];
	s0 =	simm.s32 @p0 $0x1  }
0x13: {  	[smem:$0x3FAD] =	sst s0;
	s0 =	simm.s32 @!p1 $0x0  }
0x14: {  	s2 =	sld [smem:$0x3F91];
	s0 =	simm.s32 @p1 $0x1  }
0x15: {  	[smem:$0x3FAE] =	sst s0;
	s0 =	simm.s32 @!p2 $0x0  }
0x16: {  	s3 =	sld [smem:$0x3FDB];
	s0 =	simm.s32 @p2 $0x1  }
0x17: {  	s4 =	simm.s32 $0x1BF5;
	[smem:$0x3FB0] =	sst s0  }
0x18: {  	s0 =	sld [smem:$0x3F93];
	_ =	swait.ge [sflag:s4], $0x0  }
0x19: {  	s7 =	sld [smem:$0x3F94]  }
0x1a: {  	s8 =	sadd.s32 $0xFFFFE003, lr  }
0x1b: {  	s9 =	sadd.s32 $0xFFFFFEF7, lr;
	s5 =	simm.s32 $0xFFFFFFFF;
	p2 =	slt.u32 s8, $0xFFFFF086  }
0x1c: {  	p1 =	slt.u32 s9, $0xF7A;
	s5 =	simm.s32 @!p2 $0x0  }
0x1d: {  	s5 =	simm.s32 @p1 $0x1;
	p0 =	seq.s32 s7, s2  }
0x1e: {  	s7 =	smul.u32 @!p0 $0xF7A, s2;
	p2 =	seq.s32 @!p0 s5, $0x0  }
0x1f: {  	s9 =	smul.u32 $0xF7A, s1;
	s8 =	simm.s32 @!p0 $0x1BF5;
	p2 =	por !p2, p0  }
0x20: {  	[sflag:s8] =	ssyncset.s32 @!p0 $0xFFFFF086;
	s6 =	sadd.s32 @!p0 s3, s7;
	s7 =	simm.s32 @!p0 $0x108  }
0x21: {  	s3 =	sadd.s32 s3, s9;
	s6 =	sadd.s32 @!p0 $0x88, s6;
	s7 =	simm.s32 @p2 $0x1082  }
0x22: {  	[simem:s7], [sflag:s8] =	dma.local @!p0 [hbm:s6], $0xF7A  }
0x23: {  	s9 =	sor.u32 $0xD0000000, s2;
	s6 =	simm.s32 $0x108;
	_ =	swait.ge @!p0 [sflag:s8], $0x0  }
0x24: {  	s3 =	sadd.s32 $0x88, s3;
	s6 =	simm.s32 @!p1 $0x1082;
	[sflag:s4] =	ssyncset.s32 $0xFFFFF086  }
0x25: {  	[simem:s6], [sflag:s4] =	dma.local [hbm:s3], $0xF7A  }
0x26: {  	[smem:$0x3F94] =	sst s1;
	(tag) =	ssettag s2;
	_ =	strace s9  }
0x27: {  	s1 =	sld [smem:$0x3FA4]  }
0x28: {  	s2 =	sld [smem:$0x3FA5]  }
0x29: {  	s4 =	sld [smem:$0x3FA7]  }
0x2a: {  	p0 =	seq.s32 s5, $0x0;
	s5 =	sld [smem:$0x3FA8]  }
0x2b: {  	s6 =	sld [smem:$0x3FA9]  }
0x2c: {  	s7 =	sld [smem:$0x3FAA]  }
0x2d: {  	s3 =	simm.s32 $0x108;
	s8 =	sld [smem:$0x3FAB]  }
0x2e: {  	s3 =	simm.s32 @!p0 $0x1082;
	s9 =	sld [smem:$0x3FAC]  }
0x2f: {  	lr =	sadd.s32 s0, s3;
	s0 =	sld [smem:$0x3FA3]  }
0x30: {  	s3 =	sld [smem:$0x3FA6]  }
0x31: {  	[smem:$0x3FAF] =	sst s10  }
0x32: {  	s10 =	sld [smem:$0x3FAD];
	_ =	sdelay $0x3  }
0x33: {  	p0 =	seq.s32 s10, $0x1;
	s10 =	sld [smem:$0x3FAF];
	_ =	sdelay $0x3  }
0x34: {  	[smem:$0x3FAF] =	sst s10  }
0x35: {  	s10 =	sld [smem:$0x3FAE];
	_ =	sdelay $0x3  }
0x36: {  	p1 =	seq.s32 s10, $0x1;
	s10 =	sld [smem:$0x3FAF];
	_ =	sdelay $0x3  }
0x37: {  	[smem:$0x3FAF] =	sst s10  }
0x38: {  	s10 =	sld [smem:$0x3FB0]  }
0x39: {  	_ = 	snop;
	(pc) =	sbr.ind lr, $3  }
0x3a: {  	_ = 	snop  }
0x3b: {  	_ = 	snop  }
0x3c: {  	p2 =	seq.s32 s10, $0x1;
	s10 =	sld [smem:$0x3FAF]  }
0x3d: {  	_ =	shalt  }
0x3e: {  	_ =	shalt  }
0x3f: {  	_ =	shalt  }
0x40: {  	_ =	shalt  }
0x41: {  	_ =	shalt  }
0x42: {  	_ =	shalt  }
0x43: {  	_ =	shalt  }
0x44: {  	_ =	shalt  }
0x45: {  	_ =	shalt  }
0x46: {  	_ =	shalt  }
0x47: {  	_ =	shalt  }
0x48: {  	_ =	shalt  }
0x49: {  	_ =	shalt  }
0x4a: {  	_ =	shalt  }
0x4b: {  	_ =	shalt  }
0x4c: {  	_ =	shalt  }
0x4d: {  	_ =	shalt  }
0x4e: {  	_ =	shalt  }
0x4f: {  	_ =	shalt  }
0x50: {  	_ =	shalt  }
0x51: {  	_ =	shalt  }
0x52: {  	_ =	shalt  }
0x53: {  	_ =	shalt  }
0x54: {  	_ =	shalt  }
0x55: {  	_ =	shalt  }
0x56: {  	_ =	shalt  }
0x57: {  	_ =	shalt  }
0x58: {  	_ =	shalt  }
0x59: {  	_ =	shalt  }
0x5a: {  	_ =	shalt  }
0x5b: {  	_ =	shalt  }
0x5c: {  	_ =	shalt  }
0x5d: {  	_ =	shalt  }
0x5e: {  	_ =	shalt  }
0x5f: {  	_ =	shalt  }
0x60: {  	_ =	shalt  }
0x61: {  	_ =	shalt  }
0x62: {  	_ =	shalt  }
0x63: {  	_ =	shalt  }
0x64: {  	_ =	shalt  }
0x65: {  	_ =	shalt  }
0x66: {  	_ =	shalt  }
0x67: {  	_ =	shalt  }
0x68: {  	_ =	shalt  }
0x69: {  	_ =	shalt  }
0x6a: {  	_ =	shalt  }
0x6b: {  	_ =	shalt  }
0x6c: {  	_ =	shalt  }
0x6d: {  	_ =	shalt  }
0x6e: {  	_ =	shalt  }
0x6f: {  	_ =	shalt  }
0x70: {  	_ =	shalt  }
0x71: {  	_ =	shalt  }
0x72: {  	_ =	shalt  }
0x73: {  	_ =	shalt  }
0x74: {  	_ =	shalt  }
0x75: {  	_ =	shalt  }
0x76: {  	_ =	shalt  }
0x77: {  	_ =	shalt  }
0x78: {  	_ =	shalt  }
0x79: {  	_ =	shalt  }
0x7a: {  	_ =	shalt  }
0x7b: {  	_ =	shalt  }
0x7c: {  	_ =	shalt  }
0x7d: {  	_ =	shalt  }
0x7e: {  	_ =	shalt  }
0x7f: {  	_ =	shalt  }
0x80: {  	_ =	shalt  }
0x81: {  	_ =	shalt  }
0x82: {  	_ =	shalt  }
0x83: {  	_ =	shalt  }
0x84: {  	_ =	shalt  }
0x85: {  	_ =	shalt  }
0x86: {  	_ =	shalt  }
0x87: {  	_ =	shalt  }
.Lfunc_end0:
.L_simem_size_0:
called_computation_lowered:
.L_overlay_start_0:
0x88: {  	s2 =	sld [smem:$0x3FD9]  }
0x89: {  	s3 =	sld [smem:$0x3FFE];
	_ =	sdelay $0x1  }
0x8a: {  	s1 =	srdreg.scid  }
0x8b: {  	s0 =	sand.u32 $0x1, s1  }
0x8c: {  	s17 =	sshll.u32 s0, $0xA;
	s2 =	sadd.s32 s3, s2  }
0x8d: {  	s2 =	sadd.s32 s2, s17  }
0x8e: {  	[smem:$0x3FBB] =	sst s2  }
0x8f: {  	_ = 	snop  }
0x90: {  	s2 =	sld [smem:$0x3FC8];
	(tm) =	ssettm $0x1  }
0x91: {  	s18 =	sld [smem:$0x3FFB];
	_ =	sdelay $0x3  }
0x92: {  	_ =	strace s18  }
0x93: {  	s3 =	sld [smem:$0x3FFC];
	_ =	sdelay $0x3  }
0x94: {  	_ =	strace s3  }
0x95: {  	s3 =	sld [smem:$0x3FFD];
	_ =	sdelay $0x3  }
0x96: {  	_ =	strace s3  }
0x97: {  	_ =	strace $0x8FFFFFFF  }
0x98: {  	s19 =	sld [smem:$0x3FDB];
	_ =	sdelay $0x1  }
0x99: {  	s4 =	simm.s32 $_scs_section_size  }
0x9a: {  	s5 =	simm.s32 $_size__tile_overlayer_lowered;
	s6 =	simm.s32 $_tile_overlayer_lowered  }
0x9b: {  	s22 =	simm.s32 $0x1BFF;
	s21 =	sshll.u32 s6, $0x1;
	s3 =	sadd.s32 s4, s19  }
0x9c: {  	s7 =	simm.s32 $0x0;
	s20 =	sshll.u32 s5, $0x1;
	s5 =	sadd.s32 s21, s3  }
0x9d: {  	[timem:s7], [sflag:s22] =	dma.local [hbm:s5], s20  }
0x9e: {  	_ =	swait.ge [sflag:s22], s20  }
0x9f: {  	s4 =	ssub.s32 $0x0, s20;
	[sflag:s22] =	ssyncset.done $0x0  }
0xa0: {  	[sflag:s22] =	ssyncadd.s32 s4;
	_ =	sdelay $0x1  }
0xa1: {  	s23 =	simm.s32 $0x1B8B  }
0xa2: {  	_ =	swait.ge [sflag:s23], $0x1  }
0xa3: {  	[sflag:s23] =	ssyncset.done $0x0  }
0xa4: {  	s25 =	simm.s32 $0x1B8E;
	s24 =	sld [smem:$0x3FFE];
	[sflag:s23] =	ssyncadd.s32 $0xFFFFFFFF  }
0xa5: {  	s26 =	simm.s32 $execute0_lowered;
	[smem:$0x3FD2] =	sst s25  }
0xa6: {  	s5 =	sshll.u32 s26, $0x1;
	_ =	strace $0x80000046;
	[dreg:$0x1] =	wrdreg $0xFFFFFFFF  }
0xa7: {  	s28 =	simm.s32 $_size_execute0_lowered;
	s3 =	sadd.s32 s3, s5;
	[dreg:$0x0] =	wrdreg $0x0  }
0xa8: {  	s5 =	sshll.u32 s28, $0x1;
	[dreg:$0x2] =	wrdreg s3  }
0xa9: {  	[dreg:$0x3] =	wrdreg s5  }
0xaa: {  	[dreg:$0x4] =	wrdreg $0xC0  }
0xab: {  	_ =	task [dreg:s7], $0x5FFFF  }
0xac: {  	[dreg:$0x1] =	wrdreg $0xFFFFFFFF  }
0xad: {  	[dreg:$0x0] =	wrdreg $0x60  }
0xae: {  	[dreg:$0x2] =	wrdreg s2  }
0xaf: {  	[dreg:$0x3] =	wrdreg s24  }
0xb0: {  	[dreg:$0x4] =	wrdreg $0x9  }
0xb1: {  	_ =	task.clear_ibuf [dreg:s7], $0x5FFFF;
	_ =	strace $0x90000046  }
0xb2: {  	s29 =	simm.s32 $0x9;
	_ =	strace $0x80000048  }
0xb3: {  	_ =	swait.ge [sflag:s29], $0x1  }
0xb4: {  	[sflag:s29] =	ssyncadd.s32 $0xFFFFFFFF  }
0xb5: {  	_ =	strace $0x90000048  }
0xb6: {  	_ =	sfence  }
0xb7: {  	s30 =	sld [smem:$0x0];
	_ =	sdelay $0x2  }
0xb8: {  	s31 =	sshll.u32 s1, $0xD;
	s1 =	sshrl.u32 s1, $0x2  }
0xb9: {  	s3 =	sand.u32 $0x4000, s31;
	s1 =	sadd.s32 s1, s30  }
0xba: {  	s0 =	sor.u32 s3, s0;
	s1 =	sshll.u32 s1, $0x11  }
0xbb: {  	s0 =	sor.u32 s1, s0  }
0xbc: {  	s0 =	sadd.s32 $0x8F2B, s0  }
0xbd: {  	[sflag:s0] =	ssyncadd.remote.s32 $0x1  }
0xbe: {  	_ =	sfence.sel $0xFFFF  }
0xbf: {  	[dreg:$0x0] =	wrdreg $0xFFFFFFFF;
	(pc) =	sbr.abs _section_cstart, $3  }
0xc0: {  	[dreg:$0x1] =	wrdreg $0xFFFFFFFF  }
0xc1: {  	_ =	task.clear_ibuf [dreg:s7], $0x2FFFF;
	_ =	strace $0x9FFFFFFF  }
0xc2: {  	(tm) =	ssettm $0x7FFFFFFF  }
0xc3: {  	_ =	shalt  }
tec
execute0_lowered:
.L_overlay_start_1:
0x0: {  	(tag) =	ssettag $0x1  }
0x1: {  	s1 =	srdreg.scid  }
0x2: {  	s0 =	stileid.u32;
	s6 =	sand.u32 $0x1, s1  }
0x3: {  	s2 =	rddreg [dreg:$0x0];
	s30 =	sshll.u32 s0, $0x8;
	s3 =	sshll.u32 s6, $0x7  }
0x4: {  	s8 =	rddreg [dreg:$0x1];
	s7 =	simm.s32 $0x1;
	s9 =	sor.u32 s3, s30  }
0x5: {  	s1 =	rddreg [dreg:$0x2];
	s3 =	simm.s32 $0x0;
	s4 =	sshrl.u32 s9, $0x3  }
0x6: {  	s10 =	ssub.s32 $0x2, s6;
	[smem:$0x7FF] =	sst s3;
	s4 =	sadd.s32 s4, s8  }
0x7: {  	_ =	strace $0x80000047;
	s5 =	sadd.s32 $0x3800, s4;
	s4 =	simm.s32 $0x2  }
0x8: {  	[tilespmem:s3], [sflag:$0x2] =	stream.linear.gather [hbm4b:s5+s3], $0x80, $0x38;
	[tilespmem:$0x4080] =	vst v63  }
0x9: {  	s6 =	simm.s32 $0x80;
	s11 =	sshrl.u32 s10, $0x1;
	_ =	swait.ge [sflag:s4], $0x80  }
0xa: {  	s9 =	sshll.u32 s9, $0x4;
	s31 =	ssub.s32 s10, s11;
	[sflag:s4] =	ssyncset.done $0x0  }
0xb: {  	s8 =	sadd.s32 s9, s8;
	s9 =	smax.u32 s31, $0x1;
	[sflag:s4] =	ssyncadd.s32 $0xFFFFFF80  }
0xc: {  	[tilespmem:s6], [sflag:$0x1] =	stream.indirect.gather [hbm4b:s2+s6], $0x80, s3, s6, $0xb8;
	[tilespmem:$0x4080] =	vst v63  }
0xd: {  	p0 =	sne.s32 s9, $0x1;
	_ =	swait.ge [sflag:s7], $0x4000  }
.Ltmp0:
0xe: {  	[sflag:s7] =	ssyncset.done $0x0;
	(pc) =	sbr.rel @!p0 .LBB2_2-.Ltmp0, $4  }
0xf: {  	s8 =	sadd.s32 $0x3E00, s8;
	[sflag:s7] =	ssyncadd.s32 $0xFFFFC000  }
0x10: {  	[hbm4b:s8+s3] =	stream.linear.scatter [tilespmem:s6], [sflag:$0x2], $0x4000, $0x38;
	[tilespmem:$0x4080] =	vst v63  }
0x11: {  	_ =	swait.ge [sflag:s4], $0x4000  }
0x12: {  	s9 =	sadd.s32 $0xFFFFFFFF, s9;
	[sflag:s4] =	ssyncset.done $0x0  }
.LBB2_1:
0x13: {  	p0 =	sne.s32 s9, $0x1;
	s9 =	sadd.s32 $0xFFFFFFFF, s9;
	[sflag:s4] =	ssyncadd.s32 $0xFFFFC000  }
0x14: {  	[tilespmem:s3], [sflag:$0x2] =	stream.linear.gather [hbm4b:s5+s3], $0x80, $0x38;
	[tilespmem:$0x4080] =	vst v63  }
0x15: {  	_ =	swait.ge [sflag:s4], $0x80  }
0x16: {  	[sflag:s4] =	ssyncset.done $0x0  }
0x17: {  	[sflag:s4] =	ssyncadd.s32 $0xFFFFFF80  }
0x18: {  	[tilespmem:s6], [sflag:$0x1] =	stream.indirect.gather [hbm4b:s2+s6], $0x80, s3, s6, $0xb8;
	[tilespmem:$0x4080] =	vst v63  }
0x19: {  	_ =	swait.ge [sflag:s7], $0x4000  }
.Ltmp1:
0x1a: {  	[sflag:s7] =	ssyncset.done $0x0;
	(pc) =	sbr.rel @p0 .LBB2_1-.Ltmp1, $4  }
0x1b: {  	[sflag:s7] =	ssyncadd.s32 $0xFFFFC000  }
0x1c: {  	[hbm4b:s8+s3] =	stream.linear.scatter [tilespmem:s6], [sflag:$0x2], $0x4000, $0x38;
	[tilespmem:$0x4080] =	vst v63  }
0x1d: {  	_ =	swait.ge [sflag:s4], $0x4000  }
0x1e: {  	[sflag:s4] =	ssyncset.done $0x0  }
.LBB2_2:
0x1f: {  	[sflag:s4] =	ssyncadd.s32 $0xFFFFC000  }
0x20: {  	_ =	sfence.sel $0x180000  }
0x21: {  	[bflag:$0x0] =	sbarrier.arrive $0xFFFF  }
0x22: {  	p0 =	sne.s32 s0, $0x0;
	_ =	strace $0x90000047  }
0x23: {  	s0 =	sadd.s32 @!p0 $0x100000, s1;
	[bflag:$0x2] =	sbarrier.arrive $0xFFFF  }
0x24: {  	[sflag:s0] =	ssyncadd.tile.s32 @!p0 $0x1;
	_ =	shalt  }
.Lfunc_end2:
_tile_overlayer_lowered:
.L_overlay_start_2:
0x25: {  	(tag) =	ssettag $0x2  }
0x26: {  	s0 =	rddreg [dreg:$0x0];
	s2 =	stileid.u32  }
0x27: {  	s1 =	rddreg [dreg:$0x1];
	p0 =	sne.s32 s2, $0x0  }
0x28: {  	s3 =	rddreg [dreg:$0x2];
	[bflag:$0x3] =	sbarrier.arrive $0xFFFF;
	s2 =	simm.s32 @!p0 $0x1C02  }
0x29: {  	[timem:s3], [sflag:s2] =	dma.local @!p0 [hbm:s0], s1  }
0x2a: {  	s0 =	simm.s32 @!p0 $0x2  }
0x2b: {  	_ =	swait.ge @!p0 [sflag:s0], s1  }
0x2c: {  	s1 =	ssub.s32 @!p0 $0x0, s1;
	[sflag:s0] =	ssyncset.done @!p0 $0x0  }
0x2d: {  	[sflag:s0] =	ssyncadd.s32 @!p0 s1  }
0x2e: {  	[bflag:$0x3] =	sbarrier.arrive $0xFFFF  }
0x2f: {  	_ =	shalt  }

// kernel: kernel.21.cloned.1.call-start
scs
__scs_entry_jumppad:
0x0: {  	(pc) =	sbr.rel $0x88, $3  }
0x1: {  	(tag) =	ssettag $0x0;
	lr =	simm.s32 $0x1  }
0x2: {  	[smem:$0x3F94] =	sst lr;
	_ =	strace $0xD0000000  }
0x3: {  	_ = 	snop  }
0x4: {  	_ = 	snop  }
0x5: {  	_ = 	snop  }
0x6: {  	_ = 	snop  }
0x7: {  	_ = 	snop  }
__scs_overlays_trampoline_lowered:
0x8: {  	[smem:$0x3FA3] =	sst s0  }
0x9: {  	[smem:$0x3FA4] =	sst s1  }
0xa: {  	[smem:$0x3FA5] =	sst s2  }
0xb: {  	[smem:$0x3FA6] =	sst s3  }
0xc: {  	[smem:$0x3FA7] =	sst s4  }
0xd: {  	[smem:$0x3FA8] =	sst s5  }
0xe: {  	[smem:$0x3FA9] =	sst s6  }
0xf: {  	[smem:$0x3FAA] =	sst s7  }
0x10: {  	[smem:$0x3FAB] =	sst s8  }
0x11: {  	[smem:$0x3FAC] =	sst s9;
	s0 =	simm.s32 @!p0 $0x0  }
0x12: {  	s1 =	sld [smem:$0x3F92];
	s0 =	simm.s32 @p0 $0x1  }
0x13: {  	[smem:$0x3FAD] =	sst s0;
	s0 =	simm.s32 @!p1 $0x0  }
0x14: {  	s2 =	sld [smem:$0x3F91];
	s0 =	simm.s32 @p1 $0x1  }
0x15: {  	[smem:$0x3FAE] =	sst s0;
	s0 =	simm.s32 @!p2 $0x0  }
0x16: {  	s3 =	sld [smem:$0x3FDB];
	s0 =	simm.s32 @p2 $0x1  }
0x17: {  	s4 =	simm.s32 $0x1BF5;
	[smem:$0x3FB0] =	sst s0  }
0x18: {  	s0 =	sld [smem:$0x3F93];
	_ =	swait.ge [sflag:s4], $0x0  }
0x19: {  	s7 =	sld [smem:$0x3F94]  }
0x1a: {  	s8 =	sadd.s32 $0xFFFFE003, lr  }
0x1b: {  	s9 =	sadd.s32 $0xFFFFFEF7, lr;
	s5 =	simm.s32 $0xFFFFFFFF;
	p2 =	slt.u32 s8, $0xFFFFF086  }
0x1c: {  	p1 =	slt.u32 s9, $0xF7A;
	s5 =	simm.s32 @!p2 $0x0  }
0x1d: {  	s5 =	simm.s32 @p1 $0x1;
	p0 =	seq.s32 s7, s2  }
0x1e: {  	s7 =	smul.u32 @!p0 $0xF7A, s2;
	p2 =	seq.s32 @!p0 s5, $0x0  }
0x1f: {  	s9 =	smul.u32 $0xF7A, s1;
	s8 =	simm.s32 @!p0 $0x1BF5;
	p2 =	por !p2, p0  }
0x20: {  	[sflag:s8] =	ssyncset.s32 @!p0 $0xFFFFF086;
	s6 =	sadd.s32 @!p0 s3, s7;
	s7 =	simm.s32 @!p0 $0x108  }
0x21: {  	s3 =	sadd.s32 s3, s9;
	s6 =	sadd.s32 @!p0 $0x88, s6;
	s7 =	simm.s32 @p2 $0x1082  }
0x22: {  	[simem:s7], [sflag:s8] =	dma.local @!p0 [hbm:s6], $0xF7A  }
0x23: {  	s9 =	sor.u32 $0xD0000000, s2;
	s6 =	simm.s32 $0x108;
	_ =	swait.ge @!p0 [sflag:s8], $0x0  }
0x24: {  	s3 =	sadd.s32 $0x88, s3;
	s6 =	simm.s32 @!p1 $0x1082;
	[sflag:s4] =	ssyncset.s32 $0xFFFFF086  }
0x25: {  	[simem:s6], [sflag:s4] =	dma.local [hbm:s3], $0xF7A  }
0x26: {  	[smem:$0x3F94] =	sst s1;
	(tag) =	ssettag s2;
	_ =	strace s9  }
0x27: {  	s1 =	sld [smem:$0x3FA4]  }
0x28: {  	s2 =	sld [smem:$0x3FA5]  }
0x29: {  	s4 =	sld [smem:$0x3FA7]  }
0x2a: {  	p0 =	seq.s32 s5, $0x0;
	s5 =	sld [smem:$0x3FA8]  }
0x2b: {  	s6 =	sld [smem:$0x3FA9]  }
0x2c: {  	s7 =	sld [smem:$0x3FAA]  }
0x2d: {  	s3 =	simm.s32 $0x108;
	s8 =	sld [smem:$0x3FAB]  }
0x2e: {  	s3 =	simm.s32 @!p0 $0x1082;
	s9 =	sld [smem:$0x3FAC]  }
0x2f: {  	lr =	sadd.s32 s0, s3;
	s0 =	sld [smem:$0x3FA3]  }
0x30: {  	s3 =	sld [smem:$0x3FA6]  }
0x31: {  	[smem:$0x3FAF] =	sst s10  }
0x32: {  	s10 =	sld [smem:$0x3FAD];
	_ =	sdelay $0x3  }
0x33: {  	p0 =	seq.s32 s10, $0x1;
	s10 =	sld [smem:$0x3FAF];
	_ =	sdelay $0x3  }
0x34: {  	[smem:$0x3FAF] =	sst s10  }
0x35: {  	s10 =	sld [smem:$0x3FAE];
	_ =	sdelay $0x3  }
0x36: {  	p1 =	seq.s32 s10, $0x1;
	s10 =	sld [smem:$0x3FAF];
	_ =	sdelay $0x3  }
0x37: {  	[smem:$0x3FAF] =	sst s10  }
0x38: {  	s10 =	sld [smem:$0x3FB0]  }
0x39: {  	_ = 	snop;
	(pc) =	sbr.ind lr, $3  }
0x3a: {  	_ = 	snop  }
0x3b: {  	_ = 	snop  }
0x3c: {  	p2 =	seq.s32 s10, $0x1;
	s10 =	sld [smem:$0x3FAF]  }
0x3d: {  	_ =	shalt  }
0x3e: {  	_ =	shalt  }
0x3f: {  	_ =	shalt  }
0x40: {  	_ =	shalt  }
0x41: {  	_ =	shalt  }
0x42: {  	_ =	shalt  }
0x43: {  	_ =	shalt  }
0x44: {  	_ =	shalt  }
0x45: {  	_ =	shalt  }
0x46: {  	_ =	shalt  }
0x47: {  	_ =	shalt  }
0x48: {  	_ =	shalt  }
0x49: {  	_ =	shalt  }
0x4a: {  	_ =	shalt  }
0x4b: {  	_ =	shalt  }
0x4c: {  	_ =	shalt  }
0x4d: {  	_ =	shalt  }
0x4e: {  	_ =	shalt  }
0x4f: {  	_ =	shalt  }
0x50: {  	_ =	shalt  }
0x51: {  	_ =	shalt  }
0x52: {  	_ =	shalt  }
0x53: {  	_ =	shalt  }
0x54: {  	_ =	shalt  }
0x55: {  	_ =	shalt  }
0x56: {  	_ =	shalt  }
0x57: {  	_ =	shalt  }
0x58: {  	_ =	shalt  }
0x59: {  	_ =	shalt  }
0x5a: {  	_ =	shalt  }
0x5b: {  	_ =	shalt  }
0x5c: {  	_ =	shalt  }
0x5d: {  	_ =	shalt  }
0x5e: {  	_ =	shalt  }
0x5f: {  	_ =	shalt  }
0x60: {  	_ =	shalt  }
0x61: {  	_ =	shalt  }
0x62: {  	_ =	shalt  }
0x63: {  	_ =	shalt  }
0x64: {  	_ =	shalt  }
0x65: {  	_ =	shalt  }
0x66: {  	_ =	shalt  }
0x67: {  	_ =	shalt  }
0x68: {  	_ =	shalt  }
0x69: {  	_ =	shalt  }
0x6a: {  	_ =	shalt  }
0x6b: {  	_ =	shalt  }
0x6c: {  	_ =	shalt  }
0x6d: {  	_ =	shalt  }
0x6e: {  	_ =	shalt  }
0x6f: {  	_ =	shalt  }
0x70: {  	_ =	shalt  }
0x71: {  	_ =	shalt  }
0x72: {  	_ =	shalt  }
0x73: {  	_ =	shalt  }
0x74: {  	_ =	shalt  }
0x75: {  	_ =	shalt  }
0x76: {  	_ =	shalt  }
0x77: {  	_ =	shalt  }
0x78: {  	_ =	shalt  }
0x79: {  	_ =	shalt  }
0x7a: {  	_ =	shalt  }
0x7b: {  	_ =	shalt  }
0x7c: {  	_ =	shalt  }
0x7d: {  	_ =	shalt  }
0x7e: {  	_ =	shalt  }
0x7f: {  	_ =	shalt  }
0x80: {  	_ =	shalt  }
0x81: {  	_ =	shalt  }
0x82: {  	_ =	shalt  }
0x83: {  	_ =	shalt  }
0x84: {  	_ =	shalt  }
0x85: {  	_ =	shalt  }
0x86: {  	_ =	shalt  }
0x87: {  	_ =	shalt  }
.Lfunc_end0:
.L_simem_size_0:
called_computation.1_lowered:
.L_overlay_start_0:
0x88: {  	s2 =	sld [smem:$0x3FD9]  }
0x89: {  	s3 =	sld [smem:$0x3FFE];
	_ =	sdelay $0x1  }
0x8a: {  	s1 =	srdreg.scid  }
0x8b: {  	s0 =	sand.u32 $0x1, s1  }
0x8c: {  	s17 =	sshll.u32 s0, $0xA;
	s2 =	sadd.s32 s3, s2  }
0x8d: {  	s2 =	sadd.s32 s2, s17  }
0x8e: {  	[smem:$0x3FBB] =	sst s2  }
0x8f: {  	_ = 	snop  }
0x90: {  	s18 =	sld [smem:$0x3FC8];
	(tm) =	ssettm $0x1  }
0x91: {  	s19 =	sld [smem:$0x3FFB];
	_ =	sdelay $0x3  }
0x92: {  	_ =	strace s19  }
0x93: {  	s2 =	sld [smem:$0x3FFC];
	_ =	sdelay $0x3  }
0x94: {  	_ =	strace s2  }
0x95: {  	s2 =	sld [smem:$0x3FFD];
	_ =	sdelay $0x3  }
0x96: {  	_ =	strace s2  }
0x97: {  	_ =	strace $0x8FFFFFFF  }
0x98: {  	s20 =	sld [smem:$0x3FDB];
	_ =	sdelay $0x1  }
0x99: {  	s4 =	simm.s32 $_scs_section_size  }
0x9a: {  	s5 =	simm.s32 $_size__tile_overlayer_lowered;
	s6 =	simm.s32 $_tile_overlayer_lowered  }
0x9b: {  	s7 =	simm.s32 $0x1BFF;
	s21 =	sshll.u32 s6, $0x1;
	s4 =	sadd.s32 s4, s20  }
0x9c: {  	s22 =	simm.s32 $0x0;
	s5 =	sshll.u32 s5, $0x1;
	s6 =	sadd.s32 s21, s4  }
0x9d: {  	[timem:s22], [sflag:s7] =	dma.local [hbm:s6], s5  }
0x9e: {  	_ =	swait.ge [sflag:s7], s5  }
0x9f: {  	s5 =	ssub.s32 $0x0, s5;
	[sflag:s7] =	ssyncset.done $0x0  }
0xa0: {  	[sflag:s7] =	ssyncadd.s32 s5;
	_ =	sdelay $0x1  }
0xa1: {  	s23 =	simm.s32 $0x1B8B  }
0xa2: {  	_ =	swait.ge [sflag:s23], $0x1  }
0xa3: {  	[sflag:s23] =	ssyncset.done $0x0  }
0xa4: {  	[sflag:s23] =	ssyncadd.s32 $0xFFFFFFFF  }
0xa5: {  	s5 =	sld [smem:$0x0]  }
0xa6: {  	s6 =	sand.u32 $0xFFFFFFFE, s1  }
0xa7: {  	p0 =	sne.s32 s1, s6  }
0xa8: {  	s6 =	sshll.u32 @p0 s6, $0xE  }
0xa9: {  	s6 =	sadd.s32 @p0 $0x11B8D, s6;
	s7 =	sshll.u32 @p0 s5, $0x11  }
0xaa: {  	s6 =	sor.u32 @p0 s7, s6  }
0xab: {  	[sflag:s6] =	ssyncadd.remote.s32 @p0 $0x1;
	_ =	sdelay $0x1  }
0xac: {  	s6 =	simm.s32 @p0 $0x1B8D  }
0xad: {  	_ =	swait.eq @p0 [sflag:s6], $0x1  }
0xae: {  	[sflag:s6] =	ssyncadd.s32 @p0 $0xFFFFFFFF  }
0xaf: {  	s7 =	sshll.u32 @!p0 s1, $0xE  }
0xb0: {  	s7 =	sor.u32 @!p0 $0x4000, s7;
	s6 =	simm.s32 @!p0 $0x1B8D  }
0xb1: {  	s5 =	sshll.u32 @!p0 s5, $0x11;
	s7 =	sadd.s32 @!p0 $0x11B8D, s7;
	_ =	swait.eq @!p0 [sflag:s6], $0x1  }
0xb2: {  	s5 =	sor.u32 @!p0 s5, s7;
	[sflag:s6] =	ssyncadd.s32 @!p0 $0xFFFFFFFF  }
0xb3: {  	s25 =	simm.s32 $0x1B8E;
	s24 =	sld [smem:$0x3FFE];
	[sflag:s5] =	ssyncadd.remote.s32 @!p0 $0x1  }
0xb4: {  	s26 =	simm.s32 $execute0_lowered;
	[smem:$0x3FD2] =	sst s25  }
0xb5: {  	s6 =	sshll.u32 s26, $0x1;
	_ =	strace $0x80000049;
	[dreg:$0x1] =	wrdreg $0xFFFFFFFF  }
0xb6: {  	s28 =	simm.s32 $_size_execute0_lowered;
	s4 =	sadd.s32 s4, s6;
	[dreg:$0x0] =	wrdreg $0x0  }
0xb7: {  	s6 =	sshll.u32 s28, $0x1;
	[dreg:$0x2] =	wrdreg s4  }
0xb8: {  	[dreg:$0x3] =	wrdreg s6  }
0xb9: {  	[dreg:$0x4] =	wrdreg $0xC0  }
0xba: {  	_ =	task [dreg:s22], $0x5FFFF  }
0xbb: {  	[dreg:$0x1] =	wrdreg $0xFFFFFFFF  }
0xbc: {  	[dreg:$0x0] =	wrdreg $0x60  }
0xbd: {  	[dreg:$0x2] =	wrdreg s18  }
0xbe: {  	[dreg:$0x3] =	wrdreg s24  }
0xbf: {  	[dreg:$0x4] =	wrdreg $0xA  }
0xc0: {  	_ =	task.clear_ibuf [dreg:s22], $0x5FFFF;
	_ =	strace $0x90000049  }
0xc1: {  	s29 =	simm.s32 $0xA;
	_ =	strace $0x8000004B  }
0xc2: {  	_ =	swait.ge [sflag:s29], $0x1  }
0xc3: {  	[sflag:s29] =	ssyncadd.s32 $0xFFFFFFFF  }
0xc4: {  	_ =	strace $0x9000004B  }
0xc5: {  	_ =	sfence  }
0xc6: {  	s30 =	sld [smem:$0x0];
	_ =	sdelay $0x2  }
0xc7: {  	s31 =	sshll.u32 s1, $0xD;
	s1 =	sshrl.u32 s1, $0x2  }
0xc8: {  	s4 =	sand.u32 $0x4000, s31;
	s1 =	sadd.s32 s1, s30  }
0xc9: {  	s0 =	sor.u32 s4, s0;
	s1 =	sshll.u32 s1, $0x11  }
0xca: {  	s0 =	sor.u32 s1, s0  }
0xcb: {  	s0 =	sadd.s32 $0x8F2B, s0  }
0xcc: {  	[sflag:s0] =	ssyncadd.remote.s32 $0x1  }
0xcd: {  	_ =	sfence.sel $0xFFFF  }
0xce: {  	[dreg:$0x0] =	wrdreg $0xFFFFFFFF;
	(pc) =	sbr.abs _section_cstart, $3  }
0xcf: {  	[dreg:$0x1] =	wrdreg $0xFFFFFFFF  }
0xd0: {  	_ =	task.clear_ibuf [dreg:s22], $0x2FFFF;
	_ =	strace $0x9FFFFFFF  }
0xd1: {  	(tm) =	ssettm $0x7FFFFFFF  }
tec
execute0_lowered:
.L_overlay_start_1:
0x0: {  	(tag) =	ssettag $0x1  }
0x1: {  	s1 =	srdreg.scid  }
0x2: {  	s0 =	stileid.u32;
	s6 =	sand.u32 $0x1, s1  }
0x3: {  	s2 =	rddreg [dreg:$0x0];
	s30 =	sshll.u32 s0, $0x8;
	s3 =	sshll.u32 s6, $0x7  }
0x4: {  	s8 =	rddreg [dreg:$0x1];
	s7 =	simm.s32 $0x1;
	s9 =	sor.u32 s3, s30  }
0x5: {  	s1 =	rddreg [dreg:$0x2];
	s3 =	simm.s32 $0x0;
	s4 =	sshrl.u32 s9, $0x3  }
0x6: {  	s10 =	ssub.s32 $0x2, s6;
	[smem:$0x7FF] =	sst s3;
	s4 =	sadd.s32 s4, s8  }
0x7: {  	_ =	strace $0x8000004A;
	s5 =	sadd.s32 $0x3A00, s4;
	s4 =	simm.s32 $0x2  }
0x8: {  	[tilespmem:s3], [sflag:$0x2] =	stream.linear.gather [hbm4b:s5+s3], $0x80, $0x38;
	[tilespmem:$0x4080] =	vst v63  }
0x9: {  	s6 =	simm.s32 $0x80;
	s11 =	sshrl.u32 s10, $0x1;
	_ =	swait.ge [sflag:s4], $0x80  }
0xa: {  	s9 =	sshll.u32 s9, $0x4;
	s31 =	ssub.s32 s10, s11;
	[sflag:s4] =	ssyncset.done $0x0  }
0xb: {  	s8 =	sadd.s32 s9, s8;
	s9 =	smax.u32 s31, $0x1;
	[sflag:s4] =	ssyncadd.s32 $0xFFFFFF80  }
0xc: {  	[tilespmem:s6], [sflag:$0x1] =	stream.indirect.gather [hbm4b:s2+s6], $0x80, s3, s6, $0xb8;
	[tilespmem:$0x4080] =	vst v63  }
0xd: {  	p0 =	sne.s32 s9, $0x1;
	_ =	swait.ge [sflag:s7], $0x4000  }
.Ltmp0:
0xe: {  	[sflag:s7] =	ssyncset.done $0x0;
	(pc) =	sbr.rel @!p0 .LBB2_2-.Ltmp0, $4  }
0xf: {  	s8 =	sadd.s32 $0x13E00, s8;
	[sflag:s7] =	ssyncadd.s32 $0xFFFFC000  }
0x10: {  	[hbm4b:s8+s3] =	stream.linear.scatter [tilespmem:s6], [sflag:$0x2], $0x4000, $0x38;
	[tilespmem:$0x4080] =	vst v63  }
0x11: {  	_ =	swait.ge [sflag:s4], $0x4000  }
0x12: {  	s9 =	sadd.s32 $0xFFFFFFFF, s9;
	[sflag:s4] =	ssyncset.done $0x0  }
.LBB2_1:
0x13: {  	p0 =	sne.s32 s9, $0x1;
	s9 =	sadd.s32 $0xFFFFFFFF, s9;
	[sflag:s4] =	ssyncadd.s32 $0xFFFFC000  }
0x14: {  	[tilespmem:s3], [sflag:$0x2] =	stream.linear.gather [hbm4b:s5+s3], $0x80, $0x38;
	[tilespmem:$0x4080] =	vst v63  }
0x15: {  	_ =	swait.ge [sflag:s4], $0x80  }
0x16: {  	[sflag:s4] =	ssyncset.done $0x0  }
0x17: {  	[sflag:s4] =	ssyncadd.s32 $0xFFFFFF80  }
0x18: {  	[tilespmem:s6], [sflag:$0x1] =	stream.indirect.gather [hbm4b:s2+s6], $0x80, s3, s6, $0xb8;
	[tilespmem:$0x4080] =	vst v63  }
0x19: {  	_ =	swait.ge [sflag:s7], $0x4000  }
.Ltmp1:
0x1a: {  	[sflag:s7] =	ssyncset.done $0x0;
	(pc) =	sbr.rel @p0 .LBB2_1-.Ltmp1, $4  }
0x1b: {  	[sflag:s7] =	ssyncadd.s32 $0xFFFFC000  }
0x1c: {  	[hbm4b:s8+s3] =	stream.linear.scatter [tilespmem:s6], [sflag:$0x2], $0x4000, $0x38;
	[tilespmem:$0x4080] =	vst v63  }
0x1d: {  	_ =	swait.ge [sflag:s4], $0x4000  }
0x1e: {  	[sflag:s4] =	ssyncset.done $0x0  }
.LBB2_2:
0x1f: {  	[sflag:s4] =	ssyncadd.s32 $0xFFFFC000  }
0x20: {  	_ =	sfence.sel $0x180000  }
0x21: {  	[bflag:$0x0] =	sbarrier.arrive $0xFFFF  }
0x22: {  	p0 =	sne.s32 s0, $0x0;
	_ =	strace $0x9000004A  }
0x23: {  	s0 =	sadd.s32 @!p0 $0x100000, s1;
	[bflag:$0x2] =	sbarrier.arrive $0xFFFF  }
0x24: {  	[sflag:s0] =	ssyncadd.tile.s32 @!p0 $0x1;
	_ =	shalt  }
.Lfunc_end2:
_tile_overlayer_lowered:
.L_overlay_start_2:
0x25: {  	(tag) =	ssettag $0x2  }
0x26: {  	s0 =	rddreg [dreg:$0x0];
	s2 =	stileid.u32  }
0x27: {  	s1 =	rddreg [dreg:$0x1];
	p0 =	sne.s32 s2, $0x0  }
0x28: {  	s3 =	rddreg [dreg:$0x2];
	[bflag:$0x3] =	sbarrier.arrive $0xFFFF;
	s2 =	simm.s32 @!p0 $0x1C02  }
0x29: {  	[timem:s3], [sflag:s2] =	dma.local @!p0 [hbm:s0], s1  }
0x2a: {  	s0 =	simm.s32 @!p0 $0x2  }
0x2b: {  	_ =	swait.ge @!p0 [sflag:s0], s1  }
0x2c: {  	s1 =	ssub.s32 @!p0 $0x0, s1;
	[sflag:s0] =	ssyncset.done @!p0 $0x0  }
0x2d: {  	[sflag:s0] =	ssyncadd.s32 @!p0 s1  }
0x2e: {  	[bflag:$0x3] =	sbarrier.arrive $0xFFFF  }
0x2f: {  	_ =	shalt  }

// kernel: kernel.24.cloned.1.call-start
scs
__scs_entry_jumppad:
0x0: {  	(pc) =	sbr.rel $0x88, $3  }
0x1: {  	(tag) =	ssettag $0x0;
	lr =	simm.s32 $0x1  }
0x2: {  	[smem:$0x3F94] =	sst lr;
	_ =	strace $0xD0000000  }
0x3: {  	_ = 	snop  }
0x4: {  	_ = 	snop  }
0x5: {  	_ = 	snop  }
0x6: {  	_ = 	snop  }
0x7: {  	_ = 	snop  }
__scs_overlays_trampoline_lowered:
0x8: {  	[smem:$0x3FA3] =	sst s0  }
0x9: {  	[smem:$0x3FA4] =	sst s1  }
0xa: {  	[smem:$0x3FA5] =	sst s2  }
0xb: {  	[smem:$0x3FA6] =	sst s3  }
0xc: {  	[smem:$0x3FA7] =	sst s4  }
0xd: {  	[smem:$0x3FA8] =	sst s5  }
0xe: {  	[smem:$0x3FA9] =	sst s6  }
0xf: {  	[smem:$0x3FAA] =	sst s7  }
0x10: {  	[smem:$0x3FAB] =	sst s8  }
0x11: {  	[smem:$0x3FAC] =	sst s9;
	s0 =	simm.s32 @!p0 $0x0  }
0x12: {  	s1 =	sld [smem:$0x3F92];
	s0 =	simm.s32 @p0 $0x1  }
0x13: {  	[smem:$0x3FAD] =	sst s0;
	s0 =	simm.s32 @!p1 $0x0  }
0x14: {  	s2 =	sld [smem:$0x3F91];
	s0 =	simm.s32 @p1 $0x1  }
0x15: {  	[smem:$0x3FAE] =	sst s0;
	s0 =	simm.s32 @!p2 $0x0  }
0x16: {  	s3 =	sld [smem:$0x3FDB];
	s0 =	simm.s32 @p2 $0x1  }
0x17: {  	s4 =	simm.s32 $0x1BF5;
	[smem:$0x3FB0] =	sst s0  }
0x18: {  	s0 =	sld [smem:$0x3F93];
	_ =	swait.ge [sflag:s4], $0x0  }
0x19: {  	s7 =	sld [smem:$0x3F94]  }
0x1a: {  	s8 =	sadd.s32 $0xFFFFE003, lr  }
0x1b: {  	s9 =	sadd.s32 $0xFFFFFEF7, lr;
	s5 =	simm.s32 $0xFFFFFFFF;
	p2 =	slt.u32 s8, $0xFFFFF086  }
0x1c: {  	p1 =	slt.u32 s9, $0xF7A;
	s5 =	simm.s32 @!p2 $0x0  }
0x1d: {  	s5 =	simm.s32 @p1 $0x1;
	p0 =	seq.s32 s7, s2  }
0x1e: {  	s7 =	smul.u32 @!p0 $0xF7A, s2;
	p2 =	seq.s32 @!p0 s5, $0x0  }
0x1f: {  	s9 =	smul.u32 $0xF7A, s1;
	s8 =	simm.s32 @!p0 $0x1BF5;
	p2 =	por !p2, p0  }
0x20: {  	[sflag:s8] =	ssyncset.s32 @!p0 $0xFFFFF086;
	s6 =	sadd.s32 @!p0 s3, s7;
	s7 =	simm.s32 @!p0 $0x108  }
0x21: {  	s3 =	sadd.s32 s3, s9;
	s6 =	sadd.s32 @!p0 $0x88, s6;
	s7 =	simm.s32 @p2 $0x1082  }
0x22: {  	[simem:s7], [sflag:s8] =	dma.local @!p0 [hbm:s6], $0xF7A  }
0x23: {  	s9 =	sor.u32 $0xD0000000, s2;
	s6 =	simm.s32 $0x108;
	_ =	swait.ge @!p0 [sflag:s8], $0x0  }
0x24: {  	s3 =	sadd.s32 $0x88, s3;
	s6 =	simm.s32 @!p1 $0x1082;
	[sflag:s4] =	ssyncset.s32 $0xFFFFF086  }
0x25: {  	[simem:s6], [sflag:s4] =	dma.local [hbm:s3], $0xF7A  }
0x26: {  	[smem:$0x3F94] =	sst s1;
	(tag) =	ssettag s2;
	_ =	strace s9  }
0x27: {  	s1 =	sld [smem:$0x3FA4]  }
0x28: {  	s2 =	sld [smem:$0x3FA5]  }
0x29: {  	s4 =	sld [smem:$0x3FA7]  }
0x2a: {  	p0 =	seq.s32 s5, $0x0;
	s5 =	sld [smem:$0x3FA8]  }
0x2b: {  	s6 =	sld [smem:$0x3FA9]  }
0x2c: {  	s7 =	sld [smem:$0x3FAA]  }
0x2d: {  	s3 =	simm.s32 $0x108;
	s8 =	sld [smem:$0x3FAB]  }
0x2e: {  	s3 =	simm.s32 @!p0 $0x1082;
	s9 =	sld [smem:$0x3FAC]  }
0x2f: {  	lr =	sadd.s32 s0, s3;
	s0 =	sld [smem:$0x3FA3]  }
0x30: {  	s3 =	sld [smem:$0x3FA6]  }
0x31: {  	[smem:$0x3FAF] =	sst s10  }
0x32: {  	s10 =	sld [smem:$0x3FAD];
	_ =	sdelay $0x3  }
0x33: {  	p0 =	seq.s32 s10, $0x1;
	s10 =	sld [smem:$0x3FAF];
	_ =	sdelay $0x3  }
0x34: {  	[smem:$0x3FAF] =	sst s10  }
0x35: {  	s10 =	sld [smem:$0x3FAE];
	_ =	sdelay $0x3  }
0x36: {  	p1 =	seq.s32 s10, $0x1;
	s10 =	sld [smem:$0x3FAF];
	_ =	sdelay $0x3  }
0x37: {  	[smem:$0x3FAF] =	sst s10  }
0x38: {  	s10 =	sld [smem:$0x3FB0]  }
0x39: {  	_ = 	snop;
	(pc) =	sbr.ind lr, $3  }
0x3a: {  	_ = 	snop  }
0x3b: {  	_ = 	snop  }
0x3c: {  	p2 =	seq.s32 s10, $0x1;
	s10 =	sld [smem:$0x3FAF]  }
0x3d: {  	_ =	shalt  }
0x3e: {  	_ =	shalt  }
0x3f: {  	_ =	shalt  }
0x40: {  	_ =	shalt  }
0x41: {  	_ =	shalt  }
0x42: {  	_ =	shalt  }
0x43: {  	_ =	shalt  }
0x44: {  	_ =	shalt  }
0x45: {  	_ =	shalt  }
0x46: {  	_ =	shalt  }
0x47: {  	_ =	shalt  }
0x48: {  	_ =	shalt  }
0x49: {  	_ =	shalt  }
0x4a: {  	_ =	shalt  }
0x4b: {  	_ =	shalt  }
0x4c: {  	_ =	shalt  }
0x4d: {  	_ =	shalt  }
0x4e: {  	_ =	shalt  }
0x4f: {  	_ =	shalt  }
0x50: {  	_ =	shalt  }
0x51: {  	_ =	shalt  }
0x52: {  	_ =	shalt  }
0x53: {  	_ =	shalt  }
0x54: {  	_ =	shalt  }
0x55: {  	_ =	shalt  }
0x56: {  	_ =	shalt  }
0x57: {  	_ =	shalt  }
0x58: {  	_ =	shalt  }
0x59: {  	_ =	shalt  }
0x5a: {  	_ =	shalt  }
0x5b: {  	_ =	shalt  }
0x5c: {  	_ =	shalt  }
0x5d: {  	_ =	shalt  }
0x5e: {  	_ =	shalt  }
0x5f: {  	_ =	shalt  }
0x60: {  	_ =	shalt  }
0x61: {  	_ =	shalt  }
0x62: {  	_ =	shalt  }
0x63: {  	_ =	shalt  }
0x64: {  	_ =	shalt  }
0x65: {  	_ =	shalt  }
0x66: {  	_ =	shalt  }
0x67: {  	_ =	shalt  }
0x68: {  	_ =	shalt  }
0x69: {  	_ =	shalt  }
0x6a: {  	_ =	shalt  }
0x6b: {  	_ =	shalt  }
0x6c: {  	_ =	shalt  }
0x6d: {  	_ =	shalt  }
0x6e: {  	_ =	shalt  }
0x6f: {  	_ =	shalt  }
0x70: {  	_ =	shalt  }
0x71: {  	_ =	shalt  }
0x72: {  	_ =	shalt  }
0x73: {  	_ =	shalt  }
0x74: {  	_ =	shalt  }
0x75: {  	_ =	shalt  }
0x76: {  	_ =	shalt  }
0x77: {  	_ =	shalt  }
0x78: {  	_ =	shalt  }
0x79: {  	_ =	shalt  }
0x7a: {  	_ =	shalt  }
0x7b: {  	_ =	shalt  }
0x7c: {  	_ =	shalt  }
0x7d: {  	_ =	shalt  }
0x7e: {  	_ =	shalt  }
0x7f: {  	_ =	shalt  }
0x80: {  	_ =	shalt  }
0x81: {  	_ =	shalt  }
0x82: {  	_ =	shalt  }
0x83: {  	_ =	shalt  }
0x84: {  	_ =	shalt  }
0x85: {  	_ =	shalt  }
0x86: {  	_ =	shalt  }
0x87: {  	_ =	shalt  }
.Lfunc_end0:
.L_simem_size_0:
called_computation.2_lowered:
.L_overlay_start_0:
0x88: {  	s2 =	sld [smem:$0x3FD9]  }
0x89: {  	s3 =	sld [smem:$0x3FFE];
	_ =	sdelay $0x1  }
0x8a: {  	s1 =	srdreg.scid  }
0x8b: {  	s0 =	sand.u32 $0x1, s1  }
0x8c: {  	s17 =	sshll.u32 s0, $0xA;
	s2 =	sadd.s32 s3, s2  }
0x8d: {  	s2 =	sadd.s32 s2, s17  }
0x8e: {  	[smem:$0x3FBB] =	sst s2  }
0x8f: {  	_ = 	snop  }
0x90: {  	s18 =	sld [smem:$0x3FC8];
	(tm) =	ssettm $0x1  }
0x91: {  	s19 =	sld [smem:$0x3FFB];
	_ =	sdelay $0x3  }
0x92: {  	_ =	strace s19  }
0x93: {  	s2 =	sld [smem:$0x3FFC];
	_ =	sdelay $0x3  }
0x94: {  	_ =	strace s2  }
0x95: {  	s2 =	sld [smem:$0x3FFD];
	_ =	sdelay $0x3  }
0x96: {  	_ =	strace s2  }
0x97: {  	_ =	strace $0x8FFFFFFF  }
0x98: {  	s20 =	sld [smem:$0x3FDB];
	_ =	sdelay $0x1  }
0x99: {  	s4 =	simm.s32 $_scs_section_size  }
0x9a: {  	s5 =	simm.s32 $_size__tile_overlayer_lowered;
	s6 =	simm.s32 $_tile_overlayer_lowered  }
0x9b: {  	s7 =	simm.s32 $0x1BFF;
	s21 =	sshll.u32 s6, $0x1;
	s4 =	sadd.s32 s4, s20  }
0x9c: {  	s22 =	simm.s32 $0x0;
	s5 =	sshll.u32 s5, $0x1;
	s6 =	sadd.s32 s21, s4  }
0x9d: {  	[timem:s22], [sflag:s7] =	dma.local [hbm:s6], s5  }
0x9e: {  	_ =	swait.ge [sflag:s7], s5  }
0x9f: {  	s5 =	ssub.s32 $0x0, s5;
	[sflag:s7] =	ssyncset.done $0x0  }
0xa0: {  	[sflag:s7] =	ssyncadd.s32 s5;
	_ =	sdelay $0x1  }
0xa1: {  	s23 =	simm.s32 $0x1B8B  }
0xa2: {  	_ =	swait.ge [sflag:s23], $0x1  }
0xa3: {  	[sflag:s23] =	ssyncset.done $0x0  }
0xa4: {  	[sflag:s23] =	ssyncadd.s32 $0xFFFFFFFF  }
0xa5: {  	s5 =	sld [smem:$0x0]  }
0xa6: {  	s6 =	sand.u32 $0xFFFFFFFE, s1  }
0xa7: {  	p0 =	sne.s32 s1, s6  }
0xa8: {  	s6 =	sshll.u32 @p0 s6, $0xE  }
0xa9: {  	s6 =	sadd.s32 @p0 $0x11B8D, s6;
	s7 =	sshll.u32 @p0 s5, $0x11  }
0xaa: {  	s6 =	sor.u32 @p0 s7, s6  }
0xab: {  	[sflag:s6] =	ssyncadd.remote.s32 @p0 $0x1;
	_ =	sdelay $0x1  }
0xac: {  	s6 =	simm.s32 @p0 $0x1B8D  }
0xad: {  	_ =	swait.eq @p0 [sflag:s6], $0x1  }
0xae: {  	[sflag:s6] =	ssyncadd.s32 @p0 $0xFFFFFFFF  }
0xaf: {  	s7 =	sshll.u32 @!p0 s1, $0xE  }
0xb0: {  	s7 =	sor.u32 @!p0 $0x4000, s7;
	s6 =	simm.s32 @!p0 $0x1B8D  }
0xb1: {  	s5 =	sshll.u32 @!p0 s5, $0x11;
	s7 =	sadd.s32 @!p0 $0x11B8D, s7;
	_ =	swait.eq @!p0 [sflag:s6], $0x1  }
0xb2: {  	s5 =	sor.u32 @!p0 s5, s7;
	[sflag:s6] =	ssyncadd.s32 @!p0 $0xFFFFFFFF  }
0xb3: {  	s25 =	simm.s32 $0x1B8E;
	s24 =	sld [smem:$0x3FFE];
	[sflag:s5] =	ssyncadd.remote.s32 @!p0 $0x1  }
0xb4: {  	s26 =	simm.s32 $execute0_lowered;
	[smem:$0x3FD2] =	sst s25  }
0xb5: {  	s6 =	sshll.u32 s26, $0x1;
	_ =	strace $0x8000004C;
	[dreg:$0x1] =	wrdreg $0xFFFFFFFF  }
0xb6: {  	s28 =	simm.s32 $_size_execute0_lowered;
	s4 =	sadd.s32 s4, s6;
	[dreg:$0x0] =	wrdreg $0x0  }
0xb7: {  	s6 =	sshll.u32 s28, $0x1;
	[dreg:$0x2] =	wrdreg s4  }
0xb8: {  	[dreg:$0x3] =	wrdreg s6  }
0xb9: {  	[dreg:$0x4] =	wrdreg $0xC0  }
0xba: {  	_ =	task [dreg:s22], $0x5FFFF  }
0xbb: {  	[dreg:$0x1] =	wrdreg $0xFFFFFFFF  }
0xbc: {  	[dreg:$0x0] =	wrdreg $0x60  }
0xbd: {  	[dreg:$0x2] =	wrdreg s18  }
0xbe: {  	[dreg:$0x3] =	wrdreg s24  }
0xbf: {  	[dreg:$0x4] =	wrdreg $0xB  }
0xc0: {  	_ =	task.clear_ibuf [dreg:s22], $0x5FFFF;
	_ =	strace $0x9000004C  }
0xc1: {  	s29 =	simm.s32 $0xB;
	_ =	strace $0x8000004E  }
0xc2: {  	_ =	swait.ge [sflag:s29], $0x1  }
0xc3: {  	[sflag:s29] =	ssyncadd.s32 $0xFFFFFFFF  }
0xc4: {  	_ =	strace $0x9000004E  }
0xc5: {  	_ =	sfence  }
0xc6: {  	s30 =	sld [smem:$0x0];
	_ =	sdelay $0x2  }
0xc7: {  	s31 =	sshll.u32 s1, $0xD;
	s1 =	sshrl.u32 s1, $0x2  }
0xc8: {  	s4 =	sand.u32 $0x4000, s31;
	s1 =	sadd.s32 s1, s30  }
0xc9: {  	s0 =	sor.u32 s4, s0;
	s1 =	sshll.u32 s1, $0x11  }
0xca: {  	s0 =	sor.u32 s1, s0  }
0xcb: {  	s0 =	sadd.s32 $0x8F2B, s0  }
0xcc: {  	[sflag:s0] =	ssyncadd.remote.s32 $0x1  }
0xcd: {  	_ =	sfence.sel $0xFFFF  }
0xce: {  	[dreg:$0x0] =	wrdreg $0xFFFFFFFF;
	(pc) =	sbr.abs _section_cstart, $3  }
0xcf: {  	[dreg:$0x1] =	wrdreg $0xFFFFFFFF  }
0xd0: {  	_ =	task.clear_ibuf [dreg:s22], $0x2FFFF;
	_ =	strace $0x9FFFFFFF  }
0xd1: {  	(tm) =	ssettm $0x7FFFFFFF  }
tec
execute0_lowered:
.L_overlay_start_1:
0x0: {  	(tag) =	ssettag $0x1  }
0x1: {  	s1 =	srdreg.scid  }
0x2: {  	s0 =	stileid.u32;
	s6 =	sand.u32 $0x1, s1  }
0x3: {  	s2 =	rddreg [dreg:$0x0];
	s30 =	sshll.u32 s0, $0x8;
	s3 =	sshll.u32 s6, $0x7  }
0x4: {  	s8 =	rddreg [dreg:$0x1];
	s7 =	simm.s32 $0x1;
	s9 =	sor.u32 s3, s30  }
0x5: {  	s1 =	rddreg [dreg:$0x2];
	s3 =	simm.s32 $0x0;
	s4 =	sshrl.u32 s9, $0x3  }
0x6: {  	s10 =	ssub.s32 $0x2, s6;
	[smem:$0x7FF] =	sst s3;
	s4 =	sadd.s32 s4, s8  }
0x7: {  	_ =	strace $0x8000004D;
	s5 =	sadd.s32 $0x3C00, s4;
	s4 =	simm.s32 $0x2  }
0x8: {  	[tilespmem:s3], [sflag:$0x2] =	stream.linear.gather [hbm4b:s5+s3], $0x80, $0x38;
	[tilespmem:$0x4080] =	vst v63  }
0x9: {  	s6 =	simm.s32 $0x80;
	s11 =	sshrl.u32 s10, $0x1;
	_ =	swait.ge [sflag:s4], $0x80  }
0xa: {  	s9 =	sshll.u32 s9, $0x4;
	s31 =	ssub.s32 s10, s11;
	[sflag:s4] =	ssyncset.done $0x0  }
0xb: {  	s8 =	sadd.s32 s9, s8;
	s9 =	smax.u32 s31, $0x1;
	[sflag:s4] =	ssyncadd.s32 $0xFFFFFF80  }
0xc: {  	[tilespmem:s6], [sflag:$0x1] =	stream.indirect.gather [hbm4b:s2+s6], $0x80, s3, s6, $0xb8;
	[tilespmem:$0x4080] =	vst v63  }
0xd: {  	p0 =	sne.s32 s9, $0x1;
	_ =	swait.ge [sflag:s7], $0x4000  }
.Ltmp0:
0xe: {  	[sflag:s7] =	ssyncset.done $0x0;
	(pc) =	sbr.rel @!p0 .LBB2_2-.Ltmp0, $4  }
0xf: {  	s8 =	sadd.s32 $0x23E00, s8;
	[sflag:s7] =	ssyncadd.s32 $0xFFFFC000  }
0x10: {  	[hbm4b:s8+s3] =	stream.linear.scatter [tilespmem:s6], [sflag:$0x2], $0x4000, $0x38;
	[tilespmem:$0x4080] =	vst v63  }
0x11: {  	_ =	swait.ge [sflag:s4], $0x4000  }
0x12: {  	s9 =	sadd.s32 $0xFFFFFFFF, s9;
	[sflag:s4] =	ssyncset.done $0x0  }
.LBB2_1:
0x13: {  	p0 =	sne.s32 s9, $0x1;
	s9 =	sadd.s32 $0xFFFFFFFF, s9;
	[sflag:s4] =	ssyncadd.s32 $0xFFFFC000  }
0x14: {  	[tilespmem:s3], [sflag:$0x2] =	stream.linear.gather [hbm4b:s5+s3], $0x80, $0x38;
	[tilespmem:$0x4080] =	vst v63  }
0x15: {  	_ =	swait.ge [sflag:s4], $0x80  }
0x16: {  	[sflag:s4] =	ssyncset.done $0x0  }
0x17: {  	[sflag:s4] =	ssyncadd.s32 $0xFFFFFF80  }
0x18: {  	[tilespmem:s6], [sflag:$0x1] =	stream.indirect.gather [hbm4b:s2+s6], $0x80, s3, s6, $0xb8;
	[tilespmem:$0x4080] =	vst v63  }
0x19: {  	_ =	swait.ge [sflag:s7], $0x4000  }
.Ltmp1:
0x1a: {  	[sflag:s7] =	ssyncset.done $0x0;
	(pc) =	sbr.rel @p0 .LBB2_1-.Ltmp1, $4  }
0x1b: {  	[sflag:s7] =	ssyncadd.s32 $0xFFFFC000  }
0x1c: {  	[hbm4b:s8+s3] =	stream.linear.scatter [tilespmem:s6], [sflag:$0x2], $0x4000, $0x38;
	[tilespmem:$0x4080] =	vst v63  }
0x1d: {  	_ =	swait.ge [sflag:s4], $0x4000  }
0x1e: {  	[sflag:s4] =	ssyncset.done $0x0  }
.LBB2_2:
0x1f: {  	[sflag:s4] =	ssyncadd.s32 $0xFFFFC000  }
0x20: {  	_ =	sfence.sel $0x180000  }
0x21: {  	[bflag:$0x0] =	sbarrier.arrive $0xFFFF  }
0x22: {  	p0 =	sne.s32 s0, $0x0;
	_ =	strace $0x9000004D  }
0x23: {  	s0 =	sadd.s32 @!p0 $0x100000, s1;
	[bflag:$0x2] =	sbarrier.arrive $0xFFFF  }
0x24: {  	[sflag:s0] =	ssyncadd.tile.s32 @!p0 $0x1;
	_ =	shalt  }
.Lfunc_end2:
_tile_overlayer_lowered:
.L_overlay_start_2:
0x25: {  	(tag) =	ssettag $0x2  }
0x26: {  	s0 =	rddreg [dreg:$0x0];
	s2 =	stileid.u32  }
0x27: {  	s1 =	rddreg [dreg:$0x1];
	p0 =	sne.s32 s2, $0x0  }
0x28: {  	s3 =	rddreg [dreg:$0x2];
	[bflag:$0x3] =	sbarrier.arrive $0xFFFF;
	s2 =	simm.s32 @!p0 $0x1C02  }
0x29: {  	[timem:s3], [sflag:s2] =	dma.local @!p0 [hbm:s0], s1  }
0x2a: {  	s0 =	simm.s32 @!p0 $0x2  }
0x2b: {  	_ =	swait.ge @!p0 [sflag:s0], s1  }
0x2c: {  	s1 =	ssub.s32 @!p0 $0x0, s1;
	[sflag:s0] =	ssyncset.done @!p0 $0x0  }
0x2d: {  	[sflag:s0] =	ssyncadd.s32 @!p0 s1  }
0x2e: {  	[bflag:$0x3] =	sbarrier.arrive $0xFFFF  }
0x2f: {  	_ =	shalt  }

// kernel: kernel.27.cloned.1.call-start
scs
__scs_entry_jumppad:
0x0: {  	(pc) =	sbr.rel $0x88, $3  }
0x1: {  	(tag) =	ssettag $0x0;
	lr =	simm.s32 $0x1  }
0x2: {  	[smem:$0x3F94] =	sst lr;
	_ =	strace $0xD0000000  }
0x3: {  	_ = 	snop  }
0x4: {  	_ = 	snop  }
0x5: {  	_ = 	snop  }
0x6: {  	_ = 	snop  }
0x7: {  	_ = 	snop  }
__scs_overlays_trampoline_lowered:
0x8: {  	[smem:$0x3FA3] =	sst s0  }
0x9: {  	[smem:$0x3FA4] =	sst s1  }
0xa: {  	[smem:$0x3FA5] =	sst s2  }
0xb: {  	[smem:$0x3FA6] =	sst s3  }
0xc: {  	[smem:$0x3FA7] =	sst s4  }
0xd: {  	[smem:$0x3FA8] =	sst s5  }
0xe: {  	[smem:$0x3FA9] =	sst s6  }
0xf: {  	[smem:$0x3FAA] =	sst s7  }
0x10: {  	[smem:$0x3FAB] =	sst s8  }
0x11: {  	[smem:$0x3FAC] =	sst s9;
	s0 =	simm.s32 @!p0 $0x0  }
0x12: {  	s1 =	sld [smem:$0x3F92];
	s0 =	simm.s32 @p0 $0x1  }
0x13: {  	[smem:$0x3FAD] =	sst s0;
	s0 =	simm.s32 @!p1 $0x0  }
0x14: {  	s2 =	sld [smem:$0x3F91];
	s0 =	simm.s32 @p1 $0x1  }
0x15: {  	[smem:$0x3FAE] =	sst s0;
	s0 =	simm.s32 @!p2 $0x0  }
0x16: {  	s3 =	sld [smem:$0x3FDB];
	s0 =	simm.s32 @p2 $0x1  }
0x17: {  	s4 =	simm.s32 $0x1BF5;
	[smem:$0x3FB0] =	sst s0  }
0x18: {  	s0 =	sld [smem:$0x3F93];
	_ =	swait.ge [sflag:s4], $0x0  }
0x19: {  	s7 =	sld [smem:$0x3F94]  }
0x1a: {  	s8 =	sadd.s32 $0xFFFFE003, lr  }
0x1b: {  	s9 =	sadd.s32 $0xFFFFFEF7, lr;
	s5 =	simm.s32 $0xFFFFFFFF;
	p2 =	slt.u32 s8, $0xFFFFF086  }
0x1c: {  	p1 =	slt.u32 s9, $0xF7A;
	s5 =	simm.s32 @!p2 $0x0  }
0x1d: {  	s5 =	simm.s32 @p1 $0x1;
	p0 =	seq.s32 s7, s2  }
0x1e: {  	s7 =	smul.u32 @!p0 $0xF7A, s2;
	p2 =	seq.s32 @!p0 s5, $0x0  }
0x1f: {  	s9 =	smul.u32 $0xF7A, s1;
	s8 =	simm.s32 @!p0 $0x1BF5;
	p2 =	por !p2, p0  }
0x20: {  	[sflag:s8] =	ssyncset.s32 @!p0 $0xFFFFF086;
	s6 =	sadd.s32 @!p0 s3, s7;
	s7 =	simm.s32 @!p0 $0x108  }
0x21: {  	s3 =	sadd.s32 s3, s9;
	s6 =	sadd.s32 @!p0 $0x88, s6;
	s7 =	simm.s32 @p2 $0x1082  }
0x22: {  	[simem:s7], [sflag:s8] =	dma.local @!p0 [hbm:s6], $0xF7A  }
0x23: {  	s9 =	sor.u32 $0xD0000000, s2;
	s6 =	simm.s32 $0x108;
	_ =	swait.ge @!p0 [sflag:s8], $0x0  }
0x24: {  	s3 =	sadd.s32 $0x88, s3;
	s6 =	simm.s32 @!p1 $0x1082;
	[sflag:s4] =	ssyncset.s32 $0xFFFFF086  }
0x25: {  	[simem:s6], [sflag:s4] =	dma.local [hbm:s3], $0xF7A  }
0x26: {  	[smem:$0x3F94] =	sst s1;
	(tag) =	ssettag s2;
	_ =	strace s9  }
0x27: {  	s1 =	sld [smem:$0x3FA4]  }
0x28: {  	s2 =	sld [smem:$0x3FA5]  }
0x29: {  	s4 =	sld [smem:$0x3FA7]  }
0x2a: {  	p0 =	seq.s32 s5, $0x0;
	s5 =	sld [smem:$0x3FA8]  }
0x2b: {  	s6 =	sld [smem:$0x3FA9]  }
0x2c: {  	s7 =	sld [smem:$0x3FAA]  }
0x2d: {  	s3 =	simm.s32 $0x108;
	s8 =	sld [smem:$0x3FAB]  }
0x2e: {  	s3 =	simm.s32 @!p0 $0x1082;
	s9 =	sld [smem:$0x3FAC]  }
0x2f: {  	lr =	sadd.s32 s0, s3;
	s0 =	sld [smem:$0x3FA3]  }
0x30: {  	s3 =	sld [smem:$0x3FA6]  }
0x31: {  	[smem:$0x3FAF] =	sst s10  }
0x32: {  	s10 =	sld [smem:$0x3FAD];
	_ =	sdelay $0x3  }
0x33: {  	p0 =	seq.s32 s10, $0x1;
	s10 =	sld [smem:$0x3FAF];
	_ =	sdelay $0x3  }
0x34: {  	[smem:$0x3FAF] =	sst s10  }
0x35: {  	s10 =	sld [smem:$0x3FAE];
	_ =	sdelay $0x3  }
0x36: {  	p1 =	seq.s32 s10, $0x1;
	s10 =	sld [smem:$0x3FAF];
	_ =	sdelay $0x3  }
0x37: {  	[smem:$0x3FAF] =	sst s10  }
0x38: {  	s10 =	sld [smem:$0x3FB0]  }
0x39: {  	_ = 	snop;
	(pc) =	sbr.ind lr, $3  }
0x3a: {  	_ = 	snop  }
0x3b: {  	_ = 	snop  }
0x3c: {  	p2 =	seq.s32 s10, $0x1;
	s10 =	sld [smem:$0x3FAF]  }
0x3d: {  	_ =	shalt  }
0x3e: {  	_ =	shalt  }
0x3f: {  	_ =	shalt  }
0x40: {  	_ =	shalt  }
0x41: {  	_ =	shalt  }
0x42: {  	_ =	shalt  }
0x43: {  	_ =	shalt  }
0x44: {  	_ =	shalt  }
0x45: {  	_ =	shalt  }
0x46: {  	_ =	shalt  }
0x47: {  	_ =	shalt  }
0x48: {  	_ =	shalt  }
0x49: {  	_ =	shalt  }
0x4a: {  	_ =	shalt  }
0x4b: {  	_ =	shalt  }
0x4c: {  	_ =	shalt  }
0x4d: {  	_ =	shalt  }
0x4e: {  	_ =	shalt  }
0x4f: {  	_ =	shalt  }
0x50: {  	_ =	shalt  }
0x51: {  	_ =	shalt  }
0x52: {  	_ =	shalt  }
0x53: {  	_ =	shalt  }
0x54: {  	_ =	shalt  }
0x55: {  	_ =	shalt  }
0x56: {  	_ =	shalt  }
0x57: {  	_ =	shalt  }
0x58: {  	_ =	shalt  }
0x59: {  	_ =	shalt  }
0x5a: {  	_ =	shalt  }
0x5b: {  	_ =	shalt  }
0x5c: {  	_ =	shalt  }
0x5d: {  	_ =	shalt  }
0x5e: {  	_ =	shalt  }
0x5f: {  	_ =	shalt  }
0x60: {  	_ =	shalt  }
0x61: {  	_ =	shalt  }
0x62: {  	_ =	shalt  }
0x63: {  	_ =	shalt  }
0x64: {  	_ =	shalt  }
0x65: {  	_ =	shalt  }
0x66: {  	_ =	shalt  }
0x67: {  	_ =	shalt  }
0x68: {  	_ =	shalt  }
0x69: {  	_ =	shalt  }
0x6a: {  	_ =	shalt  }
0x6b: {  	_ =	shalt  }
0x6c: {  	_ =	shalt  }
0x6d: {  	_ =	shalt  }
0x6e: {  	_ =	shalt  }
0x6f: {  	_ =	shalt  }
0x70: {  	_ =	shalt  }
0x71: {  	_ =	shalt  }
0x72: {  	_ =	shalt  }
0x73: {  	_ =	shalt  }
0x74: {  	_ =	shalt  }
0x75: {  	_ =	shalt  }
0x76: {  	_ =	shalt  }
0x77: {  	_ =	shalt  }
0x78: {  	_ =	shalt  }
0x79: {  	_ =	shalt  }
0x7a: {  	_ =	shalt  }
0x7b: {  	_ =	shalt  }
0x7c: {  	_ =	shalt  }
0x7d: {  	_ =	shalt  }
0x7e: {  	_ =	shalt  }
0x7f: {  	_ =	shalt  }
0x80: {  	_ =	shalt  }
0x81: {  	_ =	shalt  }
0x82: {  	_ =	shalt  }
0x83: {  	_ =	shalt  }
0x84: {  	_ =	shalt  }
0x85: {  	_ =	shalt  }
0x86: {  	_ =	shalt  }
0x87: {  	_ =	shalt  }
.Lfunc_end0:
.L_simem_size_0:
called_computation.3_lowered:
.L_overlay_start_0:
0x88: {  	s2 =	sld [smem:$0x3FD9]  }
0x89: {  	s3 =	sld [smem:$0x3FFE];
	_ =	sdelay $0x1  }
0x8a: {  	s1 =	srdreg.scid  }
0x8b: {  	s0 =	sand.u32 $0x1, s1  }
0x8c: {  	s15 =	sshll.u32 s0, $0xA;
	s2 =	sadd.s32 s3, s2  }
0x8d: {  	s2 =	sadd.s32 s2, s15  }
0x8e: {  	[smem:$0x3FBB] =	sst s2  }
0x8f: {  	_ = 	snop  }
0x90: {  	s16 =	sld [smem:$0x3FD0];
	_ =	sdelay $0x2  }
0x91: {  	s4 =	simm.s32 $0xE;
	s5 =	simm.s32 $0x10;
	s2 =	sld [smem:$0x3FC8]  }
0x92: {  	[smem:s5], [sflag:s4] =	dma.local [hbm:s16], $0x1  }
0x93: {  	_ =	swait.eq [sflag:s4], $0x1  }
0x94: {  	[sflag:s4] =	ssyncset.done $0x0  }
0x95: {  	[sflag:s4] =	ssyncadd.s32 $0xFFFFFFFF  }
0x96: {  	s17 =	sld [smem:$0x10];
	(tm) =	ssettm $0x1  }
0x97: {  	s18 =	sld [smem:$0x3FFB];
	_ =	sdelay $0x3  }
0x98: {  	_ =	strace s18  }
0x99: {  	s3 =	sld [smem:$0x3FFC];
	_ =	sdelay $0x3  }
0x9a: {  	_ =	strace s3  }
0x9b: {  	s3 =	sld [smem:$0x3FFD];
	_ =	sdelay $0x3  }
0x9c: {  	_ =	strace s3  }
0x9d: {  	_ =	strace $0x8FFFFFFF  }
0x9e: {  	s19 =	sld [smem:$0x3FDB];
	_ =	sdelay $0x1  }
0x9f: {  	s20 =	simm.s32 $_scs_section_size  }
0xa0: {  	s6 =	simm.s32 $_size__tile_overlayer_lowered;
	s7 =	simm.s32 $_tile_overlayer_lowered  }
0xa1: {  	s8 =	simm.s32 $0x1BFF;
	s21 =	sshll.u32 s7, $0x1;
	s5 =	sadd.s32 s20, s19  }
0xa2: {  	s22 =	simm.s32 $0x0;
	s6 =	sshll.u32 s6, $0x1;
	s7 =	sadd.s32 s21, s5  }
0xa3: {  	[timem:s22], [sflag:s8] =	dma.local [hbm:s7], s6  }
0xa4: {  	_ =	swait.ge [sflag:s8], s6  }
0xa5: {  	s6 =	ssub.s32 $0x0, s6;
	[sflag:s8] =	ssyncset.done $0x0  }
0xa6: {  	[sflag:s8] =	ssyncadd.s32 s6;
	_ =	sdelay $0x1  }
0xa7: {  	s23 =	simm.s32 $0x1B8B  }
0xa8: {  	_ =	swait.ge [sflag:s23], $0x1  }
0xa9: {  	[sflag:s23] =	ssyncset.done $0x0  }
0xaa: {  	[sflag:s23] =	ssyncadd.s32 $0xFFFFFFFF  }
0xab: {  	s6 =	sld [smem:$0x0]  }
0xac: {  	s7 =	sand.u32 $0xFFFFFFFE, s1  }
0xad: {  	p0 =	sne.s32 s1, s7  }
0xae: {  	s7 =	sshll.u32 @p0 s7, $0xE  }
0xaf: {  	s7 =	sadd.s32 @p0 $0x11B8D, s7;
	s8 =	sshll.u32 @p0 s6, $0x11  }
0xb0: {  	s7 =	sor.u32 @p0 s8, s7  }
0xb1: {  	[sflag:s7] =	ssyncadd.remote.s32 @p0 $0x1;
	_ =	sdelay $0x1  }
0xb2: {  	s7 =	simm.s32 @p0 $0x1B8D  }
0xb3: {  	_ =	swait.eq @p0 [sflag:s7], $0x1  }
0xb4: {  	[sflag:s7] =	ssyncadd.s32 @p0 $0xFFFFFFFF  }
0xb5: {  	s8 =	sshll.u32 @!p0 s1, $0xE  }
0xb6: {  	s8 =	sor.u32 @!p0 $0x4000, s8;
	s7 =	simm.s32 @!p0 $0x1B8D  }
0xb7: {  	s6 =	sshll.u32 @!p0 s6, $0x11;
	s8 =	sadd.s32 @!p0 $0x11B8D, s8;
	_ =	swait.eq @!p0 [sflag:s7], $0x1  }
0xb8: {  	s6 =	sor.u32 @!p0 s6, s8;
	[sflag:s7] =	ssyncadd.s32 @!p0 $0xFFFFFFFF  }
0xb9: {  	s25 =	simm.s32 $0x1B8E;
	s24 =	sld [smem:$0x3FFE];
	[sflag:s6] =	ssyncadd.remote.s32 @!p0 $0x1  }
0xba: {  	s26 =	simm.s32 $execute0_lowered;
	[smem:$0x3FD2] =	sst s25  }
0xbb: {  	s7 =	sshll.u32 s26, $0x1;
	_ =	strace $0x8000004F;
	[dreg:$0x1] =	wrdreg $0xFFFFFFFF  }
0xbc: {  	s28 =	simm.s32 $_size_execute0_lowered;
	s5 =	sadd.s32 s5, s7;
	[dreg:$0x0] =	wrdreg $0x0  }
0xbd: {  	s7 =	sshll.u32 s28, $0x1;
	[dreg:$0x2] =	wrdreg s5  }
0xbe: {  	[dreg:$0x3] =	wrdreg s7  }
0xbf: {  	[dreg:$0x4] =	wrdreg $0xC0  }
0xc0: {  	_ =	task [dreg:s22], $0x5FFFF  }
0xc1: {  	[dreg:$0x1] =	wrdreg $0xFFFFFFFF  }
0xc2: {  	[dreg:$0x0] =	wrdreg $0x60  }
0xc3: {  	[dreg:$0x2] =	wrdreg s2  }
0xc4: {  	[dreg:$0x3] =	wrdreg s17  }
0xc5: {  	[dreg:$0x4] =	wrdreg s24  }
0xc6: {  	[dreg:$0x5] =	wrdreg $0xC  }
0xc7: {  	_ =	task.clear_ibuf [dreg:s22], $0x6FFFF;
	_ =	strace $0x9000004F  }
0xc8: {  	s29 =	simm.s32 $0xC;
	_ =	strace $0x80000051  }
0xc9: {  	_ =	swait.ge [sflag:s29], $0x1  }
0xca: {  	[sflag:s29] =	ssyncadd.s32 $0xFFFFFFFF  }
0xcb: {  	_ =	strace $0x90000051  }
0xcc: {  	_ =	sfence  }
0xcd: {  	s30 =	sld [smem:$0x0];
	_ =	sdelay $0x2  }
0xce: {  	s31 =	sshll.u32 s1, $0xD;
	s1 =	sshrl.u32 s1, $0x2  }
0xcf: {  	s4 =	sand.u32 $0x4000, s31;
	s1 =	sadd.s32 s1, s30  }
0xd0: {  	s0 =	sor.u32 s4, s0;
	s1 =	sshll.u32 s1, $0x11  }
0xd1: {  	s0 =	sor.u32 s1, s0  }
0xd2: {  	s0 =	sadd.s32 $0x8F2B, s0  }
0xd3: {  	[sflag:s0] =	ssyncadd.remote.s32 $0x1  }
0xd4: {  	_ =	sfence.sel $0xFFFF  }
0xd5: {  	[dreg:$0x0] =	wrdreg $0xFFFFFFFF;
	(pc) =	sbr.abs _section_cstart, $3  }
0xd6: {  	[dreg:$0x1] =	wrdreg $0xFFFFFFFF  }
0xd7: {  	_ =	task.clear_ibuf [dreg:s22], $0x2FFFF;
	_ =	strace $0x9FFFFFFF  }
0xd8: {  	(tm) =	ssettm $0x7FFFFFFF  }
0xd9: {  	_ =	shalt  }
tec
execute0_lowered:
.L_overlay_start_1:
0x0: {  	(tag) =	ssettag $0x1  }
0x1: {  	s1 =	rddreg [dreg:$0x0];
	s2 =	srdreg.scid  }
0x2: {  	s4 =	rddreg [dreg:$0x1];
	s0 =	stileid.u32  }
0x3: {  	s8 =	rddreg [dreg:$0x2];
	s3 =	simm.s32 $0x0;
	s6 =	sand.u32 $0x1, s2  }
0x4: {  	s5 =	sshll.u32 s0, $0x8;
	s2 =	rddreg [dreg:$0x3];
	s7 =	sshll.u32 s6, $0x7  }
0x5: {  	[smem:$0x7FF] =	sst s3;
	s9 =	sor.u32 s7, s5  }
0x6: {  	_ =	strace $0x80000050;
	s10 =	ssub.s32 $0x2, s6;
	s5 =	sshrl.u32 s9, $0x3  }
0x7: {  	s6 =	simm.s32 $0x80;
	s5 =	sadd.s32 s4, s5;
	s4 =	simm.s32 $0x2  }
0x8: {  	[tilespmem:s3], [sflag:$0x2] =	stream.linear.gather [hbm4b:s5+s3], $0x80, $0x38;
	[tilespmem:$0x4080] =	vst v63  }
0x9: {  	s7 =	simm.s32 $0x1;
	s11 =	sshrl.u32 s10, $0x1;
	_ =	swait.ge [sflag:s4], $0x80  }
0xa: {  	s9 =	sshll.u32 s9, $0x4;
	s31 =	ssub.s32 s10, s11;
	[sflag:s4] =	ssyncset.done $0x0  }
0xb: {  	s8 =	sadd.s32 s9, s8;
	s9 =	smax.u32 s31, $0x1;
	[sflag:s4] =	ssyncadd.s32 $0xFFFFFF80  }
0xc: {  	[tilespmem:s6], [sflag:$0x1] =	stream.indirect.gather [hbm4b:s1+s6], $0x80, s3, s6, $0xb8;
	[tilespmem:$0x4080] =	vst v63  }
0xd: {  	p0 =	sne.s32 s9, $0x1;
	_ =	swait.ge [sflag:s7], $0x4000  }
.Ltmp0:
0xe: {  	[sflag:s7] =	ssyncset.done $0x0;
	(pc) =	sbr.rel @!p0 .LBB2_2-.Ltmp0, $4  }
0xf: {  	s8 =	sadd.s32 $0x33E00, s8;
	[sflag:s7] =	ssyncadd.s32 $0xFFFFC000  }
0x10: {  	[hbm4b:s8+s3] =	stream.linear.scatter [tilespmem:s6], [sflag:$0x2], $0x4000, $0x38;
	[tilespmem:$0x4080] =	vst v63  }
0x11: {  	_ =	swait.ge [sflag:s4], $0x4000  }
0x12: {  	s9 =	sadd.s32 $0xFFFFFFFF, s9;
	[sflag:s4] =	ssyncset.done $0x0  }
.LBB2_1:
0x13: {  	p0 =	sne.s32 s9, $0x1;
	s9 =	sadd.s32 $0xFFFFFFFF, s9;
	[sflag:s4] =	ssyncadd.s32 $0xFFFFC000  }
0x14: {  	[tilespmem:s3], [sflag:$0x2] =	stream.linear.gather [hbm4b:s5+s3], $0x80, $0x38;
	[tilespmem:$0x4080] =	vst v63  }
0x15: {  	_ =	swait.ge [sflag:s4], $0x80  }
0x16: {  	[sflag:s4] =	ssyncset.done $0x0  }
0x17: {  	[sflag:s4] =	ssyncadd.s32 $0xFFFFFF80  }
0x18: {  	[tilespmem:s6], [sflag:$0x1] =	stream.indirect.gather [hbm4b:s1+s6], $0x80, s3, s6, $0xb8;
	[tilespmem:$0x4080] =	vst v63  }
0x19: {  	_ =	swait.ge [sflag:s7], $0x4000  }
.Ltmp1:
0x1a: {  	[sflag:s7] =	ssyncset.done $0x0;
	(pc) =	sbr.rel @p0 .LBB2_1-.Ltmp1, $4  }
0x1b: {  	[sflag:s7] =	ssyncadd.s32 $0xFFFFC000  }
0x1c: {  	[hbm4b:s8+s3] =	stream.linear.scatter [tilespmem:s6], [sflag:$0x2], $0x4000, $0x38;
	[tilespmem:$0x4080] =	vst v63  }
0x1d: {  	_ =	swait.ge [sflag:s4], $0x4000  }
0x1e: {  	[sflag:s4] =	ssyncset.done $0x0  }
.LBB2_2:
0x1f: {  	[sflag:s4] =	ssyncadd.s32 $0xFFFFC000  }
0x20: {  	_ =	sfence.sel $0x180000  }
0x21: {  	[bflag:$0x0] =	sbarrier.arrive $0xFFFF  }
0x22: {  	p0 =	sne.s32 s0, $0x0;
	_ =	strace $0x90000050  }
0x23: {  	s0 =	sadd.s32 @!p0 $0x100000, s2;
	[bflag:$0x2] =	sbarrier.arrive $0xFFFF  }
0x24: {  	[sflag:s0] =	ssyncadd.tile.s32 @!p0 $0x1;
	_ =	shalt  }
.Lfunc_end2:
_tile_overlayer_lowered:
.L_overlay_start_2:
0x25: {  	(tag) =	ssettag $0x2  }
0x26: {  	s0 =	rddreg [dreg:$0x0];
	s2 =	stileid.u32  }
0x27: {  	s1 =	rddreg [dreg:$0x1];
	p0 =	sne.s32 s2, $0x0  }
0x28: {  	s3 =	rddreg [dreg:$0x2];
	[bflag:$0x3] =	sbarrier.arrive $0xFFFF;
	s2 =	simm.s32 @!p0 $0x1C02  }
0x29: {  	[timem:s3], [sflag:s2] =	dma.local @!p0 [hbm:s0], s1  }
0x2a: {  	s0 =	simm.s32 @!p0 $0x2  }
0x2b: {  	_ =	swait.ge @!p0 [sflag:s0], s1  }
0x2c: {  	s1 =	ssub.s32 @!p0 $0x0, s1;
	[sflag:s0] =	ssyncset.done @!p0 $0x0  }
0x2d: {  	[sflag:s0] =	ssyncadd.s32 @!p0 s1  }
0x2e: {  	[bflag:$0x3] =	sbarrier.arrive $0xFFFF  }
0x2f: {  	_ =	shalt  }

// kernel: kernel.30.cloned.1.call-start
scs
__scs_entry_jumppad:
0x0: {  	(pc) =	sbr.rel $0x88, $3  }
0x1: {  	(tag) =	ssettag $0x0;
	lr =	simm.s32 $0x1  }
0x2: {  	[smem:$0x3F94] =	sst lr;
	_ =	strace $0xD0000000  }
0x3: {  	_ = 	snop  }
0x4: {  	_ = 	snop  }
0x5: {  	_ = 	snop  }
0x6: {  	_ = 	snop  }
0x7: {  	_ = 	snop  }
__scs_overlays_trampoline_lowered:
0x8: {  	[smem:$0x3FA3] =	sst s0  }
0x9: {  	[smem:$0x3FA4] =	sst s1  }
0xa: {  	[smem:$0x3FA5] =	sst s2  }
0xb: {  	[smem:$0x3FA6] =	sst s3  }
0xc: {  	[smem:$0x3FA7] =	sst s4  }
0xd: {  	[smem:$0x3FA8] =	sst s5  }
0xe: {  	[smem:$0x3FA9] =	sst s6  }
0xf: {  	[smem:$0x3FAA] =	sst s7  }
0x10: {  	[smem:$0x3FAB] =	sst s8  }
0x11: {  	[smem:$0x3FAC] =	sst s9;
	s0 =	simm.s32 @!p0 $0x0  }
0x12: {  	s1 =	sld [smem:$0x3F92];
	s0 =	simm.s32 @p0 $0x1  }
0x13: {  	[smem:$0x3FAD] =	sst s0;
	s0 =	simm.s32 @!p1 $0x0  }
0x14: {  	s2 =	sld [smem:$0x3F91];
	s0 =	simm.s32 @p1 $0x1  }
0x15: {  	[smem:$0x3FAE] =	sst s0;
	s0 =	simm.s32 @!p2 $0x0  }
0x16: {  	s3 =	sld [smem:$0x3FDB];
	s0 =	simm.s32 @p2 $0x1  }
0x17: {  	s4 =	simm.s32 $0x1BF5;
	[smem:$0x3FB0] =	sst s0  }
0x18: {  	s0 =	sld [smem:$0x3F93];
	_ =	swait.ge [sflag:s4], $0x0  }
0x19: {  	s7 =	sld [smem:$0x3F94]  }
0x1a: {  	s8 =	sadd.s32 $0xFFFFE003, lr  }
0x1b: {  	s9 =	sadd.s32 $0xFFFFFEF7, lr;
	s5 =	simm.s32 $0xFFFFFFFF;
	p2 =	slt.u32 s8, $0xFFFFF086  }
0x1c: {  	p1 =	slt.u32 s9, $0xF7A;
	s5 =	simm.s32 @!p2 $0x0  }
0x1d: {  	s5 =	simm.s32 @p1 $0x1;
	p0 =	seq.s32 s7, s2  }
0x1e: {  	s7 =	smul.u32 @!p0 $0xF7A, s2;
	p2 =	seq.s32 @!p0 s5, $0x0  }
0x1f: {  	s9 =	smul.u32 $0xF7A, s1;
	s8 =	simm.s32 @!p0 $0x1BF5;
	p2 =	por !p2, p0  }
0x20: {  	[sflag:s8] =	ssyncset.s32 @!p0 $0xFFFFF086;
	s6 =	sadd.s32 @!p0 s3, s7;
	s7 =	simm.s32 @!p0 $0x108  }
0x21: {  	s3 =	sadd.s32 s3, s9;
	s6 =	sadd.s32 @!p0 $0x88, s6;
	s7 =	simm.s32 @p2 $0x1082  }
0x22: {  	[simem:s7], [sflag:s8] =	dma.local @!p0 [hbm:s6], $0xF7A  }
0x23: {  	s9 =	sor.u32 $0xD0000000, s2;
	s6 =	simm.s32 $0x108;
	_ =	swait.ge @!p0 [sflag:s8], $0x0  }
0x24: {  	s3 =	sadd.s32 $0x88, s3;
	s6 =	simm.s32 @!p1 $0x1082;
	[sflag:s4] =	ssyncset.s32 $0xFFFFF086  }
0x25: {  	[simem:s6], [sflag:s4] =	dma.local [hbm:s3], $0xF7A  }
0x26: {  	[smem:$0x3F94] =	sst s1;
	(tag) =	ssettag s2;
	_ =	strace s9  }
0x27: {  	s1 =	sld [smem:$0x3FA4]  }
0x28: {  	s2 =	sld [smem:$0x3FA5]  }
0x29: {  	s4 =	sld [smem:$0x3FA7]  }
0x2a: {  	p0 =	seq.s32 s5, $0x0;
	s5 =	sld [smem:$0x3FA8]  }
0x2b: {  	s6 =	sld [smem:$0x3FA9]  }
0x2c: {  	s7 =	sld [smem:$0x3FAA]  }
0x2d: {  	s3 =	simm.s32 $0x108;
	s8 =	sld [smem:$0x3FAB]  }
0x2e: {  	s3 =	simm.s32 @!p0 $0x1082;
	s9 =	sld [smem:$0x3FAC]  }
0x2f: {  	lr =	sadd.s32 s0, s3;
	s0 =	sld [smem:$0x3FA3]  }
0x30: {  	s3 =	sld [smem:$0x3FA6]  }
0x31: {  	[smem:$0x3FAF] =	sst s10  }
0x32: {  	s10 =	sld [smem:$0x3FAD];
	_ =	sdelay $0x3  }
0x33: {  	p0 =	seq.s32 s10, $0x1;
	s10 =	sld [smem:$0x3FAF];
	_ =	sdelay $0x3  }
0x34: {  	[smem:$0x3FAF] =	sst s10  }
0x35: {  	s10 =	sld [smem:$0x3FAE];
	_ =	sdelay $0x3  }
0x36: {  	p1 =	seq.s32 s10, $0x1;
	s10 =	sld [smem:$0x3FAF];
	_ =	sdelay $0x3  }
0x37: {  	[smem:$0x3FAF] =	sst s10  }
0x38: {  	s10 =	sld [smem:$0x3FB0]  }
0x39: {  	_ = 	snop;
	(pc) =	sbr.ind lr, $3  }
0x3a: {  	_ = 	snop  }
0x3b: {  	_ = 	snop  }
0x3c: {  	p2 =	seq.s32 s10, $0x1;
	s10 =	sld [smem:$0x3FAF]  }
0x3d: {  	_ =	shalt  }
0x3e: {  	_ =	shalt  }
0x3f: {  	_ =	shalt  }
0x40: {  	_ =	shalt  }
0x41: {  	_ =	shalt  }
0x42: {  	_ =	shalt  }
0x43: {  	_ =	shalt  }
0x44: {  	_ =	shalt  }
0x45: {  	_ =	shalt  }
0x46: {  	_ =	shalt  }
0x47: {  	_ =	shalt  }
0x48: {  	_ =	shalt  }
0x49: {  	_ =	shalt  }
0x4a: {  	_ =	shalt  }
0x4b: {  	_ =	shalt  }
0x4c: {  	_ =	shalt  }
0x4d: {  	_ =	shalt  }
0x4e: {  	_ =	shalt  }
0x4f: {  	_ =	shalt  }
0x50: {  	_ =	shalt  }
0x51: {  	_ =	shalt  }
0x52: {  	_ =	shalt  }
0x53: {  	_ =	shalt  }
0x54: {  	_ =	shalt  }
0x55: {  	_ =	shalt  }
0x56: {  	_ =	shalt  }
0x57: {  	_ =	shalt  }
0x58: {  	_ =	shalt  }
0x59: {  	_ =	shalt  }
0x5a: {  	_ =	shalt  }
0x5b: {  	_ =	shalt  }
0x5c: {  	_ =	shalt  }
0x5d: {  	_ =	shalt  }
0x5e: {  	_ =	shalt  }
0x5f: {  	_ =	shalt  }
0x60: {  	_ =	shalt  }
0x61: {  	_ =	shalt  }
0x62: {  	_ =	shalt  }
0x63: {  	_ =	shalt  }
0x64: {  	_ =	shalt  }
0x65: {  	_ =	shalt  }
0x66: {  	_ =	shalt  }
0x67: {  	_ =	shalt  }
0x68: {  	_ =	shalt  }
0x69: {  	_ =	shalt  }
0x6a: {  	_ =	shalt  }
0x6b: {  	_ =	shalt  }
0x6c: {  	_ =	shalt  }
0x6d: {  	_ =	shalt  }
0x6e: {  	_ =	shalt  }
0x6f: {  	_ =	shalt  }
0x70: {  	_ =	shalt  }
0x71: {  	_ =	shalt  }
0x72: {  	_ =	shalt  }
0x73: {  	_ =	shalt  }
0x74: {  	_ =	shalt  }
0x75: {  	_ =	shalt  }
0x76: {  	_ =	shalt  }
0x77: {  	_ =	shalt  }
0x78: {  	_ =	shalt  }
0x79: {  	_ =	shalt  }
0x7a: {  	_ =	shalt  }
0x7b: {  	_ =	shalt  }
0x7c: {  	_ =	shalt  }
0x7d: {  	_ =	shalt  }
0x7e: {  	_ =	shalt  }
0x7f: {  	_ =	shalt  }
0x80: {  	_ =	shalt  }
0x81: {  	_ =	shalt  }
0x82: {  	_ =	shalt  }
0x83: {  	_ =	shalt  }
0x84: {  	_ =	shalt  }
0x85: {  	_ =	shalt  }
0x86: {  	_ =	shalt  }
0x87: {  	_ =	shalt  }
.Lfunc_end0:
.L_simem_size_0:
called_computation.4_lowered:
.L_overlay_start_0:
0x88: {  	s2 =	sld [smem:$0x3FD9]  }
0x89: {  	s3 =	sld [smem:$0x3FFE];
	_ =	sdelay $0x1  }
0x8a: {  	s1 =	srdreg.scid  }
0x8b: {  	s0 =	sand.u32 $0x1, s1  }
0x8c: {  	s17 =	sshll.u32 s0, $0xA;
	s2 =	sadd.s32 s3, s2  }
0x8d: {  	s2 =	sadd.s32 s2, s17  }
0x8e: {  	[smem:$0x3FBB] =	sst s2  }
0x8f: {  	_ = 	snop  }
0x90: {  	s18 =	sld [smem:$0x3FC8];
	(tm) =	ssettm $0x1  }
0x91: {  	s19 =	sld [smem:$0x3FFB];
	_ =	sdelay $0x3  }
0x92: {  	_ =	strace s19  }
0x93: {  	s2 =	sld [smem:$0x3FFC];
	_ =	sdelay $0x3  }
0x94: {  	_ =	strace s2  }
0x95: {  	s2 =	sld [smem:$0x3FFD];
	_ =	sdelay $0x3  }
0x96: {  	_ =	strace s2  }
0x97: {  	_ =	strace $0x8FFFFFFF  }
0x98: {  	s20 =	sld [smem:$0x3FDB];
	_ =	sdelay $0x1  }
0x99: {  	s4 =	simm.s32 $_scs_section_size  }
0x9a: {  	s5 =	simm.s32 $_size__tile_overlayer_lowered;
	s6 =	simm.s32 $_tile_overlayer_lowered  }
0x9b: {  	s7 =	simm.s32 $0x1BFF;
	s21 =	sshll.u32 s6, $0x1;
	s4 =	sadd.s32 s4, s20  }
0x9c: {  	s22 =	simm.s32 $0x0;
	s5 =	sshll.u32 s5, $0x1;
	s6 =	sadd.s32 s21, s4  }
0x9d: {  	[timem:s22], [sflag:s7] =	dma.local [hbm:s6], s5  }
0x9e: {  	_ =	swait.ge [sflag:s7], s5  }
0x9f: {  	s5 =	ssub.s32 $0x0, s5;
	[sflag:s7] =	ssyncset.done $0x0  }
0xa0: {  	[sflag:s7] =	ssyncadd.s32 s5;
	_ =	sdelay $0x1  }
0xa1: {  	s23 =	simm.s32 $0x1B8B  }
0xa2: {  	_ =	swait.ge [sflag:s23], $0x1  }
0xa3: {  	[sflag:s23] =	ssyncset.done $0x0  }
0xa4: {  	[sflag:s23] =	ssyncadd.s32 $0xFFFFFFFF  }
0xa5: {  	s5 =	sld [smem:$0x0]  }
0xa6: {  	s6 =	sand.u32 $0xFFFFFFFE, s1  }
0xa7: {  	p0 =	sne.s32 s1, s6  }
0xa8: {  	s6 =	sshll.u32 @p0 s6, $0xE  }
0xa9: {  	s6 =	sadd.s32 @p0 $0x11B8D, s6;
	s7 =	sshll.u32 @p0 s5, $0x11  }
0xaa: {  	s6 =	sor.u32 @p0 s7, s6  }
0xab: {  	[sflag:s6] =	ssyncadd.remote.s32 @p0 $0x1;
	_ =	sdelay $0x1  }
0xac: {  	s6 =	simm.s32 @p0 $0x1B8D  }
0xad: {  	_ =	swait.eq @p0 [sflag:s6], $0x1  }
0xae: {  	[sflag:s6] =	ssyncadd.s32 @p0 $0xFFFFFFFF  }
0xaf: {  	s7 =	sshll.u32 @!p0 s1, $0xE  }
0xb0: {  	s7 =	sor.u32 @!p0 $0x4000, s7;
	s6 =	simm.s32 @!p0 $0x1B8D  }
0xb1: {  	s5 =	sshll.u32 @!p0 s5, $0x11;
	s7 =	sadd.s32 @!p0 $0x11B8D, s7;
	_ =	swait.eq @!p0 [sflag:s6], $0x1  }
0xb2: {  	s5 =	sor.u32 @!p0 s5, s7;
	[sflag:s6] =	ssyncadd.s32 @!p0 $0xFFFFFFFF  }
0xb3: {  	s25 =	simm.s32 $0x1B8E;
	s24 =	sld [smem:$0x3FFE];
	[sflag:s5] =	ssyncadd.remote.s32 @!p0 $0x1  }
0xb4: {  	s26 =	simm.s32 $execute0_lowered;
	[smem:$0x3FD2] =	sst s25  }
0xb5: {  	s6 =	sshll.u32 s26, $0x1;
	_ =	strace $0x80000052;
	[dreg:$0x1] =	wrdreg $0xFFFFFFFF  }
0xb6: {  	s28 =	simm.s32 $_size_execute0_lowered;
	s4 =	sadd.s32 s4, s6;
	[dreg:$0x0] =	wrdreg $0x0  }
0xb7: {  	s6 =	sshll.u32 s28, $0x1;
	[dreg:$0x2] =	wrdreg s4  }
0xb8: {  	[dreg:$0x3] =	wrdreg s6  }
0xb9: {  	[dreg:$0x4] =	wrdreg $0xC0  }
0xba: {  	_ =	task [dreg:s22], $0x5FFFF  }
0xbb: {  	[dreg:$0x1] =	wrdreg $0xFFFFFFFF  }
0xbc: {  	[dreg:$0x0] =	wrdreg $0x60  }
0xbd: {  	[dreg:$0x2] =	wrdreg s18  }
0xbe: {  	[dreg:$0x3] =	wrdreg s24  }
0xbf: {  	[dreg:$0x4] =	wrdreg $0xD  }
0xc0: {  	_ =	task.clear_ibuf [dreg:s22], $0x5FFFF;
	_ =	strace $0x90000052  }
0xc1: {  	s29 =	simm.s32 $0xD;
	_ =	strace $0x80000054  }
0xc2: {  	_ =	swait.ge [sflag:s29], $0x1  }
0xc3: {  	[sflag:s29] =	ssyncadd.s32 $0xFFFFFFFF  }
0xc4: {  	_ =	strace $0x90000054  }
0xc5: {  	_ =	sfence  }
0xc6: {  	s30 =	sld [smem:$0x0];
	_ =	sdelay $0x2  }
0xc7: {  	s31 =	sshll.u32 s1, $0xD;
	s1 =	sshrl.u32 s1, $0x2  }
0xc8: {  	s4 =	sand.u32 $0x4000, s31;
	s1 =	sadd.s32 s1, s30  }
0xc9: {  	s0 =	sor.u32 s4, s0;
	s1 =	sshll.u32 s1, $0x11  }
0xca: {  	s0 =	sor.u32 s1, s0  }
0xcb: {  	s0 =	sadd.s32 $0x8F2B, s0  }
0xcc: {  	[sflag:s0] =	ssyncadd.remote.s32 $0x1  }
0xcd: {  	_ =	sfence.sel $0xFFFF  }
0xce: {  	[dreg:$0x0] =	wrdreg $0xFFFFFFFF;
	(pc) =	sbr.abs _section_cstart, $3  }
0xcf: {  	[dreg:$0x1] =	wrdreg $0xFFFFFFFF  }
0xd0: {  	_ =	task.clear_ibuf [dreg:s22], $0x2FFFF;
	_ =	strace $0x9FFFFFFF  }
0xd1: {  	(tm) =	ssettm $0x7FFFFFFF  }
tec
execute0_lowered:
.L_overlay_start_1:
0x0: {  	(tag) =	ssettag $0x1  }
0x1: {  	s1 =	srdreg.scid  }
0x2: {  	s0 =	stileid.u32;
	s6 =	sand.u32 $0x1, s1  }
0x3: {  	s2 =	rddreg [dreg:$0x0];
	s30 =	sshll.u32 s0, $0x8;
	s3 =	sshll.u32 s6, $0x7  }
0x4: {  	s8 =	rddreg [dreg:$0x1];
	s7 =	simm.s32 $0x1;
	s9 =	sor.u32 s3, s30  }
0x5: {  	s1 =	rddreg [dreg:$0x2];
	s3 =	simm.s32 $0x0;
	s4 =	sshrl.u32 s9, $0x3  }
0x6: {  	s10 =	ssub.s32 $0x2, s6;
	[smem:$0x7FF] =	sst s3;
	s4 =	sadd.s32 s4, s8  }
0x7: {  	_ =	strace $0x80000053;
	s5 =	sadd.s32 $0x43E00, s4;
	s4 =	simm.s32 $0x2  }
0x8: {  	[tilespmem:s3], [sflag:$0x2] =	stream.linear.gather [hbm4b:s5+s3], $0x80, $0x38;
	[tilespmem:$0x4080] =	vst v63  }
0x9: {  	s6 =	simm.s32 $0x80;
	s11 =	sshrl.u32 s10, $0x1;
	_ =	swait.ge [sflag:s4], $0x80  }
0xa: {  	s9 =	sshll.u32 s9, $0x4;
	s31 =	ssub.s32 s10, s11;
	[sflag:s4] =	ssyncset.done $0x0  }
0xb: {  	s8 =	sadd.s32 s9, s8;
	s9 =	smax.u32 s31, $0x1;
	[sflag:s4] =	ssyncadd.s32 $0xFFFFFF80  }
0xc: {  	[tilespmem:s6], [sflag:$0x1] =	stream.indirect.gather [hbm4b:s2+s6], $0x80, s3, s6, $0xb8;
	[tilespmem:$0x4080] =	vst v63  }
0xd: {  	p0 =	sne.s32 s9, $0x1;
	_ =	swait.ge [sflag:s7], $0x4000  }
.Ltmp0:
0xe: {  	[sflag:s7] =	ssyncset.done $0x0;
	(pc) =	sbr.rel @!p0 .LBB2_2-.Ltmp0, $4  }
0xf: {  	s8 =	sadd.s32 $0x44000, s8;
	[sflag:s7] =	ssyncadd.s32 $0xFFFFC000  }
0x10: {  	[hbm4b:s8+s3] =	stream.linear.scatter [tilespmem:s6], [sflag:$0x2], $0x4000, $0x38;
	[tilespmem:$0x4080] =	vst v63  }
0x11: {  	_ =	swait.ge [sflag:s4], $0x4000  }
0x12: {  	s9 =	sadd.s32 $0xFFFFFFFF, s9;
	[sflag:s4] =	ssyncset.done $0x0  }
.LBB2_1:
0x13: {  	p0 =	sne.s32 s9, $0x1;
	s9 =	sadd.s32 $0xFFFFFFFF, s9;
	[sflag:s4] =	ssyncadd.s32 $0xFFFFC000  }
0x14: {  	[tilespmem:s3], [sflag:$0x2] =	stream.linear.gather [hbm4b:s5+s3], $0x80, $0x38;
	[tilespmem:$0x4080] =	vst v63  }
0x15: {  	_ =	swait.ge [sflag:s4], $0x80  }
0x16: {  	[sflag:s4] =	ssyncset.done $0x0  }
0x17: {  	[sflag:s4] =	ssyncadd.s32 $0xFFFFFF80  }
0x18: {  	[tilespmem:s6], [sflag:$0x1] =	stream.indirect.gather [hbm4b:s2+s6], $0x80, s3, s6, $0xb8;
	[tilespmem:$0x4080] =	vst v63  }
0x19: {  	_ =	swait.ge [sflag:s7], $0x4000  }
.Ltmp1:
0x1a: {  	[sflag:s7] =	ssyncset.done $0x0;
	(pc) =	sbr.rel @p0 .LBB2_1-.Ltmp1, $4  }
0x1b: {  	[sflag:s7] =	ssyncadd.s32 $0xFFFFC000  }
0x1c: {  	[hbm4b:s8+s3] =	stream.linear.scatter [tilespmem:s6], [sflag:$0x2], $0x4000, $0x38;
	[tilespmem:$0x4080] =	vst v63  }
0x1d: {  	_ =	swait.ge [sflag:s4], $0x4000  }
0x1e: {  	[sflag:s4] =	ssyncset.done $0x0  }
.LBB2_2:
0x1f: {  	[sflag:s4] =	ssyncadd.s32 $0xFFFFC000  }
0x20: {  	_ =	sfence.sel $0x180000  }
0x21: {  	[bflag:$0x0] =	sbarrier.arrive $0xFFFF  }
0x22: {  	p0 =	sne.s32 s0, $0x0;
	_ =	strace $0x90000053  }
0x23: {  	s0 =	sadd.s32 @!p0 $0x100000, s1;
	[bflag:$0x2] =	sbarrier.arrive $0xFFFF  }
0x24: {  	[sflag:s0] =	ssyncadd.tile.s32 @!p0 $0x1;
	_ =	shalt  }
.Lfunc_end2:
_tile_overlayer_lowered:
.L_overlay_start_2:
0x25: {  	(tag) =	ssettag $0x2  }
0x26: {  	s0 =	rddreg [dreg:$0x0];
	s2 =	stileid.u32  }
0x27: {  	s1 =	rddreg [dreg:$0x1];
	p0 =	sne.s32 s2, $0x0  }
0x28: {  	s3 =	rddreg [dreg:$0x2];
	[bflag:$0x3] =	sbarrier.arrive $0xFFFF;
	s2 =	simm.s32 @!p0 $0x1C02  }
0x29: {  	[timem:s3], [sflag:s2] =	dma.local @!p0 [hbm:s0], s1  }
0x2a: {  	s0 =	simm.s32 @!p0 $0x2  }
0x2b: {  	_ =	swait.ge @!p0 [sflag:s0], s1  }
0x2c: {  	s1 =	ssub.s32 @!p0 $0x0, s1;
	[sflag:s0] =	ssyncset.done @!p0 $0x0  }
0x2d: {  	[sflag:s0] =	ssyncadd.s32 @!p0 s1  }
0x2e: {  	[bflag:$0x3] =	sbarrier.arrive $0xFFFF  }
0x2f: {  	_ =	shalt  }

</sc_bundles>
